<compile_context>
chip_gen: v7x
topology: tpu7x:2x2x1
jax: 0.10.2.dev20260603
libtpu: 0.0.44.dev20260713+nightly
codegen_flags: <defaults>
</compile_context>

<pallas_src>
import functools
import jax
import jax.numpy as jnp
from jax import lax
from jax.experimental import pallas as pl
from jax.experimental.pallas import tpu as pltpu
from jax.experimental.pallas import tpu_sc as plsc

DEPTH = 32
B = 4
H = 512
W = 512
ROWS = B * H
NW = 32
RPW = ROWS // NW
RB = 2
SR = RPW // RB
NLANES = 16
NCHUNK = W // NLANES


def _sc_body(x_hbm, out_hbm,
             xr0, xr1, xr2, xr3, ob0, ob1,
             xs0, xs1, xs2, xs3, os0, os1):
    xrs = (xr0, xr1, xr2, xr3)
    xss = (xs0, xs1, xs2, xs3)
    obs = (ob0, ob1)
    oss = (os0, os1)
    wid = lax.axis_index("s") * 2 + lax.axis_index("c")
    lanes = lax.iota(jnp.int32, NLANES)
    ones_v = jnp.full((NLANES,), 1.0, jnp.float32)
    zeros_v = jnp.zeros((NLANES,), jnp.float32)

    def row0_of(s):
        return wid * RPW + RB * s

    def start_x(s, slot):
        r0 = row0_of(s)
        pltpu.async_copy(x_hbm.at[pl.ds(r0, RB), :], xrs[slot], xss[slot])

    def wait_x(s, slot):
        r0 = row0_of(s)
        pltpu.make_async_copy(
            x_hbm.at[pl.ds(r0, RB), :], xrs[slot], xss[slot]).wait()

    def out_slice(s):
        r0 = row0_of(s)
        return out_hbm.at[r0 // H, :, pl.ds(r0 % H, RB), :]

    def start_out(s, k):
        pltpu.async_copy(obs[k], out_slice(s), oss[k])

    def wait_out(s, k):
        pltpu.make_async_copy(obs[k], out_slice(s), oss[k]).wait()

    def scatter(k, slot, val):
        ob = obs[k]
        xr = xrs[slot]
        rows = [jnp.full((NLANES,), tr, jnp.int32) for tr in range(RB)]

        def body(c, _):
            col = c * NLANES + lanes
            for tr in range(RB):
                xv = xr[tr, pl.ds(c * NLANES, NLANES)]
                plsc.store_scatter(ob, [xv, rows[tr], col], val)
            return 0
        lax.fori_loop(0, NCHUNK, body, 0, unroll=4)

    def zero_init(ob):
        def per_d(d, _):
            def per_c(c, _):
                for tr in range(RB):
                    ob[d, tr, pl.ds(c * NLANES, NLANES)] = zeros_v
                return 0
            return lax.fori_loop(0, NCHUNK, per_c, 0, unroll=4)
        lax.fori_loop(0, DEPTH, per_d, 0)

    zero_init(ob0)
    zero_init(ob1)
    start_x(0, 0)
    start_x(1, 1)
    start_x(2, 2)
    wait_x(0, 0)
    scatter(0, 0, ones_v)
    start_out(0, 0)
    start_x(3, 3)
    wait_x(1, 1)
    scatter(1, 1, ones_v)
    start_out(1, 1)

    def steady(j, _):
        for t in range(4):
            s = 4 * j + 2 + t
            k = t % 2
            x4 = (2 + t) % 4
            xz = t
            wait_out(s - 2, k)
            scatter(k, xz, zeros_v)
            start_x(s + 2, xz)
            wait_x(s, x4)
            scatter(k, x4, ones_v)
            start_out(s, k)
        return 0
    lax.fori_loop(0, (SR - 4) // 4, steady, 0)

    for s, k, x4, xz in ((SR - 2, 0, 2, 0), (SR - 1, 1, 3, 1)):
        wait_out(s - 2, k)
        scatter(k, xz, zeros_v)
        wait_x(s, x4)
        scatter(k, x4, ones_v)
        start_out(s, k)
    wait_out(SR - 2, 0)
    wait_out(SR - 1, 1)


def kernel(rank, X_in, ones):
    x = X_in.reshape(ROWS, W)
    run = functools.partial(
        pl.kernel,
        out_type=jax.ShapeDtypeStruct((B, DEPTH, H, W), jnp.float32),
        mesh=plsc.VectorSubcoreMesh(core_axis_name="c", subcore_axis_name="s"),
        scratch_types=[
            pltpu.VMEM((RB, W), jnp.int32),
            pltpu.VMEM((RB, W), jnp.int32),
            pltpu.VMEM((RB, W), jnp.int32),
            pltpu.VMEM((RB, W), jnp.int32),
            pltpu.VMEM((DEPTH, RB, W), jnp.float32),
            pltpu.VMEM((DEPTH, RB, W), jnp.float32),
            pltpu.SemaphoreType.DMA,
            pltpu.SemaphoreType.DMA,
            pltpu.SemaphoreType.DMA,
            pltpu.SemaphoreType.DMA,
            pltpu.SemaphoreType.DMA,
            pltpu.SemaphoreType.DMA,
        ],
        compiler_params=pltpu.CompilerParams(
            use_tc_tiling_on_sc=False, needs_layout_passes=False
        ),
    )(_sc_body)
    return run(x)

# --- scband reference (transcript-rebuilt; emitter-appended) ---
"""Pipeline reference for scband-one-hot-31172872634733 (READ-ONLY COPY).

The authoritative reference and input builder live on the scoring server;
editing this copy changes nothing except your own understanding.
"""

import jax, jax.numpy as jnp
import numpy as np

DEPTH = 32

def setup_inputs(seed: int = 0) -> dict:
    key = jax.random.key(seed)
    X_in = jax.random.randint(key, (4, 1, 512, 512), 0, DEPTH, dtype=jnp.int32)
    # 'learned' table: the module builds torch.eye(depth) in forward; materialize it here
    ones = jnp.eye(DEPTH, dtype=jnp.float32)
    # rank is the torch device id used in .to(rank); it does not affect math -> plain int
    return {"rank": 0, "X_in": X_in, "ones": ones}

def reference(rank, X_in, ones):
    n_dim = X_in.ndim
    num_element = X_in.size
    flat = X_in.reshape(num_element).astype(jnp.int32)
    out = jnp.take(ones, flat, axis=0)  # gather rows of identity -> one-hot
    out = out.reshape(tuple(X_in.shape) + (DEPTH,))
    perm = (0, n_dim) + tuple(range(1, n_dim))  # permute(0, -1, *range(1, n_dim))
    out = jnp.transpose(out, perm)
    out = jnp.squeeze(out, axis=2)  # squeeze(dim=2): the original channel dim of size 1
    return out.astype(jnp.float32)

if __name__ == "__main__":
    import jax
    _d = setup_inputs()
    print(jax.jit(kernel)(*tuple(_d.values())))

</pallas_src>

<mosaic_0001>
#map = affine_map<(d0, d1) -> (0, 0)>
#map1 = affine_map<(d0, d1) -> (0, 0, 0, 0)>
module attributes {stable_mosaic.version = 14 : i64} {
  func.func @_sc_body(%arg0: i32, %arg1: i32, %arg2: memref<2048x512xi32, #tpu.memory_space<hbm>>, %arg3: memref<4x32x512x512xf32, #tpu.memory_space<hbm>>, %arg4: memref<2x512xi32, #tpu.memory_space<vmem>>, %arg5: memref<2x512xi32, #tpu.memory_space<vmem>>, %arg6: memref<2x512xi32, #tpu.memory_space<vmem>>, %arg7: memref<2x512xi32, #tpu.memory_space<vmem>>, %arg8: memref<32x2x512xf32, #tpu.memory_space<vmem>>, %arg9: memref<32x2x512xf32, #tpu.memory_space<vmem>>, %arg10: memref<!tpu.dma_semaphore, #tpu.memory_space<semaphore_mem>>, %arg11: memref<!tpu.dma_semaphore, #tpu.memory_space<semaphore_mem>>, %arg12: memref<!tpu.dma_semaphore, #tpu.memory_space<semaphore_mem>>, %arg13: memref<!tpu.dma_semaphore, #tpu.memory_space<semaphore_mem>>, %arg14: memref<!tpu.dma_semaphore, #tpu.memory_space<semaphore_mem>>, %arg15: memref<!tpu.dma_semaphore, #tpu.memory_space<semaphore_mem>>) attributes {dimension_semantics = [#tpu.dimension_semantics<core_parallel>, #tpu.dimension_semantics<subcore_parallel>], iteration_bounds = array<i64: 2, 16>, scalar_prefetch = 0 : i64, scratch_operands = 12 : i64, tpu.core_type = #tpu.core_type<sc_vector_subcore>, window_params = [{transform_indices = #map}, {transform_indices = #map1}]} {
    %mul3A = arith.constant 2 : i32
    %mul3A_0 = arith.muli %arg1, %mul3A : i32
    %add3A = arith.addi %mul3A_0, %arg0 : i32
    %iota3A = tpu.iota {dimensions = array<i32: 0>} : vector<16xi32>
    %broadcast_in_dim3A = arith.constant 1.000000e+00 : f32
    %broadcast_in_dim3A_1 = vector.broadcast %broadcast_in_dim3A : f32 to vector<16xf32>
    %broadcast_in_dim3A_2 = arith.constant 0.000000e+00 : f32
    %broadcast_in_dim3A_3 = vector.broadcast %broadcast_in_dim3A_2 : f32 to vector<16xf32>
    %scan3A = arith.constant 0 : i32
    %scan3A_4 = arith.constant 0 : i32
    %scan3A_5 = arith.constant 32 : i32
    %scan3A_6 = arith.addi %scan3A_4, %scan3A_5 : i32
    %scan3A_7 = arith.constant 1 : i32
    %scan3A_8 = scf.for %scan3A_558 = %scan3A_4 to %scan3A_6 step %scan3A_7 iter_args(%scan3A_559 = %scan3A) -> (i32)  : i32 {
      %scan3A_560 = arith.constant 0 : i32
      %scan3A_561 = arith.constant 0 : i32
      %scan3A_562 = arith.constant 32 : i32
      %scan3A_563 = arith.addi %scan3A_561, %scan3A_562 : i32
      %scan3A_564 = arith.constant 4 : i32
      %scan3A_565 = scf.for %scan3A_567 = %scan3A_561 to %scan3A_563 step %scan3A_564 iter_args(%scan3A_568 = %scan3A_560) -> (i32)  : i32 {
        %mul3A_569 = arith.constant 16 : i32
        %mul3A_570 = arith.muli %scan3A_567, %mul3A_569 : i32
        %swap3A = arith.constant 0 : i32
        %swap3A_571 = arith.index_cast %scan3A_558 : i32 to index
        %swap3A_572 = arith.index_cast %swap3A : i32 to index
        %swap3A_573 = arith.index_cast %mul3A_570 : i32 to index
        %swap3A_574 = tpu.vector_load %arg8[%swap3A_571, %swap3A_572, %swap3A_573] {strides = array<i32>} : memref<32x2x512xf32, #tpu.memory_space<vmem>>, vector<16xf32>,
        tpu.vector_store %arg8[%swap3A_571, %swap3A_572, %swap3A_573], %broadcast_in_dim3A_3 {strides = array<i32>} : memref<32x2x512xf32, #tpu.memory_space<vmem>>, vector<16xf32>,
        %mul3A_575 = arith.constant 16 : i32
        %mul3A_576 = arith.muli %scan3A_567, %mul3A_575 : i32
        %swap3A_577 = arith.constant 1 : i32
        %swap3A_578 = arith.index_cast %scan3A_558 : i32 to index
        %swap3A_579 = arith.index_cast %swap3A_577 : i32 to index
        %swap3A_580 = arith.index_cast %mul3A_576 : i32 to index
        %swap3A_581 = tpu.vector_load %arg8[%swap3A_578, %swap3A_579, %swap3A_580] {strides = array<i32>} : memref<32x2x512xf32, #tpu.memory_space<vmem>>, vector<16xf32>,
        tpu.vector_store %arg8[%swap3A_578, %swap3A_579, %swap3A_580], %broadcast_in_dim3A_3 {strides = array<i32>} : memref<32x2x512xf32, #tpu.memory_space<vmem>>, vector<16xf32>,
        %scan3A_582 = arith.constant 0 : i32
        %scan3A_583 = arith.constant 1 : i32
        %scan3A_584 = arith.addi %scan3A_567, %scan3A_583 : i32
        %mul3A_585 = arith.constant 16 : i32
        %mul3A_586 = arith.muli %scan3A_584, %mul3A_585 : i32
        %swap3A_587 = arith.constant 0 : i32
        %swap3A_588 = arith.index_cast %scan3A_558 : i32 to index
        %swap3A_589 = arith.index_cast %swap3A_587 : i32 to index
        %swap3A_590 = arith.index_cast %mul3A_586 : i32 to index
        %swap3A_591 = tpu.vector_load %arg8[%swap3A_588, %swap3A_589, %swap3A_590] {strides = array<i32>} : memref<32x2x512xf32, #tpu.memory_space<vmem>>, vector<16xf32>,
        tpu.vector_store %arg8[%swap3A_588, %swap3A_589, %swap3A_590], %broadcast_in_dim3A_3 {strides = array<i32>} : memref<32x2x512xf32, #tpu.memory_space<vmem>>, vector<16xf32>,
        %mul3A_592 = arith.constant 16 : i32
        %mul3A_593 = arith.muli %scan3A_584, %mul3A_592 : i32
        %swap3A_594 = arith.constant 1 : i32
        %swap3A_595 = arith.index_cast %scan3A_558 : i32 to index
        %swap3A_596 = arith.index_cast %swap3A_594 : i32 to index
        %swap3A_597 = arith.index_cast %mul3A_593 : i32 to index
        %swap3A_598 = tpu.vector_load %arg8[%swap3A_595, %swap3A_596, %swap3A_597] {strides = array<i32>} : memref<32x2x512xf32, #tpu.memory_space<vmem>>, vector<16xf32>,
        tpu.vector_store %arg8[%swap3A_595, %swap3A_596, %swap3A_597], %broadcast_in_dim3A_3 {strides = array<i32>} : memref<32x2x512xf32, #tpu.memory_space<vmem>>, vector<16xf32>,
        %scan3A_599 = arith.constant 0 : i32
        %scan3A_600 = arith.constant 2 : i32
        %scan3A_601 = arith.addi %scan3A_567, %scan3A_600 : i32
        %mul3A_602 = arith.constant 16 : i32
        %mul3A_603 = arith.muli %scan3A_601, %mul3A_602 : i32
        %swap3A_604 = arith.constant 0 : i32
        %swap3A_605 = arith.index_cast %scan3A_558 : i32 to index
        %swap3A_606 = arith.index_cast %swap3A_604 : i32 to index
        %swap3A_607 = arith.index_cast %mul3A_603 : i32 to index
        %swap3A_608 = tpu.vector_load %arg8[%swap3A_605, %swap3A_606, %swap3A_607] {strides = array<i32>} : memref<32x2x512xf32, #tpu.memory_space<vmem>>, vector<16xf32>,
        tpu.vector_store %arg8[%swap3A_605, %swap3A_606, %swap3A_607], %broadcast_in_dim3A_3 {strides = array<i32>} : memref<32x2x512xf32, #tpu.memory_space<vmem>>, vector<16xf32>,
        %mul3A_609 = arith.constant 16 : i32
        %mul3A_610 = arith.muli %scan3A_601, %mul3A_609 : i32
        %swap3A_611 = arith.constant 1 : i32
        %swap3A_612 = arith.index_cast %scan3A_558 : i32 to index
        %swap3A_613 = arith.index_cast %swap3A_611 : i32 to index
        %swap3A_614 = arith.index_cast %mul3A_610 : i32 to index
        %swap3A_615 = tpu.vector_load %arg8[%swap3A_612, %swap3A_613, %swap3A_614] {strides = array<i32>} : memref<32x2x512xf32, #tpu.memory_space<vmem>>, vector<16xf32>,
        tpu.vector_store %arg8[%swap3A_612, %swap3A_613, %swap3A_614], %broadcast_in_dim3A_3 {strides = array<i32>} : memref<32x2x512xf32, #tpu.memory_space<vmem>>, vector<16xf32>,
        %scan3A_616 = arith.constant 0 : i32
        %scan3A_617 = arith.constant 3 : i32
        %scan3A_618 = arith.addi %scan3A_567, %scan3A_617 : i32
        %mul3A_619 = arith.constant 16 : i32
        %mul3A_620 = arith.muli %scan3A_618, %mul3A_619 : i32
        %swap3A_621 = arith.constant 0 : i32
        %swap3A_622 = arith.index_cast %scan3A_558 : i32 to index
        %swap3A_623 = arith.index_cast %swap3A_621 : i32 to index
        %swap3A_624 = arith.index_cast %mul3A_620 : i32 to index
        %swap3A_625 = tpu.vector_load %arg8[%swap3A_622, %swap3A_623, %swap3A_624] {strides = array<i32>} : memref<32x2x512xf32, #tpu.memory_space<vmem>>, vector<16xf32>,
        tpu.vector_store %arg8[%swap3A_622, %swap3A_623, %swap3A_624], %broadcast_in_dim3A_3 {strides = array<i32>} : memref<32x2x512xf32, #tpu.memory_space<vmem>>, vector<16xf32>,
        %mul3A_626 = arith.constant 16 : i32
        %mul3A_627 = arith.muli %scan3A_618, %mul3A_626 : i32
        %swap3A_628 = arith.constant 1 : i32
        %swap3A_629 = arith.index_cast %scan3A_558 : i32 to index
        %swap3A_630 = arith.index_cast %swap3A_628 : i32 to index
        %swap3A_631 = arith.index_cast %mul3A_627 : i32 to index
        %swap3A_632 = tpu.vector_load %arg8[%swap3A_629, %swap3A_630, %swap3A_631] {strides = array<i32>} : memref<32x2x512xf32, #tpu.memory_space<vmem>>, vector<16xf32>,
        tpu.vector_store %arg8[%swap3A_629, %swap3A_630, %swap3A_631], %broadcast_in_dim3A_3 {strides = array<i32>} : memref<32x2x512xf32, #tpu.memory_space<vmem>>, vector<16xf32>,
        %scan3A_633 = arith.constant 0 : i32
        scf.yield %scan3A_633 : i32
      }
      %scan3A_566 = arith.constant 32 : i32
      scf.yield %scan3A_565 : i32
    }
    %scan3A_9 = arith.constant 32 : i32
    %scan3A_10 = arith.constant 0 : i32
    %scan3A_11 = arith.constant 0 : i32
    %scan3A_12 = arith.constant 32 : i32
    %scan3A_13 = arith.addi %scan3A_11, %scan3A_12 : i32
    %scan3A_14 = arith.constant 1 : i32
    %scan3A_15 = scf.for %scan3A_558 = %scan3A_11 to %scan3A_13 step %scan3A_14 iter_args(%scan3A_559 = %scan3A_10) -> (i32)  : i32 {
      %scan3A_560 = arith.constant 0 : i32
      %scan3A_561 = arith.constant 0 : i32
      %scan3A_562 = arith.constant 32 : i32
      %scan3A_563 = arith.addi %scan3A_561, %scan3A_562 : i32
      %scan3A_564 = arith.constant 4 : i32
      %scan3A_565 = scf.for %scan3A_567 = %scan3A_561 to %scan3A_563 step %scan3A_564 iter_args(%scan3A_568 = %scan3A_560) -> (i32)  : i32 {
        %mul3A_569 = arith.constant 16 : i32
        %mul3A_570 = arith.muli %scan3A_567, %mul3A_569 : i32
        %swap3A = arith.constant 0 : i32
        %swap3A_571 = arith.index_cast %scan3A_558 : i32 to index
        %swap3A_572 = arith.index_cast %swap3A : i32 to index
        %swap3A_573 = arith.index_cast %mul3A_570 : i32 to index
        %swap3A_574 = tpu.vector_load %arg9[%swap3A_571, %swap3A_572, %swap3A_573] {strides = array<i32>} : memref<32x2x512xf32, #tpu.memory_space<vmem>>, vector<16xf32>,
        tpu.vector_store %arg9[%swap3A_571, %swap3A_572, %swap3A_573], %broadcast_in_dim3A_3 {strides = array<i32>} : memref<32x2x512xf32, #tpu.memory_space<vmem>>, vector<16xf32>,
        %mul3A_575 = arith.constant 16 : i32
        %mul3A_576 = arith.muli %scan3A_567, %mul3A_575 : i32
        %swap3A_577 = arith.constant 1 : i32
        %swap3A_578 = arith.index_cast %scan3A_558 : i32 to index
        %swap3A_579 = arith.index_cast %swap3A_577 : i32 to index
        %swap3A_580 = arith.index_cast %mul3A_576 : i32 to index
        %swap3A_581 = tpu.vector_load %arg9[%swap3A_578, %swap3A_579, %swap3A_580] {strides = array<i32>} : memref<32x2x512xf32, #tpu.memory_space<vmem>>, vector<16xf32>,
        tpu.vector_store %arg9[%swap3A_578, %swap3A_579, %swap3A_580], %broadcast_in_dim3A_3 {strides = array<i32>} : memref<32x2x512xf32, #tpu.memory_space<vmem>>, vector<16xf32>,
        %scan3A_582 = arith.constant 0 : i32
        %scan3A_583 = arith.constant 1 : i32
        %scan3A_584 = arith.addi %scan3A_567, %scan3A_583 : i32
        %mul3A_585 = arith.constant 16 : i32
        %mul3A_586 = arith.muli %scan3A_584, %mul3A_585 : i32
        %swap3A_587 = arith.constant 0 : i32
        %swap3A_588 = arith.index_cast %scan3A_558 : i32 to index
        %swap3A_589 = arith.index_cast %swap3A_587 : i32 to index
        %swap3A_590 = arith.index_cast %mul3A_586 : i32 to index
        %swap3A_591 = tpu.vector_load %arg9[%swap3A_588, %swap3A_589, %swap3A_590] {strides = array<i32>} : memref<32x2x512xf32, #tpu.memory_space<vmem>>, vector<16xf32>,
        tpu.vector_store %arg9[%swap3A_588, %swap3A_589, %swap3A_590], %broadcast_in_dim3A_3 {strides = array<i32>} : memref<32x2x512xf32, #tpu.memory_space<vmem>>, vector<16xf32>,
        %mul3A_592 = arith.constant 16 : i32
        %mul3A_593 = arith.muli %scan3A_584, %mul3A_592 : i32
        %swap3A_594 = arith.constant 1 : i32
        %swap3A_595 = arith.index_cast %scan3A_558 : i32 to index
        %swap3A_596 = arith.index_cast %swap3A_594 : i32 to index
        %swap3A_597 = arith.index_cast %mul3A_593 : i32 to index
        %swap3A_598 = tpu.vector_load %arg9[%swap3A_595, %swap3A_596, %swap3A_597] {strides = array<i32>} : memref<32x2x512xf32, #tpu.memory_space<vmem>>, vector<16xf32>,
        tpu.vector_store %arg9[%swap3A_595, %swap3A_596, %swap3A_597], %broadcast_in_dim3A_3 {strides = array<i32>} : memref<32x2x512xf32, #tpu.memory_space<vmem>>, vector<16xf32>,
        %scan3A_599 = arith.constant 0 : i32
        %scan3A_600 = arith.constant 2 : i32
        %scan3A_601 = arith.addi %scan3A_567, %scan3A_600 : i32
        %mul3A_602 = arith.constant 16 : i32
        %mul3A_603 = arith.muli %scan3A_601, %mul3A_602 : i32
        %swap3A_604 = arith.constant 0 : i32
        %swap3A_605 = arith.index_cast %scan3A_558 : i32 to index
        %swap3A_606 = arith.index_cast %swap3A_604 : i32 to index
        %swap3A_607 = arith.index_cast %mul3A_603 : i32 to index
        %swap3A_608 = tpu.vector_load %arg9[%swap3A_605, %swap3A_606, %swap3A_607] {strides = array<i32>} : memref<32x2x512xf32, #tpu.memory_space<vmem>>, vector<16xf32>,
        tpu.vector_store %arg9[%swap3A_605, %swap3A_606, %swap3A_607], %broadcast_in_dim3A_3 {strides = array<i32>} : memref<32x2x512xf32, #tpu.memory_space<vmem>>, vector<16xf32>,
        %mul3A_609 = arith.constant 16 : i32
        %mul3A_610 = arith.muli %scan3A_601, %mul3A_609 : i32
        %swap3A_611 = arith.constant 1 : i32
        %swap3A_612 = arith.index_cast %scan3A_558 : i32 to index
        %swap3A_613 = arith.index_cast %swap3A_611 : i32 to index
        %swap3A_614 = arith.index_cast %mul3A_610 : i32 to index
        %swap3A_615 = tpu.vector_load %arg9[%swap3A_612, %swap3A_613, %swap3A_614] {strides = array<i32>} : memref<32x2x512xf32, #tpu.memory_space<vmem>>, vector<16xf32>,
        tpu.vector_store %arg9[%swap3A_612, %swap3A_613, %swap3A_614], %broadcast_in_dim3A_3 {strides = array<i32>} : memref<32x2x512xf32, #tpu.memory_space<vmem>>, vector<16xf32>,
        %scan3A_616 = arith.constant 0 : i32
        %scan3A_617 = arith.constant 3 : i32
        %scan3A_618 = arith.addi %scan3A_567, %scan3A_617 : i32
        %mul3A_619 = arith.constant 16 : i32
        %mul3A_620 = arith.muli %scan3A_618, %mul3A_619 : i32
        %swap3A_621 = arith.constant 0 : i32
        %swap3A_622 = arith.index_cast %scan3A_558 : i32 to index
        %swap3A_623 = arith.index_cast %swap3A_621 : i32 to index
        %swap3A_624 = arith.index_cast %mul3A_620 : i32 to index
        %swap3A_625 = tpu.vector_load %arg9[%swap3A_622, %swap3A_623, %swap3A_624] {strides = array<i32>} : memref<32x2x512xf32, #tpu.memory_space<vmem>>, vector<16xf32>,
        tpu.vector_store %arg9[%swap3A_622, %swap3A_623, %swap3A_624], %broadcast_in_dim3A_3 {strides = array<i32>} : memref<32x2x512xf32, #tpu.memory_space<vmem>>, vector<16xf32>,
        %mul3A_626 = arith.constant 16 : i32
        %mul3A_627 = arith.muli %scan3A_618, %mul3A_626 : i32
        %swap3A_628 = arith.constant 1 : i32
        %swap3A_629 = arith.index_cast %scan3A_558 : i32 to index
        %swap3A_630 = arith.index_cast %swap3A_628 : i32 to index
        %swap3A_631 = arith.index_cast %mul3A_627 : i32 to index
        %swap3A_632 = tpu.vector_load %arg9[%swap3A_629, %swap3A_630, %swap3A_631] {strides = array<i32>} : memref<32x2x512xf32, #tpu.memory_space<vmem>>, vector<16xf32>,
        tpu.vector_store %arg9[%swap3A_629, %swap3A_630, %swap3A_631], %broadcast_in_dim3A_3 {strides = array<i32>} : memref<32x2x512xf32, #tpu.memory_space<vmem>>, vector<16xf32>,
        %scan3A_633 = arith.constant 0 : i32
        scf.yield %scan3A_633 : i32
      }
      %scan3A_566 = arith.constant 32 : i32
      scf.yield %scan3A_565 : i32
    }
    %scan3A_16 = arith.constant 32 : i32
    %mul3A_17 = arith.constant 64 : i32
    %mul3A_18 = arith.muli %add3A, %mul3A_17 : i32
    %add3A_19 = arith.constant 0 : i32
    %add3A_20 = arith.addi %mul3A_18, %add3A_19 : i32
    %dma_start3A = arith.constant 0 : i32
    %dma_start3A_21 = tpu.memref_slice %arg2[%add3A_20, %dma_start3A] : memref<2048x512xi32, #tpu.memory_space<hbm>> -> memref<2x512xi32, #tpu.memory_space<hbm>>
    %dma_start3A_22 = arith.constant 0 : i32
    %dma_start3A_23 = tpu.memref_slice %arg2[%add3A_20, %dma_start3A_22] : memref<2048x512xi32, #tpu.memory_space<hbm>> -> memref<2x512xi32, #tpu.memory_space<hbm>>
    tpu.enqueue_dma source(%dma_start3A_23 : memref<2x512xi32, #tpu.memory_space<hbm>>) target(%arg4 : memref<2x512xi32, #tpu.memory_space<vmem>>) target_semaphore(%arg10 : memref<!tpu.dma_semaphore, #tpu.memory_space<semaphore_mem>>)
    %mul3A_24 = arith.constant 64 : i32
    %mul3A_25 = arith.muli %add3A, %mul3A_24 : i32
    %add3A_26 = arith.constant 2 : i32
    %add3A_27 = arith.addi %mul3A_25, %add3A_26 : i32
    %dma_start3A_28 = arith.constant 0 : i32
    %dma_start3A_29 = tpu.memref_slice %arg2[%add3A_27, %dma_start3A_28] : memref<2048x512xi32, #tpu.memory_space<hbm>> -> memref<2x512xi32, #tpu.memory_space<hbm>>
    %dma_start3A_30 = arith.constant 0 : i32
    %dma_start3A_31 = tpu.memref_slice %arg2[%add3A_27, %dma_start3A_30] : memref<2048x512xi32, #tpu.memory_space<hbm>> -> memref<2x512xi32, #tpu.memory_space<hbm>>
    tpu.enqueue_dma source(%dma_start3A_31 : memref<2x512xi32, #tpu.memory_space<hbm>>) target(%arg5 : memref<2x512xi32, #tpu.memory_space<vmem>>) target_semaphore(%arg11 : memref<!tpu.dma_semaphore, #tpu.memory_space<semaphore_mem>>)
    %mul3A_32 = arith.constant 64 : i32
    %mul3A_33 = arith.muli %add3A, %mul3A_32 : i32
    %add3A_34 = arith.constant 4 : i32
    %add3A_35 = arith.addi %mul3A_33, %add3A_34 : i32
    %dma_start3A_36 = arith.constant 0 : i32
    %dma_start3A_37 = tpu.memref_slice %arg2[%add3A_35, %dma_start3A_36] : memref<2048x512xi32, #tpu.memory_space<hbm>> -> memref<2x512xi32, #tpu.memory_space<hbm>>
    %dma_start3A_38 = arith.constant 0 : i32
    %dma_start3A_39 = tpu.memref_slice %arg2[%add3A_35, %dma_start3A_38] : memref<2048x512xi32, #tpu.memory_space<hbm>> -> memref<2x512xi32, #tpu.memory_space<hbm>>
    tpu.enqueue_dma source(%dma_start3A_39 : memref<2x512xi32, #tpu.memory_space<hbm>>) target(%arg6 : memref<2x512xi32, #tpu.memory_space<vmem>>) target_semaphore(%arg12 : memref<!tpu.dma_semaphore, #tpu.memory_space<semaphore_mem>>)
    %mul3A_40 = arith.constant 64 : i32
    %mul3A_41 = arith.muli %add3A, %mul3A_40 : i32
    %add3A_42 = arith.constant 0 : i32
    %add3A_43 = arith.addi %mul3A_41, %add3A_42 : i32
    %dma_wait3A = arith.constant 0 : i32
    %dma_wait3A_44 = tpu.memref_slice %arg2[%add3A_43, %dma_wait3A] : memref<2048x512xi32, #tpu.memory_space<hbm>> -> memref<2x512xi32, #tpu.memory_space<hbm>>
    %dma_wait3A_45 = arith.constant 0 : i32
    %dma_wait3A_46 = tpu.memref_slice %arg2[%add3A_43, %dma_wait3A_45] : memref<2048x512xi32, #tpu.memory_space<hbm>> -> memref<2x512xi32, #tpu.memory_space<hbm>>
    tpu.wait_dma2 semaphore(%arg10 : memref<!tpu.dma_semaphore, #tpu.memory_space<semaphore_mem>>) src(%dma_wait3A_46 : memref<2x512xi32, #tpu.memory_space<hbm>>) dst(%arg4 : memref<2x512xi32, #tpu.memory_space<vmem>>)
    %broadcast_in_dim3A_47 = arith.constant 0 : i32
    %broadcast_in_dim3A_48 = vector.broadcast %broadcast_in_dim3A_47 : i32 to vector<16xi32>
    %broadcast_in_dim3A_49 = arith.constant 1 : i32
    %broadcast_in_dim3A_50 = vector.broadcast %broadcast_in_dim3A_49 : i32 to vector<16xi32>
    %scan3A_51 = arith.constant 0 : i32
    %scan3A_52 = arith.constant 0 : i32
    %scan3A_53 = arith.constant 32 : i32
    %scan3A_54 = arith.addi %scan3A_52, %scan3A_53 : i32
    %scan3A_55 = arith.constant 4 : i32
    %scan3A_56 = scf.for %scan3A_558 = %scan3A_52 to %scan3A_54 step %scan3A_55 iter_args(%scan3A_559 = %scan3A_51) -> (i32)  : i32 {
      %mul3A_560 = arith.constant 16 : i32
      %mul3A_561 = arith.muli %scan3A_558, %mul3A_560 : i32
      %add3A_562 = vector.broadcast %mul3A_561 : i32 to vector<16xi32>
      %add3A_563 = arith.addi %add3A_562, %iota3A : vector<16xi32>
      %mul3A_564 = arith.constant 16 : i32
      %mul3A_565 = arith.muli %scan3A_558, %mul3A_564 : i32
      %get3A = arith.constant 0 : i32
      %get3A_566 = arith.index_cast %get3A : i32 to index
      %get3A_567 = arith.index_cast %mul3A_565 : i32 to index
      %get3A_568 = tpu.vector_load %arg4[%get3A_566, %get3A_567] {strides = array<i32>} : memref<2x512xi32, #tpu.memory_space<vmem>>, vector<16xi32>,
      tpu.vector_store_idx %arg8[%get3A_568, %broadcast_in_dim3A_48, %add3A_563], %broadcast_in_dim3A_1 : memref<32x2x512xf32, #tpu.memory_space<vmem>>[vector<16xi32>, vector<16xi32>, vector<16xi32>], vector<16xf32>,
      %mul3A_569 = arith.constant 16 : i32
      %mul3A_570 = arith.muli %scan3A_558, %mul3A_569 : i32
      %get3A_571 = arith.constant 1 : i32
      %get3A_572 = arith.index_cast %get3A_571 : i32 to index
      %get3A_573 = arith.index_cast %mul3A_570 : i32 to index
      %get3A_574 = tpu.vector_load %arg4[%get3A_572, %get3A_573] {strides = array<i32>} : memref<2x512xi32, #tpu.memory_space<vmem>>, vector<16xi32>,
      tpu.vector_store_idx %arg8[%get3A_574, %broadcast_in_dim3A_50, %add3A_563], %broadcast_in_dim3A_1 : memref<32x2x512xf32, #tpu.memory_space<vmem>>[vector<16xi32>, vector<16xi32>, vector<16xi32>], vector<16xf32>,
      %scan3A_575 = arith.constant 0 : i32
      %scan3A_576 = arith.constant 1 : i32
      %scan3A_577 = arith.addi %scan3A_558, %scan3A_576 : i32
      %mul3A_578 = arith.constant 16 : i32
      %mul3A_579 = arith.muli %scan3A_577, %mul3A_578 : i32
      %add3A_580 = vector.broadcast %mul3A_579 : i32 to vector<16xi32>
      %add3A_581 = arith.addi %add3A_580, %iota3A : vector<16xi32>
      %mul3A_582 = arith.constant 16 : i32
      %mul3A_583 = arith.muli %scan3A_577, %mul3A_582 : i32
      %get3A_584 = arith.constant 0 : i32
      %get3A_585 = arith.index_cast %get3A_584 : i32 to index
      %get3A_586 = arith.index_cast %mul3A_583 : i32 to index
      %get3A_587 = tpu.vector_load %arg4[%get3A_585, %get3A_586] {strides = array<i32>} : memref<2x512xi32, #tpu.memory_space<vmem>>, vector<16xi32>,
      tpu.vector_store_idx %arg8[%get3A_587, %broadcast_in_dim3A_48, %add3A_581], %broadcast_in_dim3A_1 : memref<32x2x512xf32, #tpu.memory_space<vmem>>[vector<16xi32>, vector<16xi32>, vector<16xi32>], vector<16xf32>,
      %mul3A_588 = arith.constant 16 : i32
      %mul3A_589 = arith.muli %scan3A_577, %mul3A_588 : i32
      %get3A_590 = arith.constant 1 : i32
      %get3A_591 = arith.index_cast %get3A_590 : i32 to index
      %get3A_592 = arith.index_cast %mul3A_589 : i32 to index
      %get3A_593 = tpu.vector_load %arg4[%get3A_591, %get3A_592] {strides = array<i32>} : memref<2x512xi32, #tpu.memory_space<vmem>>, vector<16xi32>,
      tpu.vector_store_idx %arg8[%get3A_593, %broadcast_in_dim3A_50, %add3A_581], %broadcast_in_dim3A_1 : memref<32x2x512xf32, #tpu.memory_space<vmem>>[vector<16xi32>, vector<16xi32>, vector<16xi32>], vector<16xf32>,
      %scan3A_594 = arith.constant 0 : i32
      %scan3A_595 = arith.constant 2 : i32
      %scan3A_596 = arith.addi %scan3A_558, %scan3A_595 : i32
      %mul3A_597 = arith.constant 16 : i32
      %mul3A_598 = arith.muli %scan3A_596, %mul3A_597 : i32
      %add3A_599 = vector.broadcast %mul3A_598 : i32 to vector<16xi32>
      %add3A_600 = arith.addi %add3A_599, %iota3A : vector<16xi32>
      %mul3A_601 = arith.constant 16 : i32
      %mul3A_602 = arith.muli %scan3A_596, %mul3A_601 : i32
      %get3A_603 = arith.constant 0 : i32
      %get3A_604 = arith.index_cast %get3A_603 : i32 to index
      %get3A_605 = arith.index_cast %mul3A_602 : i32 to index
      %get3A_606 = tpu.vector_load %arg4[%get3A_604, %get3A_605] {strides = array<i32>} : memref<2x512xi32, #tpu.memory_space<vmem>>, vector<16xi32>,
      tpu.vector_store_idx %arg8[%get3A_606, %broadcast_in_dim3A_48, %add3A_600], %broadcast_in_dim3A_1 : memref<32x2x512xf32, #tpu.memory_space<vmem>>[vector<16xi32>, vector<16xi32>, vector<16xi32>], vector<16xf32>,
      %mul3A_607 = arith.constant 16 : i32
      %mul3A_608 = arith.muli %scan3A_596, %mul3A_607 : i32
      %get3A_609 = arith.constant 1 : i32
      %get3A_610 = arith.index_cast %get3A_609 : i32 to index
      %get3A_611 = arith.index_cast %mul3A_608 : i32 to index
      %get3A_612 = tpu.vector_load %arg4[%get3A_610, %get3A_611] {strides = array<i32>} : memref<2x512xi32, #tpu.memory_space<vmem>>, vector<16xi32>,
      tpu.vector_store_idx %arg8[%get3A_612, %broadcast_in_dim3A_50, %add3A_600], %broadcast_in_dim3A_1 : memref<32x2x512xf32, #tpu.memory_space<vmem>>[vector<16xi32>, vector<16xi32>, vector<16xi32>], vector<16xf32>,
      %scan3A_613 = arith.constant 0 : i32
      %scan3A_614 = arith.constant 3 : i32
      %scan3A_615 = arith.addi %scan3A_558, %scan3A_614 : i32
      %mul3A_616 = arith.constant 16 : i32
      %mul3A_617 = arith.muli %scan3A_615, %mul3A_616 : i32
      %add3A_618 = vector.broadcast %mul3A_617 : i32 to vector<16xi32>
      %add3A_619 = arith.addi %add3A_618, %iota3A : vector<16xi32>
      %mul3A_620 = arith.constant 16 : i32
      %mul3A_621 = arith.muli %scan3A_615, %mul3A_620 : i32
      %get3A_622 = arith.constant 0 : i32
      %get3A_623 = arith.index_cast %get3A_622 : i32 to index
      %get3A_624 = arith.index_cast %mul3A_621 : i32 to index
      %get3A_625 = tpu.vector_load %arg4[%get3A_623, %get3A_624] {strides = array<i32>} : memref<2x512xi32, #tpu.memory_space<vmem>>, vector<16xi32>,
      tpu.vector_store_idx %arg8[%get3A_625, %broadcast_in_dim3A_48, %add3A_619], %broadcast_in_dim3A_1 : memref<32x2x512xf32, #tpu.memory_space<vmem>>[vector<16xi32>, vector<16xi32>, vector<16xi32>], vector<16xf32>,
      %mul3A_626 = arith.constant 16 : i32
      %mul3A_627 = arith.muli %scan3A_615, %mul3A_626 : i32
      %get3A_628 = arith.constant 1 : i32
      %get3A_629 = arith.index_cast %get3A_628 : i32 to index
      %get3A_630 = arith.index_cast %mul3A_627 : i32 to index
      %get3A_631 = tpu.vector_load %arg4[%get3A_629, %get3A_630] {strides = array<i32>} : memref<2x512xi32, #tpu.memory_space<vmem>>, vector<16xi32>,
      tpu.vector_store_idx %arg8[%get3A_631, %broadcast_in_dim3A_50, %add3A_619], %broadcast_in_dim3A_1 : memref<32x2x512xf32, #tpu.memory_space<vmem>>[vector<16xi32>, vector<16xi32>, vector<16xi32>], vector<16xf32>,
      %scan3A_632 = arith.constant 0 : i32
      scf.yield %scan3A_632 : i32
    }
    %scan3A_57 = arith.constant 32 : i32
    %mul3A_58 = arith.constant 64 : i32
    %mul3A_59 = arith.muli %add3A, %mul3A_58 : i32
    %add3A_60 = arith.constant 0 : i32
    %add3A_61 = arith.addi %mul3A_59, %add3A_60 : i32
    %jit3A = arith.constant 512 : i32
    %div3A = arith.divsi %add3A_61, %jit3A : i32
    %sign3A = arith.constant 0 : i32
    %sign3A_62 = arith.cmpi sgt, %add3A_61, %sign3A : i32
    %sign3A_63 = arith.extui %sign3A_62 : i1 to i32
    %sign3A_64 = arith.constant 0 : i32
    %sign3A_65 = arith.cmpi slt, %add3A_61, %sign3A_64 : i32
    %sign3A_66 = arith.extui %sign3A_65 : i1 to i32
    %sign3A_67 = arith.subi %sign3A_63, %sign3A_66 : i32
    %sign3A_68 = arith.constant 0 : i32
    %sign3A_69 = arith.cmpi sgt, %jit3A, %sign3A_68 : i32
    %sign3A_70 = arith.extui %sign3A_69 : i1 to i32
    %sign3A_71 = arith.constant 0 : i32
    %sign3A_72 = arith.cmpi slt, %jit3A, %sign3A_71 : i32
    %sign3A_73 = arith.extui %sign3A_72 : i1 to i32
    %sign3A_74 = arith.subi %sign3A_70, %sign3A_73 : i32
    %ne3A = arith.cmpi ne, %sign3A_67, %sign3A_74 : i32
    %rem3A = arith.remsi %add3A_61, %jit3A : i32
    %ne3A_75 = arith.constant 0 : i32
    %ne3A_76 = arith.cmpi ne, %rem3A, %ne3A_75 : i32
    %and3A = arith.andi %ne3A, %ne3A_76 : i1
    %sub3A = arith.constant 1 : i32
    %sub3A_77 = arith.subi %div3A, %sub3A : i32
    %select_n3A = arith.select %and3A, %sub3A_77, %div3A : i32
    %jit3A_78 = arith.constant 512 : i32
    %eq3A = arith.constant 0 : i32
    %eq3A_79 = arith.cmpi eq, %jit3A_78, %eq3A : i32
    %jit3A_80 = arith.constant 1 : i32
    %select_n3A_81 = arith.select %eq3A_79, %jit3A_80, %jit3A_78 : i32
    %rem3A_82 = arith.remsi %add3A_61, %select_n3A_81 : i32
    %ne3A_83 = arith.constant 0 : i32
    %ne3A_84 = arith.cmpi ne, %rem3A_82, %ne3A_83 : i32
    %lt3A = arith.constant 0 : i32
    %lt3A_85 = arith.cmpi slt, %rem3A_82, %lt3A : i32
    %lt3A_86 = arith.constant 0 : i32
    %lt3A_87 = arith.cmpi slt, %select_n3A_81, %lt3A_86 : i32
    %ne3A_88 = arith.xori %lt3A_85, %lt3A_87 : i1
    %and3A_89 = arith.andi %ne3A_88, %ne3A_84 : i1
    %add3A_90 = arith.addi %rem3A_82, %select_n3A_81 : i32
    %select_n3A_91 = arith.select %and3A_89, %add3A_90, %rem3A_82 : i32
    %dma_start3A_92 = arith.constant 0 : i32
    %dma_start3A_93 = arith.constant 0 : i32
    %dma_start3A_94 = tpu.memref_slice %arg3[%select_n3A, %dma_start3A_92, %select_n3A_91, %dma_start3A_93] : memref<4x32x512x512xf32, #tpu.memory_space<hbm>> -> memref<1x32x2x512xf32, #tpu.memory_space<hbm>>
    %dma_start3A_95 = tpu.memref_squeeze %dma_start3A_94 : memref<1x32x2x512xf32, #tpu.memory_space<hbm>> -> memref<32x2x512xf32, #tpu.memory_space<hbm>>
    %dma_start3A_96 = arith.constant 0 : i32
    %dma_start3A_97 = arith.constant 0 : i32
    %dma_start3A_98 = tpu.memref_slice %arg3[%select_n3A, %dma_start3A_96, %select_n3A_91, %dma_start3A_97] : memref<4x32x512x512xf32, #tpu.memory_space<hbm>> -> memref<1x32x2x512xf32, #tpu.memory_space<hbm>>
    %dma_start3A_99 = tpu.memref_squeeze %dma_start3A_98 : memref<1x32x2x512xf32, #tpu.memory_space<hbm>> -> memref<32x2x512xf32, #tpu.memory_space<hbm>>
    tpu.enqueue_dma source(%arg8 : memref<32x2x512xf32, #tpu.memory_space<vmem>>) target(%dma_start3A_99 : memref<32x2x512xf32, #tpu.memory_space<hbm>>) target_semaphore(%arg14 : memref<!tpu.dma_semaphore, #tpu.memory_space<semaphore_mem>>)
    %mul3A_100 = arith.constant 64 : i32
    %mul3A_101 = arith.muli %add3A, %mul3A_100 : i32
    %add3A_102 = arith.constant 6 : i32
    %add3A_103 = arith.addi %mul3A_101, %add3A_102 : i32
    %dma_start3A_104 = arith.constant 0 : i32
    %dma_start3A_105 = tpu.memref_slice %arg2[%add3A_103, %dma_start3A_104] : memref<2048x512xi32, #tpu.memory_space<hbm>> -> memref<2x512xi32, #tpu.memory_space<hbm>>
    %dma_start3A_106 = arith.constant 0 : i32
    %dma_start3A_107 = tpu.memref_slice %arg2[%add3A_103, %dma_start3A_106] : memref<2048x512xi32, #tpu.memory_space<hbm>> -> memref<2x512xi32, #tpu.memory_space<hbm>>
    tpu.enqueue_dma source(%dma_start3A_107 : memref<2x512xi32, #tpu.memory_space<hbm>>) target(%arg7 : memref<2x512xi32, #tpu.memory_space<vmem>>) target_semaphore(%arg13 : memref<!tpu.dma_semaphore, #tpu.memory_space<semaphore_mem>>)
    %mul3A_108 = arith.constant 64 : i32
    %mul3A_109 = arith.muli %add3A, %mul3A_108 : i32
    %add3A_110 = arith.constant 2 : i32
    %add3A_111 = arith.addi %mul3A_109, %add3A_110 : i32
    %dma_wait3A_112 = arith.constant 0 : i32
    %dma_wait3A_113 = tpu.memref_slice %arg2[%add3A_111, %dma_wait3A_112] : memref<2048x512xi32, #tpu.memory_space<hbm>> -> memref<2x512xi32, #tpu.memory_space<hbm>>
    %dma_wait3A_114 = arith.constant 0 : i32
    %dma_wait3A_115 = tpu.memref_slice %arg2[%add3A_111, %dma_wait3A_114] : memref<2048x512xi32, #tpu.memory_space<hbm>> -> memref<2x512xi32, #tpu.memory_space<hbm>>
    tpu.wait_dma2 semaphore(%arg11 : memref<!tpu.dma_semaphore, #tpu.memory_space<semaphore_mem>>) src(%dma_wait3A_115 : memref<2x512xi32, #tpu.memory_space<hbm>>) dst(%arg5 : memref<2x512xi32, #tpu.memory_space<vmem>>)
    %broadcast_in_dim3A_116 = arith.constant 0 : i32
    %broadcast_in_dim3A_117 = vector.broadcast %broadcast_in_dim3A_116 : i32 to vector<16xi32>
    %broadcast_in_dim3A_118 = arith.constant 1 : i32
    %broadcast_in_dim3A_119 = vector.broadcast %broadcast_in_dim3A_118 : i32 to vector<16xi32>
    %scan3A_120 = arith.constant 0 : i32
    %scan3A_121 = arith.constant 0 : i32
    %scan3A_122 = arith.constant 32 : i32
    %scan3A_123 = arith.addi %scan3A_121, %scan3A_122 : i32
    %scan3A_124 = arith.constant 4 : i32
    %scan3A_125 = scf.for %scan3A_558 = %scan3A_121 to %scan3A_123 step %scan3A_124 iter_args(%scan3A_559 = %scan3A_120) -> (i32)  : i32 {
      %mul3A_560 = arith.constant 16 : i32
      %mul3A_561 = arith.muli %scan3A_558, %mul3A_560 : i32
      %add3A_562 = vector.broadcast %mul3A_561 : i32 to vector<16xi32>
      %add3A_563 = arith.addi %add3A_562, %iota3A : vector<16xi32>
      %mul3A_564 = arith.constant 16 : i32
      %mul3A_565 = arith.muli %scan3A_558, %mul3A_564 : i32
      %get3A = arith.constant 0 : i32
      %get3A_566 = arith.index_cast %get3A : i32 to index
      %get3A_567 = arith.index_cast %mul3A_565 : i32 to index
      %get3A_568 = tpu.vector_load %arg5[%get3A_566, %get3A_567] {strides = array<i32>} : memref<2x512xi32, #tpu.memory_space<vmem>>, vector<16xi32>,
      tpu.vector_store_idx %arg9[%get3A_568, %broadcast_in_dim3A_117, %add3A_563], %broadcast_in_dim3A_1 : memref<32x2x512xf32, #tpu.memory_space<vmem>>[vector<16xi32>, vector<16xi32>, vector<16xi32>], vector<16xf32>,
      %mul3A_569 = arith.constant 16 : i32
      %mul3A_570 = arith.muli %scan3A_558, %mul3A_569 : i32
      %get3A_571 = arith.constant 1 : i32
      %get3A_572 = arith.index_cast %get3A_571 : i32 to index
      %get3A_573 = arith.index_cast %mul3A_570 : i32 to index
      %get3A_574 = tpu.vector_load %arg5[%get3A_572, %get3A_573] {strides = array<i32>} : memref<2x512xi32, #tpu.memory_space<vmem>>, vector<16xi32>,
      tpu.vector_store_idx %arg9[%get3A_574, %broadcast_in_dim3A_119, %add3A_563], %broadcast_in_dim3A_1 : memref<32x2x512xf32, #tpu.memory_space<vmem>>[vector<16xi32>, vector<16xi32>, vector<16xi32>], vector<16xf32>,
      %scan3A_575 = arith.constant 0 : i32
      %scan3A_576 = arith.constant 1 : i32
      %scan3A_577 = arith.addi %scan3A_558, %scan3A_576 : i32
      %mul3A_578 = arith.constant 16 : i32
      %mul3A_579 = arith.muli %scan3A_577, %mul3A_578 : i32
      %add3A_580 = vector.broadcast %mul3A_579 : i32 to vector<16xi32>
      %add3A_581 = arith.addi %add3A_580, %iota3A : vector<16xi32>
      %mul3A_582 = arith.constant 16 : i32
      %mul3A_583 = arith.muli %scan3A_577, %mul3A_582 : i32
      %get3A_584 = arith.constant 0 : i32
      %get3A_585 = arith.index_cast %get3A_584 : i32 to index
      %get3A_586 = arith.index_cast %mul3A_583 : i32 to index
      %get3A_587 = tpu.vector_load %arg5[%get3A_585, %get3A_586] {strides = array<i32>} : memref<2x512xi32, #tpu.memory_space<vmem>>, vector<16xi32>,
      tpu.vector_store_idx %arg9[%get3A_587, %broadcast_in_dim3A_117, %add3A_581], %broadcast_in_dim3A_1 : memref<32x2x512xf32, #tpu.memory_space<vmem>>[vector<16xi32>, vector<16xi32>, vector<16xi32>], vector<16xf32>,
      %mul3A_588 = arith.constant 16 : i32
      %mul3A_589 = arith.muli %scan3A_577, %mul3A_588 : i32
      %get3A_590 = arith.constant 1 : i32
      %get3A_591 = arith.index_cast %get3A_590 : i32 to index
      %get3A_592 = arith.index_cast %mul3A_589 : i32 to index
      %get3A_593 = tpu.vector_load %arg5[%get3A_591, %get3A_592] {strides = array<i32>} : memref<2x512xi32, #tpu.memory_space<vmem>>, vector<16xi32>,
      tpu.vector_store_idx %arg9[%get3A_593, %broadcast_in_dim3A_119, %add3A_581], %broadcast_in_dim3A_1 : memref<32x2x512xf32, #tpu.memory_space<vmem>>[vector<16xi32>, vector<16xi32>, vector<16xi32>], vector<16xf32>,
      %scan3A_594 = arith.constant 0 : i32
      %scan3A_595 = arith.constant 2 : i32
      %scan3A_596 = arith.addi %scan3A_558, %scan3A_595 : i32
      %mul3A_597 = arith.constant 16 : i32
      %mul3A_598 = arith.muli %scan3A_596, %mul3A_597 : i32
      %add3A_599 = vector.broadcast %mul3A_598 : i32 to vector<16xi32>
      %add3A_600 = arith.addi %add3A_599, %iota3A : vector<16xi32>
      %mul3A_601 = arith.constant 16 : i32
      %mul3A_602 = arith.muli %scan3A_596, %mul3A_601 : i32
      %get3A_603 = arith.constant 0 : i32
      %get3A_604 = arith.index_cast %get3A_603 : i32 to index
      %get3A_605 = arith.index_cast %mul3A_602 : i32 to index
      %get3A_606 = tpu.vector_load %arg5[%get3A_604, %get3A_605] {strides = array<i32>} : memref<2x512xi32, #tpu.memory_space<vmem>>, vector<16xi32>,
      tpu.vector_store_idx %arg9[%get3A_606, %broadcast_in_dim3A_117, %add3A_600], %broadcast_in_dim3A_1 : memref<32x2x512xf32, #tpu.memory_space<vmem>>[vector<16xi32>, vector<16xi32>, vector<16xi32>], vector<16xf32>,
      %mul3A_607 = arith.constant 16 : i32
      %mul3A_608 = arith.muli %scan3A_596, %mul3A_607 : i32
      %get3A_609 = arith.constant 1 : i32
      %get3A_610 = arith.index_cast %get3A_609 : i32 to index
      %get3A_611 = arith.index_cast %mul3A_608 : i32 to index
      %get3A_612 = tpu.vector_load %arg5[%get3A_610, %get3A_611] {strides = array<i32>} : memref<2x512xi32, #tpu.memory_space<vmem>>, vector<16xi32>,
      tpu.vector_store_idx %arg9[%get3A_612, %broadcast_in_dim3A_119, %add3A_600], %broadcast_in_dim3A_1 : memref<32x2x512xf32, #tpu.memory_space<vmem>>[vector<16xi32>, vector<16xi32>, vector<16xi32>], vector<16xf32>,
      %scan3A_613 = arith.constant 0 : i32
      %scan3A_614 = arith.constant 3 : i32
      %scan3A_615 = arith.addi %scan3A_558, %scan3A_614 : i32
      %mul3A_616 = arith.constant 16 : i32
      %mul3A_617 = arith.muli %scan3A_615, %mul3A_616 : i32
      %add3A_618 = vector.broadcast %mul3A_617 : i32 to vector<16xi32>
      %add3A_619 = arith.addi %add3A_618, %iota3A : vector<16xi32>
      %mul3A_620 = arith.constant 16 : i32
      %mul3A_621 = arith.muli %scan3A_615, %mul3A_620 : i32
      %get3A_622 = arith.constant 0 : i32
      %get3A_623 = arith.index_cast %get3A_622 : i32 to index
      %get3A_624 = arith.index_cast %mul3A_621 : i32 to index
      %get3A_625 = tpu.vector_load %arg5[%get3A_623, %get3A_624] {strides = array<i32>} : memref<2x512xi32, #tpu.memory_space<vmem>>, vector<16xi32>,
      tpu.vector_store_idx %arg9[%get3A_625, %broadcast_in_dim3A_117, %add3A_619], %broadcast_in_dim3A_1 : memref<32x2x512xf32, #tpu.memory_space<vmem>>[vector<16xi32>, vector<16xi32>, vector<16xi32>], vector<16xf32>,
      %mul3A_626 = arith.constant 16 : i32
      %mul3A_627 = arith.muli %scan3A_615, %mul3A_626 : i32
      %get3A_628 = arith.constant 1 : i32
      %get3A_629 = arith.index_cast %get3A_628 : i32 to index
      %get3A_630 = arith.index_cast %mul3A_627 : i32 to index
      %get3A_631 = tpu.vector_load %arg5[%get3A_629, %get3A_630] {strides = array<i32>} : memref<2x512xi32, #tpu.memory_space<vmem>>, vector<16xi32>,
      tpu.vector_store_idx %arg9[%get3A_631, %broadcast_in_dim3A_119, %add3A_619], %broadcast_in_dim3A_1 : memref<32x2x512xf32, #tpu.memory_space<vmem>>[vector<16xi32>, vector<16xi32>, vector<16xi32>], vector<16xf32>,
      %scan3A_632 = arith.constant 0 : i32
      scf.yield %scan3A_632 : i32
    }
    %scan3A_126 = arith.constant 32 : i32
    %mul3A_127 = arith.constant 64 : i32
    %mul3A_128 = arith.muli %add3A, %mul3A_127 : i32
    %add3A_129 = arith.constant 2 : i32
    %add3A_130 = arith.addi %mul3A_128, %add3A_129 : i32
    %jit3A_131 = arith.constant 512 : i32
    %div3A_132 = arith.divsi %add3A_130, %jit3A_131 : i32
    %sign3A_133 = arith.constant 0 : i32
    %sign3A_134 = arith.cmpi sgt, %add3A_130, %sign3A_133 : i32
    %sign3A_135 = arith.extui %sign3A_134 : i1 to i32
    %sign3A_136 = arith.constant 0 : i32
    %sign3A_137 = arith.cmpi slt, %add3A_130, %sign3A_136 : i32
    %sign3A_138 = arith.extui %sign3A_137 : i1 to i32
    %sign3A_139 = arith.subi %sign3A_135, %sign3A_138 : i32
    %sign3A_140 = arith.constant 0 : i32
    %sign3A_141 = arith.cmpi sgt, %jit3A_131, %sign3A_140 : i32
    %sign3A_142 = arith.extui %sign3A_141 : i1 to i32
    %sign3A_143 = arith.constant 0 : i32
    %sign3A_144 = arith.cmpi slt, %jit3A_131, %sign3A_143 : i32
    %sign3A_145 = arith.extui %sign3A_144 : i1 to i32
    %sign3A_146 = arith.subi %sign3A_142, %sign3A_145 : i32
    %ne3A_147 = arith.cmpi ne, %sign3A_139, %sign3A_146 : i32
    %rem3A_148 = arith.remsi %add3A_130, %jit3A_131 : i32
    %ne3A_149 = arith.constant 0 : i32
    %ne3A_150 = arith.cmpi ne, %rem3A_148, %ne3A_149 : i32
    %and3A_151 = arith.andi %ne3A_147, %ne3A_150 : i1
    %sub3A_152 = arith.constant 1 : i32
    %sub3A_153 = arith.subi %div3A_132, %sub3A_152 : i32
    %select_n3A_154 = arith.select %and3A_151, %sub3A_153, %div3A_132 : i32
    %jit3A_155 = arith.constant 512 : i32
    %eq3A_156 = arith.constant 0 : i32
    %eq3A_157 = arith.cmpi eq, %jit3A_155, %eq3A_156 : i32
    %jit3A_158 = arith.constant 1 : i32
    %select_n3A_159 = arith.select %eq3A_157, %jit3A_158, %jit3A_155 : i32
    %rem3A_160 = arith.remsi %add3A_130, %select_n3A_159 : i32
    %ne3A_161 = arith.constant 0 : i32
    %ne3A_162 = arith.cmpi ne, %rem3A_160, %ne3A_161 : i32
    %lt3A_163 = arith.constant 0 : i32
    %lt3A_164 = arith.cmpi slt, %rem3A_160, %lt3A_163 : i32
    %lt3A_165 = arith.constant 0 : i32
    %lt3A_166 = arith.cmpi slt, %select_n3A_159, %lt3A_165 : i32
    %ne3A_167 = arith.xori %lt3A_164, %lt3A_166 : i1
    %and3A_168 = arith.andi %ne3A_167, %ne3A_162 : i1
    %add3A_169 = arith.addi %rem3A_160, %select_n3A_159 : i32
    %select_n3A_170 = arith.select %and3A_168, %add3A_169, %rem3A_160 : i32
    %dma_start3A_171 = arith.constant 0 : i32
    %dma_start3A_172 = arith.constant 0 : i32
    %dma_start3A_173 = tpu.memref_slice %arg3[%select_n3A_154, %dma_start3A_171, %select_n3A_170, %dma_start3A_172] : memref<4x32x512x512xf32, #tpu.memory_space<hbm>> -> memref<1x32x2x512xf32, #tpu.memory_space<hbm>>
    %dma_start3A_174 = tpu.memref_squeeze %dma_start3A_173 : memref<1x32x2x512xf32, #tpu.memory_space<hbm>> -> memref<32x2x512xf32, #tpu.memory_space<hbm>>
    %dma_start3A_175 = arith.constant 0 : i32
    %dma_start3A_176 = arith.constant 0 : i32
    %dma_start3A_177 = tpu.memref_slice %arg3[%select_n3A_154, %dma_start3A_175, %select_n3A_170, %dma_start3A_176] : memref<4x32x512x512xf32, #tpu.memory_space<hbm>> -> memref<1x32x2x512xf32, #tpu.memory_space<hbm>>
    %dma_start3A_178 = tpu.memref_squeeze %dma_start3A_177 : memref<1x32x2x512xf32, #tpu.memory_space<hbm>> -> memref<32x2x512xf32, #tpu.memory_space<hbm>>
    tpu.enqueue_dma source(%arg9 : memref<32x2x512xf32, #tpu.memory_space<vmem>>) target(%dma_start3A_178 : memref<32x2x512xf32, #tpu.memory_space<hbm>>) target_semaphore(%arg15 : memref<!tpu.dma_semaphore, #tpu.memory_space<semaphore_mem>>)
    %scan3A_179 = arith.constant 0 : i32
    %scan3A_180 = arith.constant 0 : i32
    %scan3A_181 = arith.constant 7 : i32
    %scan3A_182 = arith.addi %scan3A_180, %scan3A_181 : i32
    %scan3A_183 = arith.constant 1 : i32
    %scan3A_184 = scf.for %scan3A_558 = %scan3A_180 to %scan3A_182 step %scan3A_183 iter_args(%scan3A_559 = %scan3A_179) -> (i32)  : i32 {
      %mul3A_560 = arith.constant 4 : i32
      %mul3A_561 = arith.muli %mul3A_560, %scan3A_558 : i32
      %add3A_562 = arith.constant 2 : i32
      %add3A_563 = arith.addi %mul3A_561, %add3A_562 : i32
      %add3A_564 = arith.constant 0 : i32
      %add3A_565 = arith.addi %add3A_563, %add3A_564 : i32
      %sub3A_566 = arith.constant 2 : i32
      %sub3A_567 = arith.subi %add3A_565, %sub3A_566 : i32
      %mul3A_568 = arith.constant 64 : i32
      %mul3A_569 = arith.muli %add3A, %mul3A_568 : i32
      %mul3A_570 = arith.constant 2 : i32
      %mul3A_571 = arith.muli %mul3A_570, %sub3A_567 : i32
      %add3A_572 = arith.addi %mul3A_569, %mul3A_571 : i32
      %jit3A_573 = arith.constant 512 : i32
      %div3A_574 = arith.divsi %add3A_572, %jit3A_573 : i32
      %sign3A_575 = arith.constant 0 : i32
      %sign3A_576 = arith.cmpi sgt, %add3A_572, %sign3A_575 : i32
      %sign3A_577 = arith.extui %sign3A_576 : i1 to i32
      %sign3A_578 = arith.constant 0 : i32
      %sign3A_579 = arith.cmpi slt, %add3A_572, %sign3A_578 : i32
      %sign3A_580 = arith.extui %sign3A_579 : i1 to i32
      %sign3A_581 = arith.subi %sign3A_577, %sign3A_580 : i32
      %sign3A_582 = arith.constant 0 : i32
      %sign3A_583 = arith.cmpi sgt, %jit3A_573, %sign3A_582 : i32
      %sign3A_584 = arith.extui %sign3A_583 : i1 to i32
      %sign3A_585 = arith.constant 0 : i32
      %sign3A_586 = arith.cmpi slt, %jit3A_573, %sign3A_585 : i32
      %sign3A_587 = arith.extui %sign3A_586 : i1 to i32
      %sign3A_588 = arith.subi %sign3A_584, %sign3A_587 : i32
      %ne3A_589 = arith.cmpi ne, %sign3A_581, %sign3A_588 : i32
      %rem3A_590 = arith.remsi %add3A_572, %jit3A_573 : i32
      %ne3A_591 = arith.constant 0 : i32
      %ne3A_592 = arith.cmpi ne, %rem3A_590, %ne3A_591 : i32
      %and3A_593 = arith.andi %ne3A_589, %ne3A_592 : i1
      %sub3A_594 = arith.constant 1 : i32
      %sub3A_595 = arith.subi %div3A_574, %sub3A_594 : i32
      %select_n3A_596 = arith.select %and3A_593, %sub3A_595, %div3A_574 : i32
      %jit3A_597 = arith.constant 512 : i32
      %eq3A_598 = arith.constant 0 : i32
      %eq3A_599 = arith.cmpi eq, %jit3A_597, %eq3A_598 : i32
      %jit3A_600 = arith.constant 1 : i32
      %select_n3A_601 = arith.select %eq3A_599, %jit3A_600, %jit3A_597 : i32
      %rem3A_602 = arith.remsi %add3A_572, %select_n3A_601 : i32
      %ne3A_603 = arith.constant 0 : i32
      %ne3A_604 = arith.cmpi ne, %rem3A_602, %ne3A_603 : i32
      %lt3A_605 = arith.constant 0 : i32
      %lt3A_606 = arith.cmpi slt, %rem3A_602, %lt3A_605 : i32
      %lt3A_607 = arith.constant 0 : i32
      %lt3A_608 = arith.cmpi slt, %select_n3A_601, %lt3A_607 : i32
      %ne3A_609 = arith.xori %lt3A_606, %lt3A_608 : i1
      %and3A_610 = arith.andi %ne3A_609, %ne3A_604 : i1
      %add3A_611 = arith.addi %rem3A_602, %select_n3A_601 : i32
      %select_n3A_612 = arith.select %and3A_610, %add3A_611, %rem3A_602 : i32
      %dma_wait3A_613 = arith.constant 0 : i32
      %dma_wait3A_614 = arith.constant 0 : i32
      %dma_wait3A_615 = tpu.memref_slice %arg3[%select_n3A_596, %dma_wait3A_613, %select_n3A_612, %dma_wait3A_614] : memref<4x32x512x512xf32, #tpu.memory_space<hbm>> -> memref<1x32x2x512xf32, #tpu.memory_space<hbm>>
      %dma_wait3A_616 = tpu.memref_squeeze %dma_wait3A_615 : memref<1x32x2x512xf32, #tpu.memory_space<hbm>> -> memref<32x2x512xf32, #tpu.memory_space<hbm>>
      %dma_wait3A_617 = arith.constant 0 : i32
      %dma_wait3A_618 = arith.constant 0 : i32
      %dma_wait3A_619 = tpu.memref_slice %arg3[%select_n3A_596, %dma_wait3A_617, %select_n3A_612, %dma_wait3A_618] : memref<4x32x512x512xf32, #tpu.memory_space<hbm>> -> memref<1x32x2x512xf32, #tpu.memory_space<hbm>>
      %dma_wait3A_620 = tpu.memref_squeeze %dma_wait3A_619 : memref<1x32x2x512xf32, #tpu.memory_space<hbm>> -> memref<32x2x512xf32, #tpu.memory_space<hbm>>
      tpu.wait_dma2 semaphore(%arg14 : memref<!tpu.dma_semaphore, #tpu.memory_space<semaphore_mem>>) src(%arg8 : memref<32x2x512xf32, #tpu.memory_space<vmem>>) dst(%dma_wait3A_620 : memref<32x2x512xf32, #tpu.memory_space<hbm>>)
      %broadcast_in_dim3A_621 = arith.constant 0 : i32
      %broadcast_in_dim3A_622 = vector.broadcast %broadcast_in_dim3A_621 : i32 to vector<16xi32>
      %broadcast_in_dim3A_623 = arith.constant 1 : i32
      %broadcast_in_dim3A_624 = vector.broadcast %broadcast_in_dim3A_623 : i32 to vector<16xi32>
      %scan3A_625 = arith.constant 0 : i32
      %scan3A_626 = arith.constant 0 : i32
      %scan3A_627 = arith.constant 32 : i32
      %scan3A_628 = arith.addi %scan3A_626, %scan3A_627 : i32
      %scan3A_629 = arith.constant 4 : i32
      %scan3A_630 = scf.for %scan3A_1185 = %scan3A_626 to %scan3A_628 step %scan3A_629 iter_args(%scan3A_1186 = %scan3A_625) -> (i32)  : i32 {
        %mul3A_1187 = arith.constant 16 : i32
        %mul3A_1188 = arith.muli %scan3A_1185, %mul3A_1187 : i32
        %add3A_1189 = vector.broadcast %mul3A_1188 : i32 to vector<16xi32>
        %add3A_1190 = arith.addi %add3A_1189, %iota3A : vector<16xi32>
        %mul3A_1191 = arith.constant 16 : i32
        %mul3A_1192 = arith.muli %scan3A_1185, %mul3A_1191 : i32
        %get3A = arith.constant 0 : i32
        %get3A_1193 = arith.index_cast %get3A : i32 to index
        %get3A_1194 = arith.index_cast %mul3A_1192 : i32 to index
        %get3A_1195 = tpu.vector_load %arg4[%get3A_1193, %get3A_1194] {strides = array<i32>} : memref<2x512xi32, #tpu.memory_space<vmem>>, vector<16xi32>,
        tpu.vector_store_idx %arg8[%get3A_1195, %broadcast_in_dim3A_622, %add3A_1190], %broadcast_in_dim3A_3 : memref<32x2x512xf32, #tpu.memory_space<vmem>>[vector<16xi32>, vector<16xi32>, vector<16xi32>], vector<16xf32>,
        %mul3A_1196 = arith.constant 16 : i32
        %mul3A_1197 = arith.muli %scan3A_1185, %mul3A_1196 : i32
        %get3A_1198 = arith.constant 1 : i32
        %get3A_1199 = arith.index_cast %get3A_1198 : i32 to index
        %get3A_1200 = arith.index_cast %mul3A_1197 : i32 to index
        %get3A_1201 = tpu.vector_load %arg4[%get3A_1199, %get3A_1200] {strides = array<i32>} : memref<2x512xi32, #tpu.memory_space<vmem>>, vector<16xi32>,
        tpu.vector_store_idx %arg8[%get3A_1201, %broadcast_in_dim3A_624, %add3A_1190], %broadcast_in_dim3A_3 : memref<32x2x512xf32, #tpu.memory_space<vmem>>[vector<16xi32>, vector<16xi32>, vector<16xi32>], vector<16xf32>,
        %scan3A_1202 = arith.constant 0 : i32
        %scan3A_1203 = arith.constant 1 : i32
        %scan3A_1204 = arith.addi %scan3A_1185, %scan3A_1203 : i32
        %mul3A_1205 = arith.constant 16 : i32
        %mul3A_1206 = arith.muli %scan3A_1204, %mul3A_1205 : i32
        %add3A_1207 = vector.broadcast %mul3A_1206 : i32 to vector<16xi32>
        %add3A_1208 = arith.addi %add3A_1207, %iota3A : vector<16xi32>
        %mul3A_1209 = arith.constant 16 : i32
        %mul3A_1210 = arith.muli %scan3A_1204, %mul3A_1209 : i32
        %get3A_1211 = arith.constant 0 : i32
        %get3A_1212 = arith.index_cast %get3A_1211 : i32 to index
        %get3A_1213 = arith.index_cast %mul3A_1210 : i32 to index
        %get3A_1214 = tpu.vector_load %arg4[%get3A_1212, %get3A_1213] {strides = array<i32>} : memref<2x512xi32, #tpu.memory_space<vmem>>, vector<16xi32>,
        tpu.vector_store_idx %arg8[%get3A_1214, %broadcast_in_dim3A_622, %add3A_1208], %broadcast_in_dim3A_3 : memref<32x2x512xf32, #tpu.memory_space<vmem>>[vector<16xi32>, vector<16xi32>, vector<16xi32>], vector<16xf32>,
        %mul3A_1215 = arith.constant 16 : i32
        %mul3A_1216 = arith.muli %scan3A_1204, %mul3A_1215 : i32
        %get3A_1217 = arith.constant 1 : i32
        %get3A_1218 = arith.index_cast %get3A_1217 : i32 to index
        %get3A_1219 = arith.index_cast %mul3A_1216 : i32 to index
        %get3A_1220 = tpu.vector_load %arg4[%get3A_1218, %get3A_1219] {strides = array<i32>} : memref<2x512xi32, #tpu.memory_space<vmem>>, vector<16xi32>,
        tpu.vector_store_idx %arg8[%get3A_1220, %broadcast_in_dim3A_624, %add3A_1208], %broadcast_in_dim3A_3 : memref<32x2x512xf32, #tpu.memory_space<vmem>>[vector<16xi32>, vector<16xi32>, vector<16xi32>], vector<16xf32>,
        %scan3A_1221 = arith.constant 0 : i32
        %scan3A_1222 = arith.constant 2 : i32
        %scan3A_1223 = arith.addi %scan3A_1185, %scan3A_1222 : i32
        %mul3A_1224 = arith.constant 16 : i32
        %mul3A_1225 = arith.muli %scan3A_1223, %mul3A_1224 : i32
        %add3A_1226 = vector.broadcast %mul3A_1225 : i32 to vector<16xi32>
        %add3A_1227 = arith.addi %add3A_1226, %iota3A : vector<16xi32>
        %mul3A_1228 = arith.constant 16 : i32
        %mul3A_1229 = arith.muli %scan3A_1223, %mul3A_1228 : i32
        %get3A_1230 = arith.constant 0 : i32
        %get3A_1231 = arith.index_cast %get3A_1230 : i32 to index
        %get3A_1232 = arith.index_cast %mul3A_1229 : i32 to index
        %get3A_1233 = tpu.vector_load %arg4[%get3A_1231, %get3A_1232] {strides = array<i32>} : memref<2x512xi32, #tpu.memory_space<vmem>>, vector<16xi32>,
        tpu.vector_store_idx %arg8[%get3A_1233, %broadcast_in_dim3A_622, %add3A_1227], %broadcast_in_dim3A_3 : memref<32x2x512xf32, #tpu.memory_space<vmem>>[vector<16xi32>, vector<16xi32>, vector<16xi32>], vector<16xf32>,
        %mul3A_1234 = arith.constant 16 : i32
        %mul3A_1235 = arith.muli %scan3A_1223, %mul3A_1234 : i32
        %get3A_1236 = arith.constant 1 : i32
        %get3A_1237 = arith.index_cast %get3A_1236 : i32 to index
        %get3A_1238 = arith.index_cast %mul3A_1235 : i32 to index
        %get3A_1239 = tpu.vector_load %arg4[%get3A_1237, %get3A_1238] {strides = array<i32>} : memref<2x512xi32, #tpu.memory_space<vmem>>, vector<16xi32>,
        tpu.vector_store_idx %arg8[%get3A_1239, %broadcast_in_dim3A_624, %add3A_1227], %broadcast_in_dim3A_3 : memref<32x2x512xf32, #tpu.memory_space<vmem>>[vector<16xi32>, vector<16xi32>, vector<16xi32>], vector<16xf32>,
        %scan3A_1240 = arith.constant 0 : i32
        %scan3A_1241 = arith.constant 3 : i32
        %scan3A_1242 = arith.addi %scan3A_1185, %scan3A_1241 : i32
        %mul3A_1243 = arith.constant 16 : i32
        %mul3A_1244 = arith.muli %scan3A_1242, %mul3A_1243 : i32
        %add3A_1245 = vector.broadcast %mul3A_1244 : i32 to vector<16xi32>
        %add3A_1246 = arith.addi %add3A_1245, %iota3A : vector<16xi32>
        %mul3A_1247 = arith.constant 16 : i32
        %mul3A_1248 = arith.muli %scan3A_1242, %mul3A_1247 : i32
        %get3A_1249 = arith.constant 0 : i32
        %get3A_1250 = arith.index_cast %get3A_1249 : i32 to index
        %get3A_1251 = arith.index_cast %mul3A_1248 : i32 to index
        %get3A_1252 = tpu.vector_load %arg4[%get3A_1250, %get3A_1251] {strides = array<i32>} : memref<2x512xi32, #tpu.memory_space<vmem>>, vector<16xi32>,
        tpu.vector_store_idx %arg8[%get3A_1252, %broadcast_in_dim3A_622, %add3A_1246], %broadcast_in_dim3A_3 : memref<32x2x512xf32, #tpu.memory_space<vmem>>[vector<16xi32>, vector<16xi32>, vector<16xi32>], vector<16xf32>,
        %mul3A_1253 = arith.constant 16 : i32
        %mul3A_1254 = arith.muli %scan3A_1242, %mul3A_1253 : i32
        %get3A_1255 = arith.constant 1 : i32
        %get3A_1256 = arith.index_cast %get3A_1255 : i32 to index
        %get3A_1257 = arith.index_cast %mul3A_1254 : i32 to index
        %get3A_1258 = tpu.vector_load %arg4[%get3A_1256, %get3A_1257] {strides = array<i32>} : memref<2x512xi32, #tpu.memory_space<vmem>>, vector<16xi32>,
        tpu.vector_store_idx %arg8[%get3A_1258, %broadcast_in_dim3A_624, %add3A_1246], %broadcast_in_dim3A_3 : memref<32x2x512xf32, #tpu.memory_space<vmem>>[vector<16xi32>, vector<16xi32>, vector<16xi32>], vector<16xf32>,
        %scan3A_1259 = arith.constant 0 : i32
        scf.yield %scan3A_1259 : i32
      }
      %scan3A_631 = arith.constant 32 : i32
      %add3A_632 = arith.constant 2 : i32
      %add3A_633 = arith.addi %add3A_565, %add3A_632 : i32
      %mul3A_634 = arith.constant 64 : i32
      %mul3A_635 = arith.muli %add3A, %mul3A_634 : i32
      %mul3A_636 = arith.constant 2 : i32
      %mul3A_637 = arith.muli %mul3A_636, %add3A_633 : i32
      %add3A_638 = arith.addi %mul3A_635, %mul3A_637 : i32
      %dma_start3A_639 = arith.constant 0 : i32
      %dma_start3A_640 = tpu.memref_slice %arg2[%add3A_638, %dma_start3A_639] : memref<2048x512xi32, #tpu.memory_space<hbm>> -> memref<2x512xi32, #tpu.memory_space<hbm>>
      %dma_start3A_641 = arith.constant 0 : i32
      %dma_start3A_642 = tpu.memref_slice %arg2[%add3A_638, %dma_start3A_641] : memref<2048x512xi32, #tpu.memory_space<hbm>> -> memref<2x512xi32, #tpu.memory_space<hbm>>
      tpu.enqueue_dma source(%dma_start3A_642 : memref<2x512xi32, #tpu.memory_space<hbm>>) target(%arg4 : memref<2x512xi32, #tpu.memory_space<vmem>>) target_semaphore(%arg10 : memref<!tpu.dma_semaphore, #tpu.memory_space<semaphore_mem>>)
      %mul3A_643 = arith.constant 64 : i32
      %mul3A_644 = arith.muli %add3A, %mul3A_643 : i32
      %mul3A_645 = arith.constant 2 : i32
      %mul3A_646 = arith.muli %mul3A_645, %add3A_565 : i32
      %add3A_647 = arith.addi %mul3A_644, %mul3A_646 : i32
      %dma_wait3A_648 = arith.constant 0 : i32
      %dma_wait3A_649 = tpu.memref_slice %arg2[%add3A_647, %dma_wait3A_648] : memref<2048x512xi32, #tpu.memory_space<hbm>> -> memref<2x512xi32, #tpu.memory_space<hbm>>
      %dma_wait3A_650 = arith.constant 0 : i32
      %dma_wait3A_651 = tpu.memref_slice %arg2[%add3A_647, %dma_wait3A_650] : memref<2048x512xi32, #tpu.memory_space<hbm>> -> memref<2x512xi32, #tpu.memory_space<hbm>>
      tpu.wait_dma2 semaphore(%arg12 : memref<!tpu.dma_semaphore, #tpu.memory_space<semaphore_mem>>) src(%dma_wait3A_651 : memref<2x512xi32, #tpu.memory_space<hbm>>) dst(%arg6 : memref<2x512xi32, #tpu.memory_space<vmem>>)
      %broadcast_in_dim3A_652 = arith.constant 0 : i32
      %broadcast_in_dim3A_653 = vector.broadcast %broadcast_in_dim3A_652 : i32 to vector<16xi32>
      %broadcast_in_dim3A_654 = arith.constant 1 : i32
      %broadcast_in_dim3A_655 = vector.broadcast %broadcast_in_dim3A_654 : i32 to vector<16xi32>
      %scan3A_656 = arith.constant 0 : i32
      %scan3A_657 = arith.constant 0 : i32
      %scan3A_658 = arith.constant 32 : i32
      %scan3A_659 = arith.addi %scan3A_657, %scan3A_658 : i32
      %scan3A_660 = arith.constant 4 : i32
      %scan3A_661 = scf.for %scan3A_1185 = %scan3A_657 to %scan3A_659 step %scan3A_660 iter_args(%scan3A_1186 = %scan3A_656) -> (i32)  : i32 {
        %mul3A_1187 = arith.constant 16 : i32
        %mul3A_1188 = arith.muli %scan3A_1185, %mul3A_1187 : i32
        %add3A_1189 = vector.broadcast %mul3A_1188 : i32 to vector<16xi32>
        %add3A_1190 = arith.addi %add3A_1189, %iota3A : vector<16xi32>
        %mul3A_1191 = arith.constant 16 : i32
        %mul3A_1192 = arith.muli %scan3A_1185, %mul3A_1191 : i32
        %get3A = arith.constant 0 : i32
        %get3A_1193 = arith.index_cast %get3A : i32 to index
        %get3A_1194 = arith.index_cast %mul3A_1192 : i32 to index
        %get3A_1195 = tpu.vector_load %arg6[%get3A_1193, %get3A_1194] {strides = array<i32>} : memref<2x512xi32, #tpu.memory_space<vmem>>, vector<16xi32>,
        tpu.vector_store_idx %arg8[%get3A_1195, %broadcast_in_dim3A_653, %add3A_1190], %broadcast_in_dim3A_1 : memref<32x2x512xf32, #tpu.memory_space<vmem>>[vector<16xi32>, vector<16xi32>, vector<16xi32>], vector<16xf32>,
        %mul3A_1196 = arith.constant 16 : i32
        %mul3A_1197 = arith.muli %scan3A_1185, %mul3A_1196 : i32
        %get3A_1198 = arith.constant 1 : i32
        %get3A_1199 = arith.index_cast %get3A_1198 : i32 to index
        %get3A_1200 = arith.index_cast %mul3A_1197 : i32 to index
        %get3A_1201 = tpu.vector_load %arg6[%get3A_1199, %get3A_1200] {strides = array<i32>} : memref<2x512xi32, #tpu.memory_space<vmem>>, vector<16xi32>,
        tpu.vector_store_idx %arg8[%get3A_1201, %broadcast_in_dim3A_655, %add3A_1190], %broadcast_in_dim3A_1 : memref<32x2x512xf32, #tpu.memory_space<vmem>>[vector<16xi32>, vector<16xi32>, vector<16xi32>], vector<16xf32>,
        %scan3A_1202 = arith.constant 0 : i32
        %scan3A_1203 = arith.constant 1 : i32
        %scan3A_1204 = arith.addi %scan3A_1185, %scan3A_1203 : i32
        %mul3A_1205 = arith.constant 16 : i32
        %mul3A_1206 = arith.muli %scan3A_1204, %mul3A_1205 : i32
        %add3A_1207 = vector.broadcast %mul3A_1206 : i32 to vector<16xi32>
        %add3A_1208 = arith.addi %add3A_1207, %iota3A : vector<16xi32>
        %mul3A_1209 = arith.constant 16 : i32
        %mul3A_1210 = arith.muli %scan3A_1204, %mul3A_1209 : i32
        %get3A_1211 = arith.constant 0 : i32
        %get3A_1212 = arith.index_cast %get3A_1211 : i32 to index
        %get3A_1213 = arith.index_cast %mul3A_1210 : i32 to index
        %get3A_1214 = tpu.vector_load %arg6[%get3A_1212, %get3A_1213] {strides = array<i32>} : memref<2x512xi32, #tpu.memory_space<vmem>>, vector<16xi32>,
        tpu.vector_store_idx %arg8[%get3A_1214, %broadcast_in_dim3A_653, %add3A_1208], %broadcast_in_dim3A_1 : memref<32x2x512xf32, #tpu.memory_space<vmem>>[vector<16xi32>, vector<16xi32>, vector<16xi32>], vector<16xf32>,
        %mul3A_1215 = arith.constant 16 : i32
        %mul3A_1216 = arith.muli %scan3A_1204, %mul3A_1215 : i32
        %get3A_1217 = arith.constant 1 : i32
        %get3A_1218 = arith.index_cast %get3A_1217 : i32 to index
        %get3A_1219 = arith.index_cast %mul3A_1216 : i32 to index
        %get3A_1220 = tpu.vector_load %arg6[%get3A_1218, %get3A_1219] {strides = array<i32>} : memref<2x512xi32, #tpu.memory_space<vmem>>, vector<16xi32>,
        tpu.vector_store_idx %arg8[%get3A_1220, %broadcast_in_dim3A_655, %add3A_1208], %broadcast_in_dim3A_1 : memref<32x2x512xf32, #tpu.memory_space<vmem>>[vector<16xi32>, vector<16xi32>, vector<16xi32>], vector<16xf32>,
        %scan3A_1221 = arith.constant 0 : i32
        %scan3A_1222 = arith.constant 2 : i32
        %scan3A_1223 = arith.addi %scan3A_1185, %scan3A_1222 : i32
        %mul3A_1224 = arith.constant 16 : i32
        %mul3A_1225 = arith.muli %scan3A_1223, %mul3A_1224 : i32
        %add3A_1226 = vector.broadcast %mul3A_1225 : i32 to vector<16xi32>
        %add3A_1227 = arith.addi %add3A_1226, %iota3A : vector<16xi32>
        %mul3A_1228 = arith.constant 16 : i32
        %mul3A_1229 = arith.muli %scan3A_1223, %mul3A_1228 : i32
        %get3A_1230 = arith.constant 0 : i32
        %get3A_1231 = arith.index_cast %get3A_1230 : i32 to index
        %get3A_1232 = arith.index_cast %mul3A_1229 : i32 to index
        %get3A_1233 = tpu.vector_load %arg6[%get3A_1231, %get3A_1232] {strides = array<i32>} : memref<2x512xi32, #tpu.memory_space<vmem>>, vector<16xi32>,
        tpu.vector_store_idx %arg8[%get3A_1233, %broadcast_in_dim3A_653, %add3A_1227], %broadcast_in_dim3A_1 : memref<32x2x512xf32, #tpu.memory_space<vmem>>[vector<16xi32>, vector<16xi32>, vector<16xi32>], vector<16xf32>,
        %mul3A_1234 = arith.constant 16 : i32
        %mul3A_1235 = arith.muli %scan3A_1223, %mul3A_1234 : i32
        %get3A_1236 = arith.constant 1 : i32
        %get3A_1237 = arith.index_cast %get3A_1236 : i32 to index
        %get3A_1238 = arith.index_cast %mul3A_1235 : i32 to index
        %get3A_1239 = tpu.vector_load %arg6[%get3A_1237, %get3A_1238] {strides = array<i32>} : memref<2x512xi32, #tpu.memory_space<vmem>>, vector<16xi32>,
        tpu.vector_store_idx %arg8[%get3A_1239, %broadcast_in_dim3A_655, %add3A_1227], %broadcast_in_dim3A_1 : memref<32x2x512xf32, #tpu.memory_space<vmem>>[vector<16xi32>, vector<16xi32>, vector<16xi32>], vector<16xf32>,
        %scan3A_1240 = arith.constant 0 : i32
        %scan3A_1241 = arith.constant 3 : i32
        %scan3A_1242 = arith.addi %scan3A_1185, %scan3A_1241 : i32
        %mul3A_1243 = arith.constant 16 : i32
        %mul3A_1244 = arith.muli %scan3A_1242, %mul3A_1243 : i32
        %add3A_1245 = vector.broadcast %mul3A_1244 : i32 to vector<16xi32>
        %add3A_1246 = arith.addi %add3A_1245, %iota3A : vector<16xi32>
        %mul3A_1247 = arith.constant 16 : i32
        %mul3A_1248 = arith.muli %scan3A_1242, %mul3A_1247 : i32
        %get3A_1249 = arith.constant 0 : i32
        %get3A_1250 = arith.index_cast %get3A_1249 : i32 to index
        %get3A_1251 = arith.index_cast %mul3A_1248 : i32 to index
        %get3A_1252 = tpu.vector_load %arg6[%get3A_1250, %get3A_1251] {strides = array<i32>} : memref<2x512xi32, #tpu.memory_space<vmem>>, vector<16xi32>,
        tpu.vector_store_idx %arg8[%get3A_1252, %broadcast_in_dim3A_653, %add3A_1246], %broadcast_in_dim3A_1 : memref<32x2x512xf32, #tpu.memory_space<vmem>>[vector<16xi32>, vector<16xi32>, vector<16xi32>], vector<16xf32>,
        %mul3A_1253 = arith.constant 16 : i32
        %mul3A_1254 = arith.muli %scan3A_1242, %mul3A_1253 : i32
        %get3A_1255 = arith.constant 1 : i32
        %get3A_1256 = arith.index_cast %get3A_1255 : i32 to index
        %get3A_1257 = arith.index_cast %mul3A_1254 : i32 to index
        %get3A_1258 = tpu.vector_load %arg6[%get3A_1256, %get3A_1257] {strides = array<i32>} : memref<2x512xi32, #tpu.memory_space<vmem>>, vector<16xi32>,
        tpu.vector_store_idx %arg8[%get3A_1258, %broadcast_in_dim3A_655, %add3A_1246], %broadcast_in_dim3A_1 : memref<32x2x512xf32, #tpu.memory_space<vmem>>[vector<16xi32>, vector<16xi32>, vector<16xi32>], vector<16xf32>,
        %scan3A_1259 = arith.constant 0 : i32
        scf.yield %scan3A_1259 : i32
      }
      %scan3A_662 = arith.constant 32 : i32
      %mul3A_663 = arith.constant 64 : i32
      %mul3A_664 = arith.muli %add3A, %mul3A_663 : i32
      %mul3A_665 = arith.constant 2 : i32
      %mul3A_666 = arith.muli %mul3A_665, %add3A_565 : i32
      %add3A_667 = arith.addi %mul3A_664, %mul3A_666 : i32
      %jit3A_668 = arith.constant 512 : i32
      %div3A_669 = arith.divsi %add3A_667, %jit3A_668 : i32
      %sign3A_670 = arith.constant 0 : i32
      %sign3A_671 = arith.cmpi sgt, %add3A_667, %sign3A_670 : i32
      %sign3A_672 = arith.extui %sign3A_671 : i1 to i32
      %sign3A_673 = arith.constant 0 : i32
      %sign3A_674 = arith.cmpi slt, %add3A_667, %sign3A_673 : i32
      %sign3A_675 = arith.extui %sign3A_674 : i1 to i32
      %sign3A_676 = arith.subi %sign3A_672, %sign3A_675 : i32
      %sign3A_677 = arith.constant 0 : i32
      %sign3A_678 = arith.cmpi sgt, %jit3A_668, %sign3A_677 : i32
      %sign3A_679 = arith.extui %sign3A_678 : i1 to i32
      %sign3A_680 = arith.constant 0 : i32
      %sign3A_681 = arith.cmpi slt, %jit3A_668, %sign3A_680 : i32
      %sign3A_682 = arith.extui %sign3A_681 : i1 to i32
      %sign3A_683 = arith.subi %sign3A_679, %sign3A_682 : i32
      %ne3A_684 = arith.cmpi ne, %sign3A_676, %sign3A_683 : i32
      %rem3A_685 = arith.remsi %add3A_667, %jit3A_668 : i32
      %ne3A_686 = arith.constant 0 : i32
      %ne3A_687 = arith.cmpi ne, %rem3A_685, %ne3A_686 : i32
      %and3A_688 = arith.andi %ne3A_684, %ne3A_687 : i1
      %sub3A_689 = arith.constant 1 : i32
      %sub3A_690 = arith.subi %div3A_669, %sub3A_689 : i32
      %select_n3A_691 = arith.select %and3A_688, %sub3A_690, %div3A_669 : i32
      %jit3A_692 = arith.constant 512 : i32
      %eq3A_693 = arith.constant 0 : i32
      %eq3A_694 = arith.cmpi eq, %jit3A_692, %eq3A_693 : i32
      %jit3A_695 = arith.constant 1 : i32
      %select_n3A_696 = arith.select %eq3A_694, %jit3A_695, %jit3A_692 : i32
      %rem3A_697 = arith.remsi %add3A_667, %select_n3A_696 : i32
      %ne3A_698 = arith.constant 0 : i32
      %ne3A_699 = arith.cmpi ne, %rem3A_697, %ne3A_698 : i32
      %lt3A_700 = arith.constant 0 : i32
      %lt3A_701 = arith.cmpi slt, %rem3A_697, %lt3A_700 : i32
      %lt3A_702 = arith.constant 0 : i32
      %lt3A_703 = arith.cmpi slt, %select_n3A_696, %lt3A_702 : i32
      %ne3A_704 = arith.xori %lt3A_701, %lt3A_703 : i1
      %and3A_705 = arith.andi %ne3A_704, %ne3A_699 : i1
      %add3A_706 = arith.addi %rem3A_697, %select_n3A_696 : i32
      %select_n3A_707 = arith.select %and3A_705, %add3A_706, %rem3A_697 : i32
      %dma_start3A_708 = arith.constant 0 : i32
      %dma_start3A_709 = arith.constant 0 : i32
      %dma_start3A_710 = tpu.memref_slice %arg3[%select_n3A_691, %dma_start3A_708, %select_n3A_707, %dma_start3A_709] : memref<4x32x512x512xf32, #tpu.memory_space<hbm>> -> memref<1x32x2x512xf32, #tpu.memory_space<hbm>>
      %dma_start3A_711 = tpu.memref_squeeze %dma_start3A_710 : memref<1x32x2x512xf32, #tpu.memory_space<hbm>> -> memref<32x2x512xf32, #tpu.memory_space<hbm>>
      %dma_start3A_712 = arith.constant 0 : i32
      %dma_start3A_713 = arith.constant 0 : i32
      %dma_start3A_714 = tpu.memref_slice %arg3[%select_n3A_691, %dma_start3A_712, %select_n3A_707, %dma_start3A_713] : memref<4x32x512x512xf32, #tpu.memory_space<hbm>> -> memref<1x32x2x512xf32, #tpu.memory_space<hbm>>
      %dma_start3A_715 = tpu.memref_squeeze %dma_start3A_714 : memref<1x32x2x512xf32, #tpu.memory_space<hbm>> -> memref<32x2x512xf32, #tpu.memory_space<hbm>>
      tpu.enqueue_dma source(%arg8 : memref<32x2x512xf32, #tpu.memory_space<vmem>>) target(%dma_start3A_715 : memref<32x2x512xf32, #tpu.memory_space<hbm>>) target_semaphore(%arg14 : memref<!tpu.dma_semaphore, #tpu.memory_space<semaphore_mem>>)
      %mul3A_716 = arith.constant 4 : i32
      %mul3A_717 = arith.muli %mul3A_716, %scan3A_558 : i32
      %add3A_718 = arith.constant 2 : i32
      %add3A_719 = arith.addi %mul3A_717, %add3A_718 : i32
      %add3A_720 = arith.constant 1 : i32
      %add3A_721 = arith.addi %add3A_719, %add3A_720 : i32
      %sub3A_722 = arith.constant 2 : i32
      %sub3A_723 = arith.subi %add3A_721, %sub3A_722 : i32
      %mul3A_724 = arith.constant 64 : i32
      %mul3A_725 = arith.muli %add3A, %mul3A_724 : i32
      %mul3A_726 = arith.constant 2 : i32
      %mul3A_727 = arith.muli %mul3A_726, %sub3A_723 : i32
      %add3A_728 = arith.addi %mul3A_725, %mul3A_727 : i32
      %jit3A_729 = arith.constant 512 : i32
      %div3A_730 = arith.divsi %add3A_728, %jit3A_729 : i32
      %sign3A_731 = arith.constant 0 : i32
      %sign3A_732 = arith.cmpi sgt, %add3A_728, %sign3A_731 : i32
      %sign3A_733 = arith.extui %sign3A_732 : i1 to i32
      %sign3A_734 = arith.constant 0 : i32
      %sign3A_735 = arith.cmpi slt, %add3A_728, %sign3A_734 : i32
      %sign3A_736 = arith.extui %sign3A_735 : i1 to i32
      %sign3A_737 = arith.subi %sign3A_733, %sign3A_736 : i32
      %sign3A_738 = arith.constant 0 : i32
      %sign3A_739 = arith.cmpi sgt, %jit3A_729, %sign3A_738 : i32
      %sign3A_740 = arith.extui %sign3A_739 : i1 to i32
      %sign3A_741 = arith.constant 0 : i32
      %sign3A_742 = arith.cmpi slt, %jit3A_729, %sign3A_741 : i32
      %sign3A_743 = arith.extui %sign3A_742 : i1 to i32
      %sign3A_744 = arith.subi %sign3A_740, %sign3A_743 : i32
      %ne3A_745 = arith.cmpi ne, %sign3A_737, %sign3A_744 : i32
      %rem3A_746 = arith.remsi %add3A_728, %jit3A_729 : i32
      %ne3A_747 = arith.constant 0 : i32
      %ne3A_748 = arith.cmpi ne, %rem3A_746, %ne3A_747 : i32
      %and3A_749 = arith.andi %ne3A_745, %ne3A_748 : i1
      %sub3A_750 = arith.constant 1 : i32
      %sub3A_751 = arith.subi %div3A_730, %sub3A_750 : i32
      %select_n3A_752 = arith.select %and3A_749, %sub3A_751, %div3A_730 : i32
      %jit3A_753 = arith.constant 512 : i32
      %eq3A_754 = arith.constant 0 : i32
      %eq3A_755 = arith.cmpi eq, %jit3A_753, %eq3A_754 : i32
      %jit3A_756 = arith.constant 1 : i32
      %select_n3A_757 = arith.select %eq3A_755, %jit3A_756, %jit3A_753 : i32
      %rem3A_758 = arith.remsi %add3A_728, %select_n3A_757 : i32
      %ne3A_759 = arith.constant 0 : i32
      %ne3A_760 = arith.cmpi ne, %rem3A_758, %ne3A_759 : i32
      %lt3A_761 = arith.constant 0 : i32
      %lt3A_762 = arith.cmpi slt, %rem3A_758, %lt3A_761 : i32
      %lt3A_763 = arith.constant 0 : i32
      %lt3A_764 = arith.cmpi slt, %select_n3A_757, %lt3A_763 : i32
      %ne3A_765 = arith.xori %lt3A_762, %lt3A_764 : i1
      %and3A_766 = arith.andi %ne3A_765, %ne3A_760 : i1
      %add3A_767 = arith.addi %rem3A_758, %select_n3A_757 : i32
      %select_n3A_768 = arith.select %and3A_766, %add3A_767, %rem3A_758 : i32
      %dma_wait3A_769 = arith.constant 0 : i32
      %dma_wait3A_770 = arith.constant 0 : i32
      %dma_wait3A_771 = tpu.memref_slice %arg3[%select_n3A_752, %dma_wait3A_769, %select_n3A_768, %dma_wait3A_770] : memref<4x32x512x512xf32, #tpu.memory_space<hbm>> -> memref<1x32x2x512xf32, #tpu.memory_space<hbm>>
      %dma_wait3A_772 = tpu.memref_squeeze %dma_wait3A_771 : memref<1x32x2x512xf32, #tpu.memory_space<hbm>> -> memref<32x2x512xf32, #tpu.memory_space<hbm>>
      %dma_wait3A_773 = arith.constant 0 : i32
      %dma_wait3A_774 = arith.constant 0 : i32
      %dma_wait3A_775 = tpu.memref_slice %arg3[%select_n3A_752, %dma_wait3A_773, %select_n3A_768, %dma_wait3A_774] : memref<4x32x512x512xf32, #tpu.memory_space<hbm>> -> memref<1x32x2x512xf32, #tpu.memory_space<hbm>>
      %dma_wait3A_776 = tpu.memref_squeeze %dma_wait3A_775 : memref<1x32x2x512xf32, #tpu.memory_space<hbm>> -> memref<32x2x512xf32, #tpu.memory_space<hbm>>
      tpu.wait_dma2 semaphore(%arg15 : memref<!tpu.dma_semaphore, #tpu.memory_space<semaphore_mem>>) src(%arg9 : memref<32x2x512xf32, #tpu.memory_space<vmem>>) dst(%dma_wait3A_776 : memref<32x2x512xf32, #tpu.memory_space<hbm>>)
      %broadcast_in_dim3A_777 = arith.constant 0 : i32
      %broadcast_in_dim3A_778 = vector.broadcast %broadcast_in_dim3A_777 : i32 to vector<16xi32>
      %broadcast_in_dim3A_779 = arith.constant 1 : i32
      %broadcast_in_dim3A_780 = vector.broadcast %broadcast_in_dim3A_779 : i32 to vector<16xi32>
      %scan3A_781 = arith.constant 0 : i32
      %scan3A_782 = arith.constant 0 : i32
      %scan3A_783 = arith.constant 32 : i32
      %scan3A_784 = arith.addi %scan3A_782, %scan3A_783 : i32
      %scan3A_785 = arith.constant 4 : i32
      %scan3A_786 = scf.for %scan3A_1185 = %scan3A_782 to %scan3A_784 step %scan3A_785 iter_args(%scan3A_1186 = %scan3A_781) -> (i32)  : i32 {
        %mul3A_1187 = arith.constant 16 : i32
        %mul3A_1188 = arith.muli %scan3A_1185, %mul3A_1187 : i32
        %add3A_1189 = vector.broadcast %mul3A_1188 : i32 to vector<16xi32>
        %add3A_1190 = arith.addi %add3A_1189, %iota3A : vector<16xi32>
        %mul3A_1191 = arith.constant 16 : i32
        %mul3A_1192 = arith.muli %scan3A_1185, %mul3A_1191 : i32
        %get3A = arith.constant 0 : i32
        %get3A_1193 = arith.index_cast %get3A : i32 to index
        %get3A_1194 = arith.index_cast %mul3A_1192 : i32 to index
        %get3A_1195 = tpu.vector_load %arg5[%get3A_1193, %get3A_1194] {strides = array<i32>} : memref<2x512xi32, #tpu.memory_space<vmem>>, vector<16xi32>,
        tpu.vector_store_idx %arg9[%get3A_1195, %broadcast_in_dim3A_778, %add3A_1190], %broadcast_in_dim3A_3 : memref<32x2x512xf32, #tpu.memory_space<vmem>>[vector<16xi32>, vector<16xi32>, vector<16xi32>], vector<16xf32>,
        %mul3A_1196 = arith.constant 16 : i32
        %mul3A_1197 = arith.muli %scan3A_1185, %mul3A_1196 : i32
        %get3A_1198 = arith.constant 1 : i32
        %get3A_1199 = arith.index_cast %get3A_1198 : i32 to index
        %get3A_1200 = arith.index_cast %mul3A_1197 : i32 to index
        %get3A_1201 = tpu.vector_load %arg5[%get3A_1199, %get3A_1200] {strides = array<i32>} : memref<2x512xi32, #tpu.memory_space<vmem>>, vector<16xi32>,
        tpu.vector_store_idx %arg9[%get3A_1201, %broadcast_in_dim3A_780, %add3A_1190], %broadcast_in_dim3A_3 : memref<32x2x512xf32, #tpu.memory_space<vmem>>[vector<16xi32>, vector<16xi32>, vector<16xi32>], vector<16xf32>,
        %scan3A_1202 = arith.constant 0 : i32
        %scan3A_1203 = arith.constant 1 : i32
        %scan3A_1204 = arith.addi %scan3A_1185, %scan3A_1203 : i32
        %mul3A_1205 = arith.constant 16 : i32
        %mul3A_1206 = arith.muli %scan3A_1204, %mul3A_1205 : i32
        %add3A_1207 = vector.broadcast %mul3A_1206 : i32 to vector<16xi32>
        %add3A_1208 = arith.addi %add3A_1207, %iota3A : vector<16xi32>
        %mul3A_1209 = arith.constant 16 : i32
        %mul3A_1210 = arith.muli %scan3A_1204, %mul3A_1209 : i32
        %get3A_1211 = arith.constant 0 : i32
        %get3A_1212 = arith.index_cast %get3A_1211 : i32 to index
        %get3A_1213 = arith.index_cast %mul3A_1210 : i32 to index
        %get3A_1214 = tpu.vector_load %arg5[%get3A_1212, %get3A_1213] {strides = array<i32>} : memref<2x512xi32, #tpu.memory_space<vmem>>, vector<16xi32>,
        tpu.vector_store_idx %arg9[%get3A_1214, %broadcast_in_dim3A_778, %add3A_1208], %broadcast_in_dim3A_3 : memref<32x2x512xf32, #tpu.memory_space<vmem>>[vector<16xi32>, vector<16xi32>, vector<16xi32>], vector<16xf32>,
        %mul3A_1215 = arith.constant 16 : i32
        %mul3A_1216 = arith.muli %scan3A_1204, %mul3A_1215 : i32
        %get3A_1217 = arith.constant 1 : i32
        %get3A_1218 = arith.index_cast %get3A_1217 : i32 to index
        %get3A_1219 = arith.index_cast %mul3A_1216 : i32 to index
        %get3A_1220 = tpu.vector_load %arg5[%get3A_1218, %get3A_1219] {strides = array<i32>} : memref<2x512xi32, #tpu.memory_space<vmem>>, vector<16xi32>,
        tpu.vector_store_idx %arg9[%get3A_1220, %broadcast_in_dim3A_780, %add3A_1208], %broadcast_in_dim3A_3 : memref<32x2x512xf32, #tpu.memory_space<vmem>>[vector<16xi32>, vector<16xi32>, vector<16xi32>], vector<16xf32>,
        %scan3A_1221 = arith.constant 0 : i32
        %scan3A_1222 = arith.constant 2 : i32
        %scan3A_1223 = arith.addi %scan3A_1185, %scan3A_1222 : i32
        %mul3A_1224 = arith.constant 16 : i32
        %mul3A_1225 = arith.muli %scan3A_1223, %mul3A_1224 : i32
        %add3A_1226 = vector.broadcast %mul3A_1225 : i32 to vector<16xi32>
        %add3A_1227 = arith.addi %add3A_1226, %iota3A : vector<16xi32>
        %mul3A_1228 = arith.constant 16 : i32
        %mul3A_1229 = arith.muli %scan3A_1223, %mul3A_1228 : i32
        %get3A_1230 = arith.constant 0 : i32
        %get3A_1231 = arith.index_cast %get3A_1230 : i32 to index
        %get3A_1232 = arith.index_cast %mul3A_1229 : i32 to index
        %get3A_1233 = tpu.vector_load %arg5[%get3A_1231, %get3A_1232] {strides = array<i32>} : memref<2x512xi32, #tpu.memory_space<vmem>>, vector<16xi32>,
        tpu.vector_store_idx %arg9[%get3A_1233, %broadcast_in_dim3A_778, %add3A_1227], %broadcast_in_dim3A_3 : memref<32x2x512xf32, #tpu.memory_space<vmem>>[vector<16xi32>, vector<16xi32>, vector<16xi32>], vector<16xf32>,
        %mul3A_1234 = arith.constant 16 : i32
        %mul3A_1235 = arith.muli %scan3A_1223, %mul3A_1234 : i32
        %get3A_1236 = arith.constant 1 : i32
        %get3A_1237 = arith.index_cast %get3A_1236 : i32 to index
        %get3A_1238 = arith.index_cast %mul3A_1235 : i32 to index
        %get3A_1239 = tpu.vector_load %arg5[%get3A_1237, %get3A_1238] {strides = array<i32>} : memref<2x512xi32, #tpu.memory_space<vmem>>, vector<16xi32>,
        tpu.vector_store_idx %arg9[%get3A_1239, %broadcast_in_dim3A_780, %add3A_1227], %broadcast_in_dim3A_3 : memref<32x2x512xf32, #tpu.memory_space<vmem>>[vector<16xi32>, vector<16xi32>, vector<16xi32>], vector<16xf32>,
        %scan3A_1240 = arith.constant 0 : i32
        %scan3A_1241 = arith.constant 3 : i32
        %scan3A_1242 = arith.addi %scan3A_1185, %scan3A_1241 : i32
        %mul3A_1243 = arith.constant 16 : i32
        %mul3A_1244 = arith.muli %scan3A_1242, %mul3A_1243 : i32
        %add3A_1245 = vector.broadcast %mul3A_1244 : i32 to vector<16xi32>
        %add3A_1246 = arith.addi %add3A_1245, %iota3A : vector<16xi32>
        %mul3A_1247 = arith.constant 16 : i32
        %mul3A_1248 = arith.muli %scan3A_1242, %mul3A_1247 : i32
        %get3A_1249 = arith.constant 0 : i32
        %get3A_1250 = arith.index_cast %get3A_1249 : i32 to index
        %get3A_1251 = arith.index_cast %mul3A_1248 : i32 to index
        %get3A_1252 = tpu.vector_load %arg5[%get3A_1250, %get3A_1251] {strides = array<i32>} : memref<2x512xi32, #tpu.memory_space<vmem>>, vector<16xi32>,
        tpu.vector_store_idx %arg9[%get3A_1252, %broadcast_in_dim3A_778, %add3A_1246], %broadcast_in_dim3A_3 : memref<32x2x512xf32, #tpu.memory_space<vmem>>[vector<16xi32>, vector<16xi32>, vector<16xi32>], vector<16xf32>,
        %mul3A_1253 = arith.constant 16 : i32
        %mul3A_1254 = arith.muli %scan3A_1242, %mul3A_1253 : i32
        %get3A_1255 = arith.constant 1 : i32
        %get3A_1256 = arith.index_cast %get3A_1255 : i32 to index
        %get3A_1257 = arith.index_cast %mul3A_1254 : i32 to index
        %get3A_1258 = tpu.vector_load %arg5[%get3A_1256, %get3A_1257] {strides = array<i32>} : memref<2x512xi32, #tpu.memory_space<vmem>>, vector<16xi32>,
        tpu.vector_store_idx %arg9[%get3A_1258, %broadcast_in_dim3A_780, %add3A_1246], %broadcast_in_dim3A_3 : memref<32x2x512xf32, #tpu.memory_space<vmem>>[vector<16xi32>, vector<16xi32>, vector<16xi32>], vector<16xf32>,
        %scan3A_1259 = arith.constant 0 : i32
        scf.yield %scan3A_1259 : i32
      }
      %scan3A_787 = arith.constant 32 : i32
      %add3A_788 = arith.constant 2 : i32
      %add3A_789 = arith.addi %add3A_721, %add3A_788 : i32
      %mul3A_790 = arith.constant 64 : i32
      %mul3A_791 = arith.muli %add3A, %mul3A_790 : i32
      %mul3A_792 = arith.constant 2 : i32
      %mul3A_793 = arith.muli %mul3A_792, %add3A_789 : i32
      %add3A_794 = arith.addi %mul3A_791, %mul3A_793 : i32
      %dma_start3A_795 = arith.constant 0 : i32
      %dma_start3A_796 = tpu.memref_slice %arg2[%add3A_794, %dma_start3A_795] : memref<2048x512xi32, #tpu.memory_space<hbm>> -> memref<2x512xi32, #tpu.memory_space<hbm>>
      %dma_start3A_797 = arith.constant 0 : i32
      %dma_start3A_798 = tpu.memref_slice %arg2[%add3A_794, %dma_start3A_797] : memref<2048x512xi32, #tpu.memory_space<hbm>> -> memref<2x512xi32, #tpu.memory_space<hbm>>
      tpu.enqueue_dma source(%dma_start3A_798 : memref<2x512xi32, #tpu.memory_space<hbm>>) target(%arg5 : memref<2x512xi32, #tpu.memory_space<vmem>>) target_semaphore(%arg11 : memref<!tpu.dma_semaphore, #tpu.memory_space<semaphore_mem>>)
      %mul3A_799 = arith.constant 64 : i32
      %mul3A_800 = arith.muli %add3A, %mul3A_799 : i32
      %mul3A_801 = arith.constant 2 : i32
      %mul3A_802 = arith.muli %mul3A_801, %add3A_721 : i32
      %add3A_803 = arith.addi %mul3A_800, %mul3A_802 : i32
      %dma_wait3A_804 = arith.constant 0 : i32
      %dma_wait3A_805 = tpu.memref_slice %arg2[%add3A_803, %dma_wait3A_804] : memref<2048x512xi32, #tpu.memory_space<hbm>> -> memref<2x512xi32, #tpu.memory_space<hbm>>
      %dma_wait3A_806 = arith.constant 0 : i32
      %dma_wait3A_807 = tpu.memref_slice %arg2[%add3A_803, %dma_wait3A_806] : memref<2048x512xi32, #tpu.memory_space<hbm>> -> memref<2x512xi32, #tpu.memory_space<hbm>>
      tpu.wait_dma2 semaphore(%arg13 : memref<!tpu.dma_semaphore, #tpu.memory_space<semaphore_mem>>) src(%dma_wait3A_807 : memref<2x512xi32, #tpu.memory_space<hbm>>) dst(%arg7 : memref<2x512xi32, #tpu.memory_space<vmem>>)
      %broadcast_in_dim3A_808 = arith.constant 0 : i32
      %broadcast_in_dim3A_809 = vector.broadcast %broadcast_in_dim3A_808 : i32 to vector<16xi32>
      %broadcast_in_dim3A_810 = arith.constant 1 : i32
      %broadcast_in_dim3A_811 = vector.broadcast %broadcast_in_dim3A_810 : i32 to vector<16xi32>
      %scan3A_812 = arith.constant 0 : i32
      %scan3A_813 = arith.constant 0 : i32
      %scan3A_814 = arith.constant 32 : i32
      %scan3A_815 = arith.addi %scan3A_813, %scan3A_814 : i32
      %scan3A_816 = arith.constant 4 : i32
      %scan3A_817 = scf.for %scan3A_1185 = %scan3A_813 to %scan3A_815 step %scan3A_816 iter_args(%scan3A_1186 = %scan3A_812) -> (i32)  : i32 {
        %mul3A_1187 = arith.constant 16 : i32
        %mul3A_1188 = arith.muli %scan3A_1185, %mul3A_1187 : i32
        %add3A_1189 = vector.broadcast %mul3A_1188 : i32 to vector<16xi32>
        %add3A_1190 = arith.addi %add3A_1189, %iota3A : vector<16xi32>
        %mul3A_1191 = arith.constant 16 : i32
        %mul3A_1192 = arith.muli %scan3A_1185, %mul3A_1191 : i32
        %get3A = arith.constant 0 : i32
        %get3A_1193 = arith.index_cast %get3A : i32 to index
        %get3A_1194 = arith.index_cast %mul3A_1192 : i32 to index
        %get3A_1195 = tpu.vector_load %arg7[%get3A_1193, %get3A_1194] {strides = array<i32>} : memref<2x512xi32, #tpu.memory_space<vmem>>, vector<16xi32>,
        tpu.vector_store_idx %arg9[%get3A_1195, %broadcast_in_dim3A_809, %add3A_1190], %broadcast_in_dim3A_1 : memref<32x2x512xf32, #tpu.memory_space<vmem>>[vector<16xi32>, vector<16xi32>, vector<16xi32>], vector<16xf32>,
        %mul3A_1196 = arith.constant 16 : i32
        %mul3A_1197 = arith.muli %scan3A_1185, %mul3A_1196 : i32
        %get3A_1198 = arith.constant 1 : i32
        %get3A_1199 = arith.index_cast %get3A_1198 : i32 to index
        %get3A_1200 = arith.index_cast %mul3A_1197 : i32 to index
        %get3A_1201 = tpu.vector_load %arg7[%get3A_1199, %get3A_1200] {strides = array<i32>} : memref<2x512xi32, #tpu.memory_space<vmem>>, vector<16xi32>,
        tpu.vector_store_idx %arg9[%get3A_1201, %broadcast_in_dim3A_811, %add3A_1190], %broadcast_in_dim3A_1 : memref<32x2x512xf32, #tpu.memory_space<vmem>>[vector<16xi32>, vector<16xi32>, vector<16xi32>], vector<16xf32>,
        %scan3A_1202 = arith.constant 0 : i32
        %scan3A_1203 = arith.constant 1 : i32
        %scan3A_1204 = arith.addi %scan3A_1185, %scan3A_1203 : i32
        %mul3A_1205 = arith.constant 16 : i32
        %mul3A_1206 = arith.muli %scan3A_1204, %mul3A_1205 : i32
        %add3A_1207 = vector.broadcast %mul3A_1206 : i32 to vector<16xi32>
        %add3A_1208 = arith.addi %add3A_1207, %iota3A : vector<16xi32>
        %mul3A_1209 = arith.constant 16 : i32
        %mul3A_1210 = arith.muli %scan3A_1204, %mul3A_1209 : i32
        %get3A_1211 = arith.constant 0 : i32
        %get3A_1212 = arith.index_cast %get3A_1211 : i32 to index
        %get3A_1213 = arith.index_cast %mul3A_1210 : i32 to index
        %get3A_1214 = tpu.vector_load %arg7[%get3A_1212, %get3A_1213] {strides = array<i32>} : memref<2x512xi32, #tpu.memory_space<vmem>>, vector<16xi32>,
        tpu.vector_store_idx %arg9[%get3A_1214, %broadcast_in_dim3A_809, %add3A_1208], %broadcast_in_dim3A_1 : memref<32x2x512xf32, #tpu.memory_space<vmem>>[vector<16xi32>, vector<16xi32>, vector<16xi32>], vector<16xf32>,
        %mul3A_1215 = arith.constant 16 : i32
        %mul3A_1216 = arith.muli %scan3A_1204, %mul3A_1215 : i32
        %get3A_1217 = arith.constant 1 : i32
        %get3A_1218 = arith.index_cast %get3A_1217 : i32 to index
        %get3A_1219 = arith.index_cast %mul3A_1216 : i32 to index
        %get3A_1220 = tpu.vector_load %arg7[%get3A_1218, %get3A_1219] {strides = array<i32>} : memref<2x512xi32, #tpu.memory_space<vmem>>, vector<16xi32>,
        tpu.vector_store_idx %arg9[%get3A_1220, %broadcast_in_dim3A_811, %add3A_1208], %broadcast_in_dim3A_1 : memref<32x2x512xf32, #tpu.memory_space<vmem>>[vector<16xi32>, vector<16xi32>, vector<16xi32>], vector<16xf32>,
        %scan3A_1221 = arith.constant 0 : i32
        %scan3A_1222 = arith.constant 2 : i32
        %scan3A_1223 = arith.addi %scan3A_1185, %scan3A_1222 : i32
        %mul3A_1224 = arith.constant 16 : i32
        %mul3A_1225 = arith.muli %scan3A_1223, %mul3A_1224 : i32
        %add3A_1226 = vector.broadcast %mul3A_1225 : i32 to vector<16xi32>
        %add3A_1227 = arith.addi %add3A_1226, %iota3A : vector<16xi32>
        %mul3A_1228 = arith.constant 16 : i32
        %mul3A_1229 = arith.muli %scan3A_1223, %mul3A_1228 : i32
        %get3A_1230 = arith.constant 0 : i32
        %get3A_1231 = arith.index_cast %get3A_1230 : i32 to index
        %get3A_1232 = arith.index_cast %mul3A_1229 : i32 to index
        %get3A_1233 = tpu.vector_load %arg7[%get3A_1231, %get3A_1232] {strides = array<i32>} : memref<2x512xi32, #tpu.memory_space<vmem>>, vector<16xi32>,
        tpu.vector_store_idx %arg9[%get3A_1233, %broadcast_in_dim3A_809, %add3A_1227], %broadcast_in_dim3A_1 : memref<32x2x512xf32, #tpu.memory_space<vmem>>[vector<16xi32>, vector<16xi32>, vector<16xi32>], vector<16xf32>,
        %mul3A_1234 = arith.constant 16 : i32
        %mul3A_1235 = arith.muli %scan3A_1223, %mul3A_1234 : i32
        %get3A_1236 = arith.constant 1 : i32
        %get3A_1237 = arith.index_cast %get3A_1236 : i32 to index
        %get3A_1238 = arith.index_cast %mul3A_1235 : i32 to index
        %get3A_1239 = tpu.vector_load %arg7[%get3A_1237, %get3A_1238] {strides = array<i32>} : memref<2x512xi32, #tpu.memory_space<vmem>>, vector<16xi32>,
        tpu.vector_store_idx %arg9[%get3A_1239, %broadcast_in_dim3A_811, %add3A_1227], %broadcast_in_dim3A_1 : memref<32x2x512xf32, #tpu.memory_space<vmem>>[vector<16xi32>, vector<16xi32>, vector<16xi32>], vector<16xf32>,
        %scan3A_1240 = arith.constant 0 : i32
        %scan3A_1241 = arith.constant 3 : i32
        %scan3A_1242 = arith.addi %scan3A_1185, %scan3A_1241 : i32
        %mul3A_1243 = arith.constant 16 : i32
        %mul3A_1244 = arith.muli %scan3A_1242, %mul3A_1243 : i32
        %add3A_1245 = vector.broadcast %mul3A_1244 : i32 to vector<16xi32>
        %add3A_1246 = arith.addi %add3A_1245, %iota3A : vector<16xi32>
        %mul3A_1247 = arith.constant 16 : i32
        %mul3A_1248 = arith.muli %scan3A_1242, %mul3A_1247 : i32
        %get3A_1249 = arith.constant 0 : i32
        %get3A_1250 = arith.index_cast %get3A_1249 : i32 to index
        %get3A_1251 = arith.index_cast %mul3A_1248 : i32 to index
        %get3A_1252 = tpu.vector_load %arg7[%get3A_1250, %get3A_1251] {strides = array<i32>} : memref<2x512xi32, #tpu.memory_space<vmem>>, vector<16xi32>,
        tpu.vector_store_idx %arg9[%get3A_1252, %broadcast_in_dim3A_809, %add3A_1246], %broadcast_in_dim3A_1 : memref<32x2x512xf32, #tpu.memory_space<vmem>>[vector<16xi32>, vector<16xi32>, vector<16xi32>], vector<16xf32>,
        %mul3A_1253 = arith.constant 16 : i32
        %mul3A_1254 = arith.muli %scan3A_1242, %mul3A_1253 : i32
        %get3A_1255 = arith.constant 1 : i32
        %get3A_1256 = arith.index_cast %get3A_1255 : i32 to index
        %get3A_1257 = arith.index_cast %mul3A_1254 : i32 to index
        %get3A_1258 = tpu.vector_load %arg7[%get3A_1256, %get3A_1257] {strides = array<i32>} : memref<2x512xi32, #tpu.memory_space<vmem>>, vector<16xi32>,
        tpu.vector_store_idx %arg9[%get3A_1258, %broadcast_in_dim3A_811, %add3A_1246], %broadcast_in_dim3A_1 : memref<32x2x512xf32, #tpu.memory_space<vmem>>[vector<16xi32>, vector<16xi32>, vector<16xi32>], vector<16xf32>,
        %scan3A_1259 = arith.constant 0 : i32
        scf.yield %scan3A_1259 : i32
      }
      %scan3A_818 = arith.constant 32 : i32
      %mul3A_819 = arith.constant 64 : i32
      %mul3A_820 = arith.muli %add3A, %mul3A_819 : i32
      %mul3A_821 = arith.constant 2 : i32
      %mul3A_822 = arith.muli %mul3A_821, %add3A_721 : i32
      %add3A_823 = arith.addi %mul3A_820, %mul3A_822 : i32
      %jit3A_824 = arith.constant 512 : i32
      %div3A_825 = arith.divsi %add3A_823, %jit3A_824 : i32
      %sign3A_826 = arith.constant 0 : i32
      %sign3A_827 = arith.cmpi sgt, %add3A_823, %sign3A_826 : i32
      %sign3A_828 = arith.extui %sign3A_827 : i1 to i32
      %sign3A_829 = arith.constant 0 : i32
      %sign3A_830 = arith.cmpi slt, %add3A_823, %sign3A_829 : i32
      %sign3A_831 = arith.extui %sign3A_830 : i1 to i32
      %sign3A_832 = arith.subi %sign3A_828, %sign3A_831 : i32
      %sign3A_833 = arith.constant 0 : i32
      %sign3A_834 = arith.cmpi sgt, %jit3A_824, %sign3A_833 : i32
      %sign3A_835 = arith.extui %sign3A_834 : i1 to i32
      %sign3A_836 = arith.constant 0 : i32
      %sign3A_837 = arith.cmpi slt, %jit3A_824, %sign3A_836 : i32
      %sign3A_838 = arith.extui %sign3A_837 : i1 to i32
      %sign3A_839 = arith.subi %sign3A_835, %sign3A_838 : i32
      %ne3A_840 = arith.cmpi ne, %sign3A_832, %sign3A_839 : i32
      %rem3A_841 = arith.remsi %add3A_823, %jit3A_824 : i32
      %ne3A_842 = arith.constant 0 : i32
      %ne3A_843 = arith.cmpi ne, %rem3A_841, %ne3A_842 : i32
      %and3A_844 = arith.andi %ne3A_840, %ne3A_843 : i1
      %sub3A_845 = arith.constant 1 : i32
      %sub3A_846 = arith.subi %div3A_825, %sub3A_845 : i32
      %select_n3A_847 = arith.select %and3A_844, %sub3A_846, %div3A_825 : i32
      %jit3A_848 = arith.constant 512 : i32
      %eq3A_849 = arith.constant 0 : i32
      %eq3A_850 = arith.cmpi eq, %jit3A_848, %eq3A_849 : i32
      %jit3A_851 = arith.constant 1 : i32
      %select_n3A_852 = arith.select %eq3A_850, %jit3A_851, %jit3A_848 : i32
      %rem3A_853 = arith.remsi %add3A_823, %select_n3A_852 : i32
      %ne3A_854 = arith.constant 0 : i32
      %ne3A_855 = arith.cmpi ne, %rem3A_853, %ne3A_854 : i32
      %lt3A_856 = arith.constant 0 : i32
      %lt3A_857 = arith.cmpi slt, %rem3A_853, %lt3A_856 : i32
      %lt3A_858 = arith.constant 0 : i32
      %lt3A_859 = arith.cmpi slt, %select_n3A_852, %lt3A_858 : i32
      %ne3A_860 = arith.xori %lt3A_857, %lt3A_859 : i1
      %and3A_861 = arith.andi %ne3A_860, %ne3A_855 : i1
      %add3A_862 = arith.addi %rem3A_853, %select_n3A_852 : i32
      %select_n3A_863 = arith.select %and3A_861, %add3A_862, %rem3A_853 : i32
      %dma_start3A_864 = arith.constant 0 : i32
      %dma_start3A_865 = arith.constant 0 : i32
      %dma_start3A_866 = tpu.memref_slice %arg3[%select_n3A_847, %dma_start3A_864, %select_n3A_863, %dma_start3A_865] : memref<4x32x512x512xf32, #tpu.memory_space<hbm>> -> memref<1x32x2x512xf32, #tpu.memory_space<hbm>>
      %dma_start3A_867 = tpu.memref_squeeze %dma_start3A_866 : memref<1x32x2x512xf32, #tpu.memory_space<hbm>> -> memref<32x2x512xf32, #tpu.memory_space<hbm>>
      %dma_start3A_868 = arith.constant 0 : i32
      %dma_start3A_869 = arith.constant 0 : i32
      %dma_start3A_870 = tpu.memref_slice %arg3[%select_n3A_847, %dma_start3A_868, %select_n3A_863, %dma_start3A_869] : memref<4x32x512x512xf32, #tpu.memory_space<hbm>> -> memref<1x32x2x512xf32, #tpu.memory_space<hbm>>
      %dma_start3A_871 = tpu.memref_squeeze %dma_start3A_870 : memref<1x32x2x512xf32, #tpu.memory_space<hbm>> -> memref<32x2x512xf32, #tpu.memory_space<hbm>>
      tpu.enqueue_dma source(%arg9 : memref<32x2x512xf32, #tpu.memory_space<vmem>>) target(%dma_start3A_871 : memref<32x2x512xf32, #tpu.memory_space<hbm>>) target_semaphore(%arg15 : memref<!tpu.dma_semaphore, #tpu.memory_space<semaphore_mem>>)
      %mul3A_872 = arith.constant 4 : i32
      %mul3A_873 = arith.muli %mul3A_872, %scan3A_558 : i32
      %add3A_874 = arith.constant 2 : i32
      %add3A_875 = arith.addi %mul3A_873, %add3A_874 : i32
      %add3A_876 = arith.constant 2 : i32
      %add3A_877 = arith.addi %add3A_875, %add3A_876 : i32
      %sub3A_878 = arith.constant 2 : i32
      %sub3A_879 = arith.subi %add3A_877, %sub3A_878 : i32
      %mul3A_880 = arith.constant 64 : i32
      %mul3A_881 = arith.muli %add3A, %mul3A_880 : i32
      %mul3A_882 = arith.constant 2 : i32
      %mul3A_883 = arith.muli %mul3A_882, %sub3A_879 : i32
      %add3A_884 = arith.addi %mul3A_881, %mul3A_883 : i32
      %jit3A_885 = arith.constant 512 : i32
      %div3A_886 = arith.divsi %add3A_884, %jit3A_885 : i32
      %sign3A_887 = arith.constant 0 : i32
      %sign3A_888 = arith.cmpi sgt, %add3A_884, %sign3A_887 : i32
      %sign3A_889 = arith.extui %sign3A_888 : i1 to i32
      %sign3A_890 = arith.constant 0 : i32
      %sign3A_891 = arith.cmpi slt, %add3A_884, %sign3A_890 : i32
      %sign3A_892 = arith.extui %sign3A_891 : i1 to i32
      %sign3A_893 = arith.subi %sign3A_889, %sign3A_892 : i32
      %sign3A_894 = arith.constant 0 : i32
      %sign3A_895 = arith.cmpi sgt, %jit3A_885, %sign3A_894 : i32
      %sign3A_896 = arith.extui %sign3A_895 : i1 to i32
      %sign3A_897 = arith.constant 0 : i32
      %sign3A_898 = arith.cmpi slt, %jit3A_885, %sign3A_897 : i32
      %sign3A_899 = arith.extui %sign3A_898 : i1 to i32
      %sign3A_900 = arith.subi %sign3A_896, %sign3A_899 : i32
      %ne3A_901 = arith.cmpi ne, %sign3A_893, %sign3A_900 : i32
      %rem3A_902 = arith.remsi %add3A_884, %jit3A_885 : i32
      %ne3A_903 = arith.constant 0 : i32
      %ne3A_904 = arith.cmpi ne, %rem3A_902, %ne3A_903 : i32
      %and3A_905 = arith.andi %ne3A_901, %ne3A_904 : i1
      %sub3A_906 = arith.constant 1 : i32
      %sub3A_907 = arith.subi %div3A_886, %sub3A_906 : i32
      %select_n3A_908 = arith.select %and3A_905, %sub3A_907, %div3A_886 : i32
      %jit3A_909 = arith.constant 512 : i32
      %eq3A_910 = arith.constant 0 : i32
      %eq3A_911 = arith.cmpi eq, %jit3A_909, %eq3A_910 : i32
      %jit3A_912 = arith.constant 1 : i32
      %select_n3A_913 = arith.select %eq3A_911, %jit3A_912, %jit3A_909 : i32
      %rem3A_914 = arith.remsi %add3A_884, %select_n3A_913 : i32
      %ne3A_915 = arith.constant 0 : i32
      %ne3A_916 = arith.cmpi ne, %rem3A_914, %ne3A_915 : i32
      %lt3A_917 = arith.constant 0 : i32
      %lt3A_918 = arith.cmpi slt, %rem3A_914, %lt3A_917 : i32
      %lt3A_919 = arith.constant 0 : i32
      %lt3A_920 = arith.cmpi slt, %select_n3A_913, %lt3A_919 : i32
      %ne3A_921 = arith.xori %lt3A_918, %lt3A_920 : i1
      %and3A_922 = arith.andi %ne3A_921, %ne3A_916 : i1
      %add3A_923 = arith.addi %rem3A_914, %select_n3A_913 : i32
      %select_n3A_924 = arith.select %and3A_922, %add3A_923, %rem3A_914 : i32
      %dma_wait3A_925 = arith.constant 0 : i32
      %dma_wait3A_926 = arith.constant 0 : i32
      %dma_wait3A_927 = tpu.memref_slice %arg3[%select_n3A_908, %dma_wait3A_925, %select_n3A_924, %dma_wait3A_926] : memref<4x32x512x512xf32, #tpu.memory_space<hbm>> -> memref<1x32x2x512xf32, #tpu.memory_space<hbm>>
      %dma_wait3A_928 = tpu.memref_squeeze %dma_wait3A_927 : memref<1x32x2x512xf32, #tpu.memory_space<hbm>> -> memref<32x2x512xf32, #tpu.memory_space<hbm>>
      %dma_wait3A_929 = arith.constant 0 : i32
      %dma_wait3A_930 = arith.constant 0 : i32
      %dma_wait3A_931 = tpu.memref_slice %arg3[%select_n3A_908, %dma_wait3A_929, %select_n3A_924, %dma_wait3A_930] : memref<4x32x512x512xf32, #tpu.memory_space<hbm>> -> memref<1x32x2x512xf32, #tpu.memory_space<hbm>>
      %dma_wait3A_932 = tpu.memref_squeeze %dma_wait3A_931 : memref<1x32x2x512xf32, #tpu.memory_space<hbm>> -> memref<32x2x512xf32, #tpu.memory_space<hbm>>
      tpu.wait_dma2 semaphore(%arg14 : memref<!tpu.dma_semaphore, #tpu.memory_space<semaphore_mem>>) src(%arg8 : memref<32x2x512xf32, #tpu.memory_space<vmem>>) dst(%dma_wait3A_932 : memref<32x2x512xf32, #tpu.memory_space<hbm>>)
      %broadcast_in_dim3A_933 = arith.constant 0 : i32
      %broadcast_in_dim3A_934 = vector.broadcast %broadcast_in_dim3A_933 : i32 to vector<16xi32>
      %broadcast_in_dim3A_935 = arith.constant 1 : i32
      %broadcast_in_dim3A_936 = vector.broadcast %broadcast_in_dim3A_935 : i32 to vector<16xi32>
      %scan3A_937 = arith.constant 0 : i32
      %scan3A_938 = arith.constant 0 : i32
      %scan3A_939 = arith.constant 32 : i32
      %scan3A_940 = arith.addi %scan3A_938, %scan3A_939 : i32
      %scan3A_941 = arith.constant 4 : i32
      %scan3A_942 = scf.for %scan3A_1185 = %scan3A_938 to %scan3A_940 step %scan3A_941 iter_args(%scan3A_1186 = %scan3A_937) -> (i32)  : i32 {
        %mul3A_1187 = arith.constant 16 : i32
        %mul3A_1188 = arith.muli %scan3A_1185, %mul3A_1187 : i32
        %add3A_1189 = vector.broadcast %mul3A_1188 : i32 to vector<16xi32>
        %add3A_1190 = arith.addi %add3A_1189, %iota3A : vector<16xi32>
        %mul3A_1191 = arith.constant 16 : i32
        %mul3A_1192 = arith.muli %scan3A_1185, %mul3A_1191 : i32
        %get3A = arith.constant 0 : i32
        %get3A_1193 = arith.index_cast %get3A : i32 to index
        %get3A_1194 = arith.index_cast %mul3A_1192 : i32 to index
        %get3A_1195 = tpu.vector_load %arg6[%get3A_1193, %get3A_1194] {strides = array<i32>} : memref<2x512xi32, #tpu.memory_space<vmem>>, vector<16xi32>,
        tpu.vector_store_idx %arg8[%get3A_1195, %broadcast_in_dim3A_934, %add3A_1190], %broadcast_in_dim3A_3 : memref<32x2x512xf32, #tpu.memory_space<vmem>>[vector<16xi32>, vector<16xi32>, vector<16xi32>], vector<16xf32>,
        %mul3A_1196 = arith.constant 16 : i32
        %mul3A_1197 = arith.muli %scan3A_1185, %mul3A_1196 : i32
        %get3A_1198 = arith.constant 1 : i32
        %get3A_1199 = arith.index_cast %get3A_1198 : i32 to index
        %get3A_1200 = arith.index_cast %mul3A_1197 : i32 to index
        %get3A_1201 = tpu.vector_load %arg6[%get3A_1199, %get3A_1200] {strides = array<i32>} : memref<2x512xi32, #tpu.memory_space<vmem>>, vector<16xi32>,
        tpu.vector_store_idx %arg8[%get3A_1201, %broadcast_in_dim3A_936, %add3A_1190], %broadcast_in_dim3A_3 : memref<32x2x512xf32, #tpu.memory_space<vmem>>[vector<16xi32>, vector<16xi32>, vector<16xi32>], vector<16xf32>,
        %scan3A_1202 = arith.constant 0 : i32
        %scan3A_1203 = arith.constant 1 : i32
        %scan3A_1204 = arith.addi %scan3A_1185, %scan3A_1203 : i32
        %mul3A_1205 = arith.constant 16 : i32
        %mul3A_1206 = arith.muli %scan3A_1204, %mul3A_1205 : i32
        %add3A_1207 = vector.broadcast %mul3A_1206 : i32 to vector<16xi32>
        %add3A_1208 = arith.addi %add3A_1207, %iota3A : vector<16xi32>
        %mul3A_1209 = arith.constant 16 : i32
        %mul3A_1210 = arith.muli %scan3A_1204, %mul3A_1209 : i32
        %get3A_1211 = arith.constant 0 : i32
        %get3A_1212 = arith.index_cast %get3A_1211 : i32 to index
        %get3A_1213 = arith.index_cast %mul3A_1210 : i32 to index
        %get3A_1214 = tpu.vector_load %arg6[%get3A_1212, %get3A_1213] {strides = array<i32>} : memref<2x512xi32, #tpu.memory_space<vmem>>, vector<16xi32>,
        tpu.vector_store_idx %arg8[%get3A_1214, %broadcast_in_dim3A_934, %add3A_1208], %broadcast_in_dim3A_3 : memref<32x2x512xf32, #tpu.memory_space<vmem>>[vector<16xi32>, vector<16xi32>, vector<16xi32>], vector<16xf32>,
        %mul3A_1215 = arith.constant 16 : i32
        %mul3A_1216 = arith.muli %scan3A_1204, %mul3A_1215 : i32
        %get3A_1217 = arith.constant 1 : i32
        %get3A_1218 = arith.index_cast %get3A_1217 : i32 to index
        %get3A_1219 = arith.index_cast %mul3A_1216 : i32 to index
        %get3A_1220 = tpu.vector_load %arg6[%get3A_1218, %get3A_1219] {strides = array<i32>} : memref<2x512xi32, #tpu.memory_space<vmem>>, vector<16xi32>,
        tpu.vector_store_idx %arg8[%get3A_1220, %broadcast_in_dim3A_936, %add3A_1208], %broadcast_in_dim3A_3 : memref<32x2x512xf32, #tpu.memory_space<vmem>>[vector<16xi32>, vector<16xi32>, vector<16xi32>], vector<16xf32>,
        %scan3A_1221 = arith.constant 0 : i32
        %scan3A_1222 = arith.constant 2 : i32
        %scan3A_1223 = arith.addi %scan3A_1185, %scan3A_1222 : i32
        %mul3A_1224 = arith.constant 16 : i32
        %mul3A_1225 = arith.muli %scan3A_1223, %mul3A_1224 : i32
        %add3A_1226 = vector.broadcast %mul3A_1225 : i32 to vector<16xi32>
        %add3A_1227 = arith.addi %add3A_1226, %iota3A : vector<16xi32>
        %mul3A_1228 = arith.constant 16 : i32
        %mul3A_1229 = arith.muli %scan3A_1223, %mul3A_1228 : i32
        %get3A_1230 = arith.constant 0 : i32
        %get3A_1231 = arith.index_cast %get3A_1230 : i32 to index
        %get3A_1232 = arith.index_cast %mul3A_1229 : i32 to index
        %get3A_1233 = tpu.vector_load %arg6[%get3A_1231, %get3A_1232] {strides = array<i32>} : memref<2x512xi32, #tpu.memory_space<vmem>>, vector<16xi32>,
        tpu.vector_store_idx %arg8[%get3A_1233, %broadcast_in_dim3A_934, %add3A_1227], %broadcast_in_dim3A_3 : memref<32x2x512xf32, #tpu.memory_space<vmem>>[vector<16xi32>, vector<16xi32>, vector<16xi32>], vector<16xf32>,
        %mul3A_1234 = arith.constant 16 : i32
        %mul3A_1235 = arith.muli %scan3A_1223, %mul3A_1234 : i32
        %get3A_1236 = arith.constant 1 : i32
        %get3A_1237 = arith.index_cast %get3A_1236 : i32 to index
        %get3A_1238 = arith.index_cast %mul3A_1235 : i32 to index
        %get3A_1239 = tpu.vector_load %arg6[%get3A_1237, %get3A_1238] {strides = array<i32>} : memref<2x512xi32, #tpu.memory_space<vmem>>, vector<16xi32>,
        tpu.vector_store_idx %arg8[%get3A_1239, %broadcast_in_dim3A_936, %add3A_1227], %broadcast_in_dim3A_3 : memref<32x2x512xf32, #tpu.memory_space<vmem>>[vector<16xi32>, vector<16xi32>, vector<16xi32>], vector<16xf32>,
        %scan3A_1240 = arith.constant 0 : i32
        %scan3A_1241 = arith.constant 3 : i32
        %scan3A_1242 = arith.addi %scan3A_1185, %scan3A_1241 : i32
        %mul3A_1243 = arith.constant 16 : i32
        %mul3A_1244 = arith.muli %scan3A_1242, %mul3A_1243 : i32
        %add3A_1245 = vector.broadcast %mul3A_1244 : i32 to vector<16xi32>
        %add3A_1246 = arith.addi %add3A_1245, %iota3A : vector<16xi32>
        %mul3A_1247 = arith.constant 16 : i32
        %mul3A_1248 = arith.muli %scan3A_1242, %mul3A_1247 : i32
        %get3A_1249 = arith.constant 0 : i32
        %get3A_1250 = arith.index_cast %get3A_1249 : i32 to index
        %get3A_1251 = arith.index_cast %mul3A_1248 : i32 to index
        %get3A_1252 = tpu.vector_load %arg6[%get3A_1250, %get3A_1251] {strides = array<i32>} : memref<2x512xi32, #tpu.memory_space<vmem>>, vector<16xi32>,
        tpu.vector_store_idx %arg8[%get3A_1252, %broadcast_in_dim3A_934, %add3A_1246], %broadcast_in_dim3A_3 : memref<32x2x512xf32, #tpu.memory_space<vmem>>[vector<16xi32>, vector<16xi32>, vector<16xi32>], vector<16xf32>,
        %mul3A_1253 = arith.constant 16 : i32
        %mul3A_1254 = arith.muli %scan3A_1242, %mul3A_1253 : i32
        %get3A_1255 = arith.constant 1 : i32
        %get3A_1256 = arith.index_cast %get3A_1255 : i32 to index
        %get3A_1257 = arith.index_cast %mul3A_1254 : i32 to index
        %get3A_1258 = tpu.vector_load %arg6[%get3A_1256, %get3A_1257] {strides = array<i32>} : memref<2x512xi32, #tpu.memory_space<vmem>>, vector<16xi32>,
        tpu.vector_store_idx %arg8[%get3A_1258, %broadcast_in_dim3A_936, %add3A_1246], %broadcast_in_dim3A_3 : memref<32x2x512xf32, #tpu.memory_space<vmem>>[vector<16xi32>, vector<16xi32>, vector<16xi32>], vector<16xf32>,
        %scan3A_1259 = arith.constant 0 : i32
        scf.yield %scan3A_1259 : i32
      }
      %scan3A_943 = arith.constant 32 : i32
      %add3A_944 = arith.constant 2 : i32
      %add3A_945 = arith.addi %add3A_877, %add3A_944 : i32
      %mul3A_946 = arith.constant 64 : i32
      %mul3A_947 = arith.muli %add3A, %mul3A_946 : i32
      %mul3A_948 = arith.constant 2 : i32
      %mul3A_949 = arith.muli %mul3A_948, %add3A_945 : i32
      %add3A_950 = arith.addi %mul3A_947, %mul3A_949 : i32
      %dma_start3A_951 = arith.constant 0 : i32
      %dma_start3A_952 = tpu.memref_slice %arg2[%add3A_950, %dma_start3A_951] : memref<2048x512xi32, #tpu.memory_space<hbm>> -> memref<2x512xi32, #tpu.memory_space<hbm>>
      %dma_start3A_953 = arith.constant 0 : i32
      %dma_start3A_954 = tpu.memref_slice %arg2[%add3A_950, %dma_start3A_953] : memref<2048x512xi32, #tpu.memory_space<hbm>> -> memref<2x512xi32, #tpu.memory_space<hbm>>
      tpu.enqueue_dma source(%dma_start3A_954 : memref<2x512xi32, #tpu.memory_space<hbm>>) target(%arg6 : memref<2x512xi32, #tpu.memory_space<vmem>>) target_semaphore(%arg12 : memref<!tpu.dma_semaphore, #tpu.memory_space<semaphore_mem>>)
      %mul3A_955 = arith.constant 64 : i32
      %mul3A_956 = arith.muli %add3A, %mul3A_955 : i32
      %mul3A_957 = arith.constant 2 : i32
      %mul3A_958 = arith.muli %mul3A_957, %add3A_877 : i32
      %add3A_959 = arith.addi %mul3A_956, %mul3A_958 : i32
      %dma_wait3A_960 = arith.constant 0 : i32
      %dma_wait3A_961 = tpu.memref_slice %arg2[%add3A_959, %dma_wait3A_960] : memref<2048x512xi32, #tpu.memory_space<hbm>> -> memref<2x512xi32, #tpu.memory_space<hbm>>
      %dma_wait3A_962 = arith.constant 0 : i32
      %dma_wait3A_963 = tpu.memref_slice %arg2[%add3A_959, %dma_wait3A_962] : memref<2048x512xi32, #tpu.memory_space<hbm>> -> memref<2x512xi32, #tpu.memory_space<hbm>>
      tpu.wait_dma2 semaphore(%arg10 : memref<!tpu.dma_semaphore, #tpu.memory_space<semaphore_mem>>) src(%dma_wait3A_963 : memref<2x512xi32, #tpu.memory_space<hbm>>) dst(%arg4 : memref<2x512xi32, #tpu.memory_space<vmem>>)
      %broadcast_in_dim3A_964 = arith.constant 0 : i32
      %broadcast_in_dim3A_965 = vector.broadcast %broadcast_in_dim3A_964 : i32 to vector<16xi32>
      %broadcast_in_dim3A_966 = arith.constant 1 : i32
      %broadcast_in_dim3A_967 = vector.broadcast %broadcast_in_dim3A_966 : i32 to vector<16xi32>
      %scan3A_968 = arith.constant 0 : i32
      %scan3A_969 = arith.constant 0 : i32
      %scan3A_970 = arith.constant 32 : i32
      %scan3A_971 = arith.addi %scan3A_969, %scan3A_970 : i32
      %scan3A_972 = arith.constant 4 : i32
      %scan3A_973 = scf.for %scan3A_1185 = %scan3A_969 to %scan3A_971 step %scan3A_972 iter_args(%scan3A_1186 = %scan3A_968) -> (i32)  : i32 {
        %mul3A_1187 = arith.constant 16 : i32
        %mul3A_1188 = arith.muli %scan3A_1185, %mul3A_1187 : i32
        %add3A_1189 = vector.broadcast %mul3A_1188 : i32 to vector<16xi32>
        %add3A_1190 = arith.addi %add3A_1189, %iota3A : vector<16xi32>
        %mul3A_1191 = arith.constant 16 : i32
        %mul3A_1192 = arith.muli %scan3A_1185, %mul3A_1191 : i32
        %get3A = arith.constant 0 : i32
        %get3A_1193 = arith.index_cast %get3A : i32 to index
        %get3A_1194 = arith.index_cast %mul3A_1192 : i32 to index
        %get3A_1195 = tpu.vector_load %arg4[%get3A_1193, %get3A_1194] {strides = array<i32>} : memref<2x512xi32, #tpu.memory_space<vmem>>, vector<16xi32>,
        tpu.vector_store_idx %arg8[%get3A_1195, %broadcast_in_dim3A_965, %add3A_1190], %broadcast_in_dim3A_1 : memref<32x2x512xf32, #tpu.memory_space<vmem>>[vector<16xi32>, vector<16xi32>, vector<16xi32>], vector<16xf32>,
        %mul3A_1196 = arith.constant 16 : i32
        %mul3A_1197 = arith.muli %scan3A_1185, %mul3A_1196 : i32
        %get3A_1198 = arith.constant 1 : i32
        %get3A_1199 = arith.index_cast %get3A_1198 : i32 to index
        %get3A_1200 = arith.index_cast %mul3A_1197 : i32 to index
        %get3A_1201 = tpu.vector_load %arg4[%get3A_1199, %get3A_1200] {strides = array<i32>} : memref<2x512xi32, #tpu.memory_space<vmem>>, vector<16xi32>,
        tpu.vector_store_idx %arg8[%get3A_1201, %broadcast_in_dim3A_967, %add3A_1190], %broadcast_in_dim3A_1 : memref<32x2x512xf32, #tpu.memory_space<vmem>>[vector<16xi32>, vector<16xi32>, vector<16xi32>], vector<16xf32>,
        %scan3A_1202 = arith.constant 0 : i32
        %scan3A_1203 = arith.constant 1 : i32
        %scan3A_1204 = arith.addi %scan3A_1185, %scan3A_1203 : i32
        %mul3A_1205 = arith.constant 16 : i32
        %mul3A_1206 = arith.muli %scan3A_1204, %mul3A_1205 : i32
        %add3A_1207 = vector.broadcast %mul3A_1206 : i32 to vector<16xi32>
        %add3A_1208 = arith.addi %add3A_1207, %iota3A : vector<16xi32>
        %mul3A_1209 = arith.constant 16 : i32
        %mul3A_1210 = arith.muli %scan3A_1204, %mul3A_1209 : i32
        %get3A_1211 = arith.constant 0 : i32
        %get3A_1212 = arith.index_cast %get3A_1211 : i32 to index
        %get3A_1213 = arith.index_cast %mul3A_1210 : i32 to index
        %get3A_1214 = tpu.vector_load %arg4[%get3A_1212, %get3A_1213] {strides = array<i32>} : memref<2x512xi32, #tpu.memory_space<vmem>>, vector<16xi32>,
        tpu.vector_store_idx %arg8[%get3A_1214, %broadcast_in_dim3A_965, %add3A_1208], %broadcast_in_dim3A_1 : memref<32x2x512xf32, #tpu.memory_space<vmem>>[vector<16xi32>, vector<16xi32>, vector<16xi32>], vector<16xf32>,
        %mul3A_1215 = arith.constant 16 : i32
        %mul3A_1216 = arith.muli %scan3A_1204, %mul3A_1215 : i32
        %get3A_1217 = arith.constant 1 : i32
        %get3A_1218 = arith.index_cast %get3A_1217 : i32 to index
        %get3A_1219 = arith.index_cast %mul3A_1216 : i32 to index
        %get3A_1220 = tpu.vector_load %arg4[%get3A_1218, %get3A_1219] {strides = array<i32>} : memref<2x512xi32, #tpu.memory_space<vmem>>, vector<16xi32>,
        tpu.vector_store_idx %arg8[%get3A_1220, %broadcast_in_dim3A_967, %add3A_1208], %broadcast_in_dim3A_1 : memref<32x2x512xf32, #tpu.memory_space<vmem>>[vector<16xi32>, vector<16xi32>, vector<16xi32>], vector<16xf32>,
        %scan3A_1221 = arith.constant 0 : i32
        %scan3A_1222 = arith.constant 2 : i32
        %scan3A_1223 = arith.addi %scan3A_1185, %scan3A_1222 : i32
        %mul3A_1224 = arith.constant 16 : i32
        %mul3A_1225 = arith.muli %scan3A_1223, %mul3A_1224 : i32
        %add3A_1226 = vector.broadcast %mul3A_1225 : i32 to vector<16xi32>
        %add3A_1227 = arith.addi %add3A_1226, %iota3A : vector<16xi32>
        %mul3A_1228 = arith.constant 16 : i32
        %mul3A_1229 = arith.muli %scan3A_1223, %mul3A_1228 : i32
        %get3A_1230 = arith.constant 0 : i32
        %get3A_1231 = arith.index_cast %get3A_1230 : i32 to index
        %get3A_1232 = arith.index_cast %mul3A_1229 : i32 to index
        %get3A_1233 = tpu.vector_load %arg4[%get3A_1231, %get3A_1232] {strides = array<i32>} : memref<2x512xi32, #tpu.memory_space<vmem>>, vector<16xi32>,
        tpu.vector_store_idx %arg8[%get3A_1233, %broadcast_in_dim3A_965, %add3A_1227], %broadcast_in_dim3A_1 : memref<32x2x512xf32, #tpu.memory_space<vmem>>[vector<16xi32>, vector<16xi32>, vector<16xi32>], vector<16xf32>,
        %mul3A_1234 = arith.constant 16 : i32
        %mul3A_1235 = arith.muli %scan3A_1223, %mul3A_1234 : i32
        %get3A_1236 = arith.constant 1 : i32
        %get3A_1237 = arith.index_cast %get3A_1236 : i32 to index
        %get3A_1238 = arith.index_cast %mul3A_1235 : i32 to index
        %get3A_1239 = tpu.vector_load %arg4[%get3A_1237, %get3A_1238] {strides = array<i32>} : memref<2x512xi32, #tpu.memory_space<vmem>>, vector<16xi32>,
        tpu.vector_store_idx %arg8[%get3A_1239, %broadcast_in_dim3A_967, %add3A_1227], %broadcast_in_dim3A_1 : memref<32x2x512xf32, #tpu.memory_space<vmem>>[vector<16xi32>, vector<16xi32>, vector<16xi32>], vector<16xf32>,
        %scan3A_1240 = arith.constant 0 : i32
        %scan3A_1241 = arith.constant 3 : i32
        %scan3A_1242 = arith.addi %scan3A_1185, %scan3A_1241 : i32
        %mul3A_1243 = arith.constant 16 : i32
        %mul3A_1244 = arith.muli %scan3A_1242, %mul3A_1243 : i32
        %add3A_1245 = vector.broadcast %mul3A_1244 : i32 to vector<16xi32>
        %add3A_1246 = arith.addi %add3A_1245, %iota3A : vector<16xi32>
        %mul3A_1247 = arith.constant 16 : i32
        %mul3A_1248 = arith.muli %scan3A_1242, %mul3A_1247 : i32
        %get3A_1249 = arith.constant 0 : i32
        %get3A_1250 = arith.index_cast %get3A_1249 : i32 to index
        %get3A_1251 = arith.index_cast %mul3A_1248 : i32 to index
        %get3A_1252 = tpu.vector_load %arg4[%get3A_1250, %get3A_1251] {strides = array<i32>} : memref<2x512xi32, #tpu.memory_space<vmem>>, vector<16xi32>,
        tpu.vector_store_idx %arg8[%get3A_1252, %broadcast_in_dim3A_965, %add3A_1246], %broadcast_in_dim3A_1 : memref<32x2x512xf32, #tpu.memory_space<vmem>>[vector<16xi32>, vector<16xi32>, vector<16xi32>], vector<16xf32>,
        %mul3A_1253 = arith.constant 16 : i32
        %mul3A_1254 = arith.muli %scan3A_1242, %mul3A_1253 : i32
        %get3A_1255 = arith.constant 1 : i32
        %get3A_1256 = arith.index_cast %get3A_1255 : i32 to index
        %get3A_1257 = arith.index_cast %mul3A_1254 : i32 to index
        %get3A_1258 = tpu.vector_load %arg4[%get3A_1256, %get3A_1257] {strides = array<i32>} : memref<2x512xi32, #tpu.memory_space<vmem>>, vector<16xi32>,
        tpu.vector_store_idx %arg8[%get3A_1258, %broadcast_in_dim3A_967, %add3A_1246], %broadcast_in_dim3A_1 : memref<32x2x512xf32, #tpu.memory_space<vmem>>[vector<16xi32>, vector<16xi32>, vector<16xi32>], vector<16xf32>,
        %scan3A_1259 = arith.constant 0 : i32
        scf.yield %scan3A_1259 : i32
      }
      %scan3A_974 = arith.constant 32 : i32
      %mul3A_975 = arith.constant 64 : i32
      %mul3A_976 = arith.muli %add3A, %mul3A_975 : i32
      %mul3A_977 = arith.constant 2 : i32
      %mul3A_978 = arith.muli %mul3A_977, %add3A_877 : i32
      %add3A_979 = arith.addi %mul3A_976, %mul3A_978 : i32
      %jit3A_980 = arith.constant 512 : i32
      %div3A_981 = arith.divsi %add3A_979, %jit3A_980 : i32
      %sign3A_982 = arith.constant 0 : i32
      %sign3A_983 = arith.cmpi sgt, %add3A_979, %sign3A_982 : i32
      %sign3A_984 = arith.extui %sign3A_983 : i1 to i32
      %sign3A_985 = arith.constant 0 : i32
      %sign3A_986 = arith.cmpi slt, %add3A_979, %sign3A_985 : i32
      %sign3A_987 = arith.extui %sign3A_986 : i1 to i32
      %sign3A_988 = arith.subi %sign3A_984, %sign3A_987 : i32
      %sign3A_989 = arith.constant 0 : i32
      %sign3A_990 = arith.cmpi sgt, %jit3A_980, %sign3A_989 : i32
      %sign3A_991 = arith.extui %sign3A_990 : i1 to i32
      %sign3A_992 = arith.constant 0 : i32
      %sign3A_993 = arith.cmpi slt, %jit3A_980, %sign3A_992 : i32
      %sign3A_994 = arith.extui %sign3A_993 : i1 to i32
      %sign3A_995 = arith.subi %sign3A_991, %sign3A_994 : i32
      %ne3A_996 = arith.cmpi ne, %sign3A_988, %sign3A_995 : i32
      %rem3A_997 = arith.remsi %add3A_979, %jit3A_980 : i32
      %ne3A_998 = arith.constant 0 : i32
      %ne3A_999 = arith.cmpi ne, %rem3A_997, %ne3A_998 : i32
      %and3A_1000 = arith.andi %ne3A_996, %ne3A_999 : i1
      %sub3A_1001 = arith.constant 1 : i32
      %sub3A_1002 = arith.subi %div3A_981, %sub3A_1001 : i32
      %select_n3A_1003 = arith.select %and3A_1000, %sub3A_1002, %div3A_981 : i32
      %jit3A_1004 = arith.constant 512 : i32
      %eq3A_1005 = arith.constant 0 : i32
      %eq3A_1006 = arith.cmpi eq, %jit3A_1004, %eq3A_1005 : i32
      %jit3A_1007 = arith.constant 1 : i32
      %select_n3A_1008 = arith.select %eq3A_1006, %jit3A_1007, %jit3A_1004 : i32
      %rem3A_1009 = arith.remsi %add3A_979, %select_n3A_1008 : i32
      %ne3A_1010 = arith.constant 0 : i32
      %ne3A_1011 = arith.cmpi ne, %rem3A_1009, %ne3A_1010 : i32
      %lt3A_1012 = arith.constant 0 : i32
      %lt3A_1013 = arith.cmpi slt, %rem3A_1009, %lt3A_1012 : i32
      %lt3A_1014 = arith.constant 0 : i32
      %lt3A_1015 = arith.cmpi slt, %select_n3A_1008, %lt3A_1014 : i32
      %ne3A_1016 = arith.xori %lt3A_1013, %lt3A_1015 : i1
      %and3A_1017 = arith.andi %ne3A_1016, %ne3A_1011 : i1
      %add3A_1018 = arith.addi %rem3A_1009, %select_n3A_1008 : i32
      %select_n3A_1019 = arith.select %and3A_1017, %add3A_1018, %rem3A_1009 : i32
      %dma_start3A_1020 = arith.constant 0 : i32
      %dma_start3A_1021 = arith.constant 0 : i32
      %dma_start3A_1022 = tpu.memref_slice %arg3[%select_n3A_1003, %dma_start3A_1020, %select_n3A_1019, %dma_start3A_1021] : memref<4x32x512x512xf32, #tpu.memory_space<hbm>> -> memref<1x32x2x512xf32, #tpu.memory_space<hbm>>
      %dma_start3A_1023 = tpu.memref_squeeze %dma_start3A_1022 : memref<1x32x2x512xf32, #tpu.memory_space<hbm>> -> memref<32x2x512xf32, #tpu.memory_space<hbm>>
      %dma_start3A_1024 = arith.constant 0 : i32
      %dma_start3A_1025 = arith.constant 0 : i32
      %dma_start3A_1026 = tpu.memref_slice %arg3[%select_n3A_1003, %dma_start3A_1024, %select_n3A_1019, %dma_start3A_1025] : memref<4x32x512x512xf32, #tpu.memory_space<hbm>> -> memref<1x32x2x512xf32, #tpu.memory_space<hbm>>
      %dma_start3A_1027 = tpu.memref_squeeze %dma_start3A_1026 : memref<1x32x2x512xf32, #tpu.memory_space<hbm>> -> memref<32x2x512xf32, #tpu.memory_space<hbm>>
      tpu.enqueue_dma source(%arg8 : memref<32x2x512xf32, #tpu.memory_space<vmem>>) target(%dma_start3A_1027 : memref<32x2x512xf32, #tpu.memory_space<hbm>>) target_semaphore(%arg14 : memref<!tpu.dma_semaphore, #tpu.memory_space<semaphore_mem>>)
      %mul3A_1028 = arith.constant 4 : i32
      %mul3A_1029 = arith.muli %mul3A_1028, %scan3A_558 : i32
      %add3A_1030 = arith.constant 2 : i32
      %add3A_1031 = arith.addi %mul3A_1029, %add3A_1030 : i32
      %add3A_1032 = arith.constant 3 : i32
      %add3A_1033 = arith.addi %add3A_1031, %add3A_1032 : i32
      %sub3A_1034 = arith.constant 2 : i32
      %sub3A_1035 = arith.subi %add3A_1033, %sub3A_1034 : i32
      %mul3A_1036 = arith.constant 64 : i32
      %mul3A_1037 = arith.muli %add3A, %mul3A_1036 : i32
      %mul3A_1038 = arith.constant 2 : i32
      %mul3A_1039 = arith.muli %mul3A_1038, %sub3A_1035 : i32
      %add3A_1040 = arith.addi %mul3A_1037, %mul3A_1039 : i32
      %jit3A_1041 = arith.constant 512 : i32
      %div3A_1042 = arith.divsi %add3A_1040, %jit3A_1041 : i32
      %sign3A_1043 = arith.constant 0 : i32
      %sign3A_1044 = arith.cmpi sgt, %add3A_1040, %sign3A_1043 : i32
      %sign3A_1045 = arith.extui %sign3A_1044 : i1 to i32
      %sign3A_1046 = arith.constant 0 : i32
      %sign3A_1047 = arith.cmpi slt, %add3A_1040, %sign3A_1046 : i32
      %sign3A_1048 = arith.extui %sign3A_1047 : i1 to i32
      %sign3A_1049 = arith.subi %sign3A_1045, %sign3A_1048 : i32
      %sign3A_1050 = arith.constant 0 : i32
      %sign3A_1051 = arith.cmpi sgt, %jit3A_1041, %sign3A_1050 : i32
      %sign3A_1052 = arith.extui %sign3A_1051 : i1 to i32
      %sign3A_1053 = arith.constant 0 : i32
      %sign3A_1054 = arith.cmpi slt, %jit3A_1041, %sign3A_1053 : i32
      %sign3A_1055 = arith.extui %sign3A_1054 : i1 to i32
      %sign3A_1056 = arith.subi %sign3A_1052, %sign3A_1055 : i32
      %ne3A_1057 = arith.cmpi ne, %sign3A_1049, %sign3A_1056 : i32
      %rem3A_1058 = arith.remsi %add3A_1040, %jit3A_1041 : i32
      %ne3A_1059 = arith.constant 0 : i32
      %ne3A_1060 = arith.cmpi ne, %rem3A_1058, %ne3A_1059 : i32
      %and3A_1061 = arith.andi %ne3A_1057, %ne3A_1060 : i1
      %sub3A_1062 = arith.constant 1 : i32
      %sub3A_1063 = arith.subi %div3A_1042, %sub3A_1062 : i32
      %select_n3A_1064 = arith.select %and3A_1061, %sub3A_1063, %div3A_1042 : i32
      %jit3A_1065 = arith.constant 512 : i32
      %eq3A_1066 = arith.constant 0 : i32
      %eq3A_1067 = arith.cmpi eq, %jit3A_1065, %eq3A_1066 : i32
      %jit3A_1068 = arith.constant 1 : i32
      %select_n3A_1069 = arith.select %eq3A_1067, %jit3A_1068, %jit3A_1065 : i32
      %rem3A_1070 = arith.remsi %add3A_1040, %select_n3A_1069 : i32
      %ne3A_1071 = arith.constant 0 : i32
      %ne3A_1072 = arith.cmpi ne, %rem3A_1070, %ne3A_1071 : i32
      %lt3A_1073 = arith.constant 0 : i32
      %lt3A_1074 = arith.cmpi slt, %rem3A_1070, %lt3A_1073 : i32
      %lt3A_1075 = arith.constant 0 : i32
      %lt3A_1076 = arith.cmpi slt, %select_n3A_1069, %lt3A_1075 : i32
      %ne3A_1077 = arith.xori %lt3A_1074, %lt3A_1076 : i1
      %and3A_1078 = arith.andi %ne3A_1077, %ne3A_1072 : i1
      %add3A_1079 = arith.addi %rem3A_1070, %select_n3A_1069 : i32
      %select_n3A_1080 = arith.select %and3A_1078, %add3A_1079, %rem3A_1070 : i32
      %dma_wait3A_1081 = arith.constant 0 : i32
      %dma_wait3A_1082 = arith.constant 0 : i32
      %dma_wait3A_1083 = tpu.memref_slice %arg3[%select_n3A_1064, %dma_wait3A_1081, %select_n3A_1080, %dma_wait3A_1082] : memref<4x32x512x512xf32, #tpu.memory_space<hbm>> -> memref<1x32x2x512xf32, #tpu.memory_space<hbm>>
      %dma_wait3A_1084 = tpu.memref_squeeze %dma_wait3A_1083 : memref<1x32x2x512xf32, #tpu.memory_space<hbm>> -> memref<32x2x512xf32, #tpu.memory_space<hbm>>
      %dma_wait3A_1085 = arith.constant 0 : i32
      %dma_wait3A_1086 = arith.constant 0 : i32
      %dma_wait3A_1087 = tpu.memref_slice %arg3[%select_n3A_1064, %dma_wait3A_1085, %select_n3A_1080, %dma_wait3A_1086] : memref<4x32x512x512xf32, #tpu.memory_space<hbm>> -> memref<1x32x2x512xf32, #tpu.memory_space<hbm>>
      %dma_wait3A_1088 = tpu.memref_squeeze %dma_wait3A_1087 : memref<1x32x2x512xf32, #tpu.memory_space<hbm>> -> memref<32x2x512xf32, #tpu.memory_space<hbm>>
      tpu.wait_dma2 semaphore(%arg15 : memref<!tpu.dma_semaphore, #tpu.memory_space<semaphore_mem>>) src(%arg9 : memref<32x2x512xf32, #tpu.memory_space<vmem>>) dst(%dma_wait3A_1088 : memref<32x2x512xf32, #tpu.memory_space<hbm>>)
      %broadcast_in_dim3A_1089 = arith.constant 0 : i32
      %broadcast_in_dim3A_1090 = vector.broadcast %broadcast_in_dim3A_1089 : i32 to vector<16xi32>
      %broadcast_in_dim3A_1091 = arith.constant 1 : i32
      %broadcast_in_dim3A_1092 = vector.broadcast %broadcast_in_dim3A_1091 : i32 to vector<16xi32>
      %scan3A_1093 = arith.constant 0 : i32
      %scan3A_1094 = arith.constant 0 : i32
      %scan3A_1095 = arith.constant 32 : i32
      %scan3A_1096 = arith.addi %scan3A_1094, %scan3A_1095 : i32
      %scan3A_1097 = arith.constant 4 : i32
      %scan3A_1098 = scf.for %scan3A_1185 = %scan3A_1094 to %scan3A_1096 step %scan3A_1097 iter_args(%scan3A_1186 = %scan3A_1093) -> (i32)  : i32 {
        %mul3A_1187 = arith.constant 16 : i32
        %mul3A_1188 = arith.muli %scan3A_1185, %mul3A_1187 : i32
        %add3A_1189 = vector.broadcast %mul3A_1188 : i32 to vector<16xi32>
        %add3A_1190 = arith.addi %add3A_1189, %iota3A : vector<16xi32>
        %mul3A_1191 = arith.constant 16 : i32
        %mul3A_1192 = arith.muli %scan3A_1185, %mul3A_1191 : i32
        %get3A = arith.constant 0 : i32
        %get3A_1193 = arith.index_cast %get3A : i32 to index
        %get3A_1194 = arith.index_cast %mul3A_1192 : i32 to index
        %get3A_1195 = tpu.vector_load %arg7[%get3A_1193, %get3A_1194] {strides = array<i32>} : memref<2x512xi32, #tpu.memory_space<vmem>>, vector<16xi32>,
        tpu.vector_store_idx %arg9[%get3A_1195, %broadcast_in_dim3A_1090, %add3A_1190], %broadcast_in_dim3A_3 : memref<32x2x512xf32, #tpu.memory_space<vmem>>[vector<16xi32>, vector<16xi32>, vector<16xi32>], vector<16xf32>,
        %mul3A_1196 = arith.constant 16 : i32
        %mul3A_1197 = arith.muli %scan3A_1185, %mul3A_1196 : i32
        %get3A_1198 = arith.constant 1 : i32
        %get3A_1199 = arith.index_cast %get3A_1198 : i32 to index
        %get3A_1200 = arith.index_cast %mul3A_1197 : i32 to index
        %get3A_1201 = tpu.vector_load %arg7[%get3A_1199, %get3A_1200] {strides = array<i32>} : memref<2x512xi32, #tpu.memory_space<vmem>>, vector<16xi32>,
        tpu.vector_store_idx %arg9[%get3A_1201, %broadcast_in_dim3A_1092, %add3A_1190], %broadcast_in_dim3A_3 : memref<32x2x512xf32, #tpu.memory_space<vmem>>[vector<16xi32>, vector<16xi32>, vector<16xi32>], vector<16xf32>,
        %scan3A_1202 = arith.constant 0 : i32
        %scan3A_1203 = arith.constant 1 : i32
        %scan3A_1204 = arith.addi %scan3A_1185, %scan3A_1203 : i32
        %mul3A_1205 = arith.constant 16 : i32
        %mul3A_1206 = arith.muli %scan3A_1204, %mul3A_1205 : i32
        %add3A_1207 = vector.broadcast %mul3A_1206 : i32 to vector<16xi32>
        %add3A_1208 = arith.addi %add3A_1207, %iota3A : vector<16xi32>
        %mul3A_1209 = arith.constant 16 : i32
        %mul3A_1210 = arith.muli %scan3A_1204, %mul3A_1209 : i32
        %get3A_1211 = arith.constant 0 : i32
        %get3A_1212 = arith.index_cast %get3A_1211 : i32 to index
        %get3A_1213 = arith.index_cast %mul3A_1210 : i32 to index
        %get3A_1214 = tpu.vector_load %arg7[%get3A_1212, %get3A_1213] {strides = array<i32>} : memref<2x512xi32, #tpu.memory_space<vmem>>, vector<16xi32>,
        tpu.vector_store_idx %arg9[%get3A_1214, %broadcast_in_dim3A_1090, %add3A_1208], %broadcast_in_dim3A_3 : memref<32x2x512xf32, #tpu.memory_space<vmem>>[vector<16xi32>, vector<16xi32>, vector<16xi32>], vector<16xf32>,
        %mul3A_1215 = arith.constant 16 : i32
        %mul3A_1216 = arith.muli %scan3A_1204, %mul3A_1215 : i32
        %get3A_1217 = arith.constant 1 : i32
        %get3A_1218 = arith.index_cast %get3A_1217 : i32 to index
        %get3A_1219 = arith.index_cast %mul3A_1216 : i32 to index
        %get3A_1220 = tpu.vector_load %arg7[%get3A_1218, %get3A_1219] {strides = array<i32>} : memref<2x512xi32, #tpu.memory_space<vmem>>, vector<16xi32>,
        tpu.vector_store_idx %arg9[%get3A_1220, %broadcast_in_dim3A_1092, %add3A_1208], %broadcast_in_dim3A_3 : memref<32x2x512xf32, #tpu.memory_space<vmem>>[vector<16xi32>, vector<16xi32>, vector<16xi32>], vector<16xf32>,
        %scan3A_1221 = arith.constant 0 : i32
        %scan3A_1222 = arith.constant 2 : i32
        %scan3A_1223 = arith.addi %scan3A_1185, %scan3A_1222 : i32
        %mul3A_1224 = arith.constant 16 : i32
        %mul3A_1225 = arith.muli %scan3A_1223, %mul3A_1224 : i32
        %add3A_1226 = vector.broadcast %mul3A_1225 : i32 to vector<16xi32>
        %add3A_1227 = arith.addi %add3A_1226, %iota3A : vector<16xi32>
        %mul3A_1228 = arith.constant 16 : i32
        %mul3A_1229 = arith.muli %scan3A_1223, %mul3A_1228 : i32
        %get3A_1230 = arith.constant 0 : i32
        %get3A_1231 = arith.index_cast %get3A_1230 : i32 to index
        %get3A_1232 = arith.index_cast %mul3A_1229 : i32 to index
        %get3A_1233 = tpu.vector_load %arg7[%get3A_1231, %get3A_1232] {strides = array<i32>} : memref<2x512xi32, #tpu.memory_space<vmem>>, vector<16xi32>,
        tpu.vector_store_idx %arg9[%get3A_1233, %broadcast_in_dim3A_1090, %add3A_1227], %broadcast_in_dim3A_3 : memref<32x2x512xf32, #tpu.memory_space<vmem>>[vector<16xi32>, vector<16xi32>, vector<16xi32>], vector<16xf32>,
        %mul3A_1234 = arith.constant 16 : i32
        %mul3A_1235 = arith.muli %scan3A_1223, %mul3A_1234 : i32
        %get3A_1236 = arith.constant 1 : i32
        %get3A_1237 = arith.index_cast %get3A_1236 : i32 to index
        %get3A_1238 = arith.index_cast %mul3A_1235 : i32 to index
        %get3A_1239 = tpu.vector_load %arg7[%get3A_1237, %get3A_1238] {strides = array<i32>} : memref<2x512xi32, #tpu.memory_space<vmem>>, vector<16xi32>,
        tpu.vector_store_idx %arg9[%get3A_1239, %broadcast_in_dim3A_1092, %add3A_1227], %broadcast_in_dim3A_3 : memref<32x2x512xf32, #tpu.memory_space<vmem>>[vector<16xi32>, vector<16xi32>, vector<16xi32>], vector<16xf32>,
        %scan3A_1240 = arith.constant 0 : i32
        %scan3A_1241 = arith.constant 3 : i32
        %scan3A_1242 = arith.addi %scan3A_1185, %scan3A_1241 : i32
        %mul3A_1243 = arith.constant 16 : i32
        %mul3A_1244 = arith.muli %scan3A_1242, %mul3A_1243 : i32
        %add3A_1245 = vector.broadcast %mul3A_1244 : i32 to vector<16xi32>
        %add3A_1246 = arith.addi %add3A_1245, %iota3A : vector<16xi32>
        %mul3A_1247 = arith.constant 16 : i32
        %mul3A_1248 = arith.muli %scan3A_1242, %mul3A_1247 : i32
        %get3A_1249 = arith.constant 0 : i32
        %get3A_1250 = arith.index_cast %get3A_1249 : i32 to index
        %get3A_1251 = arith.index_cast %mul3A_1248 : i32 to index
        %get3A_1252 = tpu.vector_load %arg7[%get3A_1250, %get3A_1251] {strides = array<i32>} : memref<2x512xi32, #tpu.memory_space<vmem>>, vector<16xi32>,
        tpu.vector_store_idx %arg9[%get3A_1252, %broadcast_in_dim3A_1090, %add3A_1246], %broadcast_in_dim3A_3 : memref<32x2x512xf32, #tpu.memory_space<vmem>>[vector<16xi32>, vector<16xi32>, vector<16xi32>], vector<16xf32>,
        %mul3A_1253 = arith.constant 16 : i32
        %mul3A_1254 = arith.muli %scan3A_1242, %mul3A_1253 : i32
        %get3A_1255 = arith.constant 1 : i32
        %get3A_1256 = arith.index_cast %get3A_1255 : i32 to index
        %get3A_1257 = arith.index_cast %mul3A_1254 : i32 to index
        %get3A_1258 = tpu.vector_load %arg7[%get3A_1256, %get3A_1257] {strides = array<i32>} : memref<2x512xi32, #tpu.memory_space<vmem>>, vector<16xi32>,
        tpu.vector_store_idx %arg9[%get3A_1258, %broadcast_in_dim3A_1092, %add3A_1246], %broadcast_in_dim3A_3 : memref<32x2x512xf32, #tpu.memory_space<vmem>>[vector<16xi32>, vector<16xi32>, vector<16xi32>], vector<16xf32>,
        %scan3A_1259 = arith.constant 0 : i32
        scf.yield %scan3A_1259 : i32
      }
      %scan3A_1099 = arith.constant 32 : i32
      %add3A_1100 = arith.constant 2 : i32
      %add3A_1101 = arith.addi %add3A_1033, %add3A_1100 : i32
      %mul3A_1102 = arith.constant 64 : i32
      %mul3A_1103 = arith.muli %add3A, %mul3A_1102 : i32
      %mul3A_1104 = arith.constant 2 : i32
      %mul3A_1105 = arith.muli %mul3A_1104, %add3A_1101 : i32
      %add3A_1106 = arith.addi %mul3A_1103, %mul3A_1105 : i32
      %dma_start3A_1107 = arith.constant 0 : i32
      %dma_start3A_1108 = tpu.memref_slice %arg2[%add3A_1106, %dma_start3A_1107] : memref<2048x512xi32, #tpu.memory_space<hbm>> -> memref<2x512xi32, #tpu.memory_space<hbm>>
      %dma_start3A_1109 = arith.constant 0 : i32
      %dma_start3A_1110 = tpu.memref_slice %arg2[%add3A_1106, %dma_start3A_1109] : memref<2048x512xi32, #tpu.memory_space<hbm>> -> memref<2x512xi32, #tpu.memory_space<hbm>>
      tpu.enqueue_dma source(%dma_start3A_1110 : memref<2x512xi32, #tpu.memory_space<hbm>>) target(%arg7 : memref<2x512xi32, #tpu.memory_space<vmem>>) target_semaphore(%arg13 : memref<!tpu.dma_semaphore, #tpu.memory_space<semaphore_mem>>)
      %mul3A_1111 = arith.constant 64 : i32
      %mul3A_1112 = arith.muli %add3A, %mul3A_1111 : i32
      %mul3A_1113 = arith.constant 2 : i32
      %mul3A_1114 = arith.muli %mul3A_1113, %add3A_1033 : i32
      %add3A_1115 = arith.addi %mul3A_1112, %mul3A_1114 : i32
      %dma_wait3A_1116 = arith.constant 0 : i32
      %dma_wait3A_1117 = tpu.memref_slice %arg2[%add3A_1115, %dma_wait3A_1116] : memref<2048x512xi32, #tpu.memory_space<hbm>> -> memref<2x512xi32, #tpu.memory_space<hbm>>
      %dma_wait3A_1118 = arith.constant 0 : i32
      %dma_wait3A_1119 = tpu.memref_slice %arg2[%add3A_1115, %dma_wait3A_1118] : memref<2048x512xi32, #tpu.memory_space<hbm>> -> memref<2x512xi32, #tpu.memory_space<hbm>>
      tpu.wait_dma2 semaphore(%arg11 : memref<!tpu.dma_semaphore, #tpu.memory_space<semaphore_mem>>) src(%dma_wait3A_1119 : memref<2x512xi32, #tpu.memory_space<hbm>>) dst(%arg5 : memref<2x512xi32, #tpu.memory_space<vmem>>)
      %broadcast_in_dim3A_1120 = arith.constant 0 : i32
      %broadcast_in_dim3A_1121 = vector.broadcast %broadcast_in_dim3A_1120 : i32 to vector<16xi32>
      %broadcast_in_dim3A_1122 = arith.constant 1 : i32
      %broadcast_in_dim3A_1123 = vector.broadcast %broadcast_in_dim3A_1122 : i32 to vector<16xi32>
      %scan3A_1124 = arith.constant 0 : i32
      %scan3A_1125 = arith.constant 0 : i32
      %scan3A_1126 = arith.constant 32 : i32
      %scan3A_1127 = arith.addi %scan3A_1125, %scan3A_1126 : i32
      %scan3A_1128 = arith.constant 4 : i32
      %scan3A_1129 = scf.for %scan3A_1185 = %scan3A_1125 to %scan3A_1127 step %scan3A_1128 iter_args(%scan3A_1186 = %scan3A_1124) -> (i32)  : i32 {
        %mul3A_1187 = arith.constant 16 : i32
        %mul3A_1188 = arith.muli %scan3A_1185, %mul3A_1187 : i32
        %add3A_1189 = vector.broadcast %mul3A_1188 : i32 to vector<16xi32>
        %add3A_1190 = arith.addi %add3A_1189, %iota3A : vector<16xi32>
        %mul3A_1191 = arith.constant 16 : i32
        %mul3A_1192 = arith.muli %scan3A_1185, %mul3A_1191 : i32
        %get3A = arith.constant 0 : i32
        %get3A_1193 = arith.index_cast %get3A : i32 to index
        %get3A_1194 = arith.index_cast %mul3A_1192 : i32 to index
        %get3A_1195 = tpu.vector_load %arg5[%get3A_1193, %get3A_1194] {strides = array<i32>} : memref<2x512xi32, #tpu.memory_space<vmem>>, vector<16xi32>,
        tpu.vector_store_idx %arg9[%get3A_1195, %broadcast_in_dim3A_1121, %add3A_1190], %broadcast_in_dim3A_1 : memref<32x2x512xf32, #tpu.memory_space<vmem>>[vector<16xi32>, vector<16xi32>, vector<16xi32>], vector<16xf32>,
        %mul3A_1196 = arith.constant 16 : i32
        %mul3A_1197 = arith.muli %scan3A_1185, %mul3A_1196 : i32
        %get3A_1198 = arith.constant 1 : i32
        %get3A_1199 = arith.index_cast %get3A_1198 : i32 to index
        %get3A_1200 = arith.index_cast %mul3A_1197 : i32 to index
        %get3A_1201 = tpu.vector_load %arg5[%get3A_1199, %get3A_1200] {strides = array<i32>} : memref<2x512xi32, #tpu.memory_space<vmem>>, vector<16xi32>,
        tpu.vector_store_idx %arg9[%get3A_1201, %broadcast_in_dim3A_1123, %add3A_1190], %broadcast_in_dim3A_1 : memref<32x2x512xf32, #tpu.memory_space<vmem>>[vector<16xi32>, vector<16xi32>, vector<16xi32>], vector<16xf32>,
        %scan3A_1202 = arith.constant 0 : i32
        %scan3A_1203 = arith.constant 1 : i32
        %scan3A_1204 = arith.addi %scan3A_1185, %scan3A_1203 : i32
        %mul3A_1205 = arith.constant 16 : i32
        %mul3A_1206 = arith.muli %scan3A_1204, %mul3A_1205 : i32
        %add3A_1207 = vector.broadcast %mul3A_1206 : i32 to vector<16xi32>
        %add3A_1208 = arith.addi %add3A_1207, %iota3A : vector<16xi32>
        %mul3A_1209 = arith.constant 16 : i32
        %mul3A_1210 = arith.muli %scan3A_1204, %mul3A_1209 : i32
        %get3A_1211 = arith.constant 0 : i32
        %get3A_1212 = arith.index_cast %get3A_1211 : i32 to index
        %get3A_1213 = arith.index_cast %mul3A_1210 : i32 to index
        %get3A_1214 = tpu.vector_load %arg5[%get3A_1212, %get3A_1213] {strides = array<i32>} : memref<2x512xi32, #tpu.memory_space<vmem>>, vector<16xi32>,
        tpu.vector_store_idx %arg9[%get3A_1214, %broadcast_in_dim3A_1121, %add3A_1208], %broadcast_in_dim3A_1 : memref<32x2x512xf32, #tpu.memory_space<vmem>>[vector<16xi32>, vector<16xi32>, vector<16xi32>], vector<16xf32>,
        %mul3A_1215 = arith.constant 16 : i32
        %mul3A_1216 = arith.muli %scan3A_1204, %mul3A_1215 : i32
        %get3A_1217 = arith.constant 1 : i32
        %get3A_1218 = arith.index_cast %get3A_1217 : i32 to index
        %get3A_1219 = arith.index_cast %mul3A_1216 : i32 to index
        %get3A_1220 = tpu.vector_load %arg5[%get3A_1218, %get3A_1219] {strides = array<i32>} : memref<2x512xi32, #tpu.memory_space<vmem>>, vector<16xi32>,
        tpu.vector_store_idx %arg9[%get3A_1220, %broadcast_in_dim3A_1123, %add3A_1208], %broadcast_in_dim3A_1 : memref<32x2x512xf32, #tpu.memory_space<vmem>>[vector<16xi32>, vector<16xi32>, vector<16xi32>], vector<16xf32>,
        %scan3A_1221 = arith.constant 0 : i32
        %scan3A_1222 = arith.constant 2 : i32
        %scan3A_1223 = arith.addi %scan3A_1185, %scan3A_1222 : i32
        %mul3A_1224 = arith.constant 16 : i32
        %mul3A_1225 = arith.muli %scan3A_1223, %mul3A_1224 : i32
        %add3A_1226 = vector.broadcast %mul3A_1225 : i32 to vector<16xi32>
        %add3A_1227 = arith.addi %add3A_1226, %iota3A : vector<16xi32>
        %mul3A_1228 = arith.constant 16 : i32
        %mul3A_1229 = arith.muli %scan3A_1223, %mul3A_1228 : i32
        %get3A_1230 = arith.constant 0 : i32
        %get3A_1231 = arith.index_cast %get3A_1230 : i32 to index
        %get3A_1232 = arith.index_cast %mul3A_1229 : i32 to index
        %get3A_1233 = tpu.vector_load %arg5[%get3A_1231, %get3A_1232] {strides = array<i32>} : memref<2x512xi32, #tpu.memory_space<vmem>>, vector<16xi32>,
        tpu.vector_store_idx %arg9[%get3A_1233, %broadcast_in_dim3A_1121, %add3A_1227], %broadcast_in_dim3A_1 : memref<32x2x512xf32, #tpu.memory_space<vmem>>[vector<16xi32>, vector<16xi32>, vector<16xi32>], vector<16xf32>,
        %mul3A_1234 = arith.constant 16 : i32
        %mul3A_1235 = arith.muli %scan3A_1223, %mul3A_1234 : i32
        %get3A_1236 = arith.constant 1 : i32
        %get3A_1237 = arith.index_cast %get3A_1236 : i32 to index
        %get3A_1238 = arith.index_cast %mul3A_1235 : i32 to index
        %get3A_1239 = tpu.vector_load %arg5[%get3A_1237, %get3A_1238] {strides = array<i32>} : memref<2x512xi32, #tpu.memory_space<vmem>>, vector<16xi32>,
        tpu.vector_store_idx %arg9[%get3A_1239, %broadcast_in_dim3A_1123, %add3A_1227], %broadcast_in_dim3A_1 : memref<32x2x512xf32, #tpu.memory_space<vmem>>[vector<16xi32>, vector<16xi32>, vector<16xi32>], vector<16xf32>,
        %scan3A_1240 = arith.constant 0 : i32
        %scan3A_1241 = arith.constant 3 : i32
        %scan3A_1242 = arith.addi %scan3A_1185, %scan3A_1241 : i32
        %mul3A_1243 = arith.constant 16 : i32
        %mul3A_1244 = arith.muli %scan3A_1242, %mul3A_1243 : i32
        %add3A_1245 = vector.broadcast %mul3A_1244 : i32 to vector<16xi32>
        %add3A_1246 = arith.addi %add3A_1245, %iota3A : vector<16xi32>
        %mul3A_1247 = arith.constant 16 : i32
        %mul3A_1248 = arith.muli %scan3A_1242, %mul3A_1247 : i32
        %get3A_1249 = arith.constant 0 : i32
        %get3A_1250 = arith.index_cast %get3A_1249 : i32 to index
        %get3A_1251 = arith.index_cast %mul3A_1248 : i32 to index
        %get3A_1252 = tpu.vector_load %arg5[%get3A_1250, %get3A_1251] {strides = array<i32>} : memref<2x512xi32, #tpu.memory_space<vmem>>, vector<16xi32>,
        tpu.vector_store_idx %arg9[%get3A_1252, %broadcast_in_dim3A_1121, %add3A_1246], %broadcast_in_dim3A_1 : memref<32x2x512xf32, #tpu.memory_space<vmem>>[vector<16xi32>, vector<16xi32>, vector<16xi32>], vector<16xf32>,
        %mul3A_1253 = arith.constant 16 : i32
        %mul3A_1254 = arith.muli %scan3A_1242, %mul3A_1253 : i32
        %get3A_1255 = arith.constant 1 : i32
        %get3A_1256 = arith.index_cast %get3A_1255 : i32 to index
        %get3A_1257 = arith.index_cast %mul3A_1254 : i32 to index
        %get3A_1258 = tpu.vector_load %arg5[%get3A_1256, %get3A_1257] {strides = array<i32>} : memref<2x512xi32, #tpu.memory_space<vmem>>, vector<16xi32>,
        tpu.vector_store_idx %arg9[%get3A_1258, %broadcast_in_dim3A_1123, %add3A_1246], %broadcast_in_dim3A_1 : memref<32x2x512xf32, #tpu.memory_space<vmem>>[vector<16xi32>, vector<16xi32>, vector<16xi32>], vector<16xf32>,
        %scan3A_1259 = arith.constant 0 : i32
        scf.yield %scan3A_1259 : i32
      }
      %scan3A_1130 = arith.constant 32 : i32
      %mul3A_1131 = arith.constant 64 : i32
      %mul3A_1132 = arith.muli %add3A, %mul3A_1131 : i32
      %mul3A_1133 = arith.constant 2 : i32
      %mul3A_1134 = arith.muli %mul3A_1133, %add3A_1033 : i32
      %add3A_1135 = arith.addi %mul3A_1132, %mul3A_1134 : i32
      %jit3A_1136 = arith.constant 512 : i32
      %div3A_1137 = arith.divsi %add3A_1135, %jit3A_1136 : i32
      %sign3A_1138 = arith.constant 0 : i32
      %sign3A_1139 = arith.cmpi sgt, %add3A_1135, %sign3A_1138 : i32
      %sign3A_1140 = arith.extui %sign3A_1139 : i1 to i32
      %sign3A_1141 = arith.constant 0 : i32
      %sign3A_1142 = arith.cmpi slt, %add3A_1135, %sign3A_1141 : i32
      %sign3A_1143 = arith.extui %sign3A_1142 : i1 to i32
      %sign3A_1144 = arith.subi %sign3A_1140, %sign3A_1143 : i32
      %sign3A_1145 = arith.constant 0 : i32
      %sign3A_1146 = arith.cmpi sgt, %jit3A_1136, %sign3A_1145 : i32
      %sign3A_1147 = arith.extui %sign3A_1146 : i1 to i32
      %sign3A_1148 = arith.constant 0 : i32
      %sign3A_1149 = arith.cmpi slt, %jit3A_1136, %sign3A_1148 : i32
      %sign3A_1150 = arith.extui %sign3A_1149 : i1 to i32
      %sign3A_1151 = arith.subi %sign3A_1147, %sign3A_1150 : i32
      %ne3A_1152 = arith.cmpi ne, %sign3A_1144, %sign3A_1151 : i32
      %rem3A_1153 = arith.remsi %add3A_1135, %jit3A_1136 : i32
      %ne3A_1154 = arith.constant 0 : i32
      %ne3A_1155 = arith.cmpi ne, %rem3A_1153, %ne3A_1154 : i32
      %and3A_1156 = arith.andi %ne3A_1152, %ne3A_1155 : i1
      %sub3A_1157 = arith.constant 1 : i32
      %sub3A_1158 = arith.subi %div3A_1137, %sub3A_1157 : i32
      %select_n3A_1159 = arith.select %and3A_1156, %sub3A_1158, %div3A_1137 : i32
      %jit3A_1160 = arith.constant 512 : i32
      %eq3A_1161 = arith.constant 0 : i32
      %eq3A_1162 = arith.cmpi eq, %jit3A_1160, %eq3A_1161 : i32
      %jit3A_1163 = arith.constant 1 : i32
      %select_n3A_1164 = arith.select %eq3A_1162, %jit3A_1163, %jit3A_1160 : i32
      %rem3A_1165 = arith.remsi %add3A_1135, %select_n3A_1164 : i32
      %ne3A_1166 = arith.constant 0 : i32
      %ne3A_1167 = arith.cmpi ne, %rem3A_1165, %ne3A_1166 : i32
      %lt3A_1168 = arith.constant 0 : i32
      %lt3A_1169 = arith.cmpi slt, %rem3A_1165, %lt3A_1168 : i32
      %lt3A_1170 = arith.constant 0 : i32
      %lt3A_1171 = arith.cmpi slt, %select_n3A_1164, %lt3A_1170 : i32
      %ne3A_1172 = arith.xori %lt3A_1169, %lt3A_1171 : i1
      %and3A_1173 = arith.andi %ne3A_1172, %ne3A_1167 : i1
      %add3A_1174 = arith.addi %rem3A_1165, %select_n3A_1164 : i32
      %select_n3A_1175 = arith.select %and3A_1173, %add3A_1174, %rem3A_1165 : i32
      %dma_start3A_1176 = arith.constant 0 : i32
      %dma_start3A_1177 = arith.constant 0 : i32
      %dma_start3A_1178 = tpu.memref_slice %arg3[%select_n3A_1159, %dma_start3A_1176, %select_n3A_1175, %dma_start3A_1177] : memref<4x32x512x512xf32, #tpu.memory_space<hbm>> -> memref<1x32x2x512xf32, #tpu.memory_space<hbm>>
      %dma_start3A_1179 = tpu.memref_squeeze %dma_start3A_1178 : memref<1x32x2x512xf32, #tpu.memory_space<hbm>> -> memref<32x2x512xf32, #tpu.memory_space<hbm>>
      %dma_start3A_1180 = arith.constant 0 : i32
      %dma_start3A_1181 = arith.constant 0 : i32
      %dma_start3A_1182 = tpu.memref_slice %arg3[%select_n3A_1159, %dma_start3A_1180, %select_n3A_1175, %dma_start3A_1181] : memref<4x32x512x512xf32, #tpu.memory_space<hbm>> -> memref<1x32x2x512xf32, #tpu.memory_space<hbm>>
      %dma_start3A_1183 = tpu.memref_squeeze %dma_start3A_1182 : memref<1x32x2x512xf32, #tpu.memory_space<hbm>> -> memref<32x2x512xf32, #tpu.memory_space<hbm>>
      tpu.enqueue_dma source(%arg9 : memref<32x2x512xf32, #tpu.memory_space<vmem>>) target(%dma_start3A_1183 : memref<32x2x512xf32, #tpu.memory_space<hbm>>) target_semaphore(%arg15 : memref<!tpu.dma_semaphore, #tpu.memory_space<semaphore_mem>>)
      %scan3A_1184 = arith.constant 0 : i32
      scf.yield %scan3A_1184 : i32
    }
    %scan3A_185 = arith.constant 7 : i32
    %mul3A_186 = arith.constant 64 : i32
    %mul3A_187 = arith.muli %add3A, %mul3A_186 : i32
    %add3A_188 = arith.constant 56 : i32
    %add3A_189 = arith.addi %mul3A_187, %add3A_188 : i32
    %jit3A_190 = arith.constant 512 : i32
    %div3A_191 = arith.divsi %add3A_189, %jit3A_190 : i32
    %sign3A_192 = arith.constant 0 : i32
    %sign3A_193 = arith.cmpi sgt, %add3A_189, %sign3A_192 : i32
    %sign3A_194 = arith.extui %sign3A_193 : i1 to i32
    %sign3A_195 = arith.constant 0 : i32
    %sign3A_196 = arith.cmpi slt, %add3A_189, %sign3A_195 : i32
    %sign3A_197 = arith.extui %sign3A_196 : i1 to i32
    %sign3A_198 = arith.subi %sign3A_194, %sign3A_197 : i32
    %sign3A_199 = arith.constant 0 : i32
    %sign3A_200 = arith.cmpi sgt, %jit3A_190, %sign3A_199 : i32
    %sign3A_201 = arith.extui %sign3A_200 : i1 to i32
    %sign3A_202 = arith.constant 0 : i32
    %sign3A_203 = arith.cmpi slt, %jit3A_190, %sign3A_202 : i32
    %sign3A_204 = arith.extui %sign3A_203 : i1 to i32
    %sign3A_205 = arith.subi %sign3A_201, %sign3A_204 : i32
    %ne3A_206 = arith.cmpi ne, %sign3A_198, %sign3A_205 : i32
    %rem3A_207 = arith.remsi %add3A_189, %jit3A_190 : i32
    %ne3A_208 = arith.constant 0 : i32
    %ne3A_209 = arith.cmpi ne, %rem3A_207, %ne3A_208 : i32
    %and3A_210 = arith.andi %ne3A_206, %ne3A_209 : i1
    %sub3A_211 = arith.constant 1 : i32
    %sub3A_212 = arith.subi %div3A_191, %sub3A_211 : i32
    %select_n3A_213 = arith.select %and3A_210, %sub3A_212, %div3A_191 : i32
    %jit3A_214 = arith.constant 512 : i32
    %eq3A_215 = arith.constant 0 : i32
    %eq3A_216 = arith.cmpi eq, %jit3A_214, %eq3A_215 : i32
    %jit3A_217 = arith.constant 1 : i32
    %select_n3A_218 = arith.select %eq3A_216, %jit3A_217, %jit3A_214 : i32
    %rem3A_219 = arith.remsi %add3A_189, %select_n3A_218 : i32
    %ne3A_220 = arith.constant 0 : i32
    %ne3A_221 = arith.cmpi ne, %rem3A_219, %ne3A_220 : i32
    %lt3A_222 = arith.constant 0 : i32
    %lt3A_223 = arith.cmpi slt, %rem3A_219, %lt3A_222 : i32
    %lt3A_224 = arith.constant 0 : i32
    %lt3A_225 = arith.cmpi slt, %select_n3A_218, %lt3A_224 : i32
    %ne3A_226 = arith.xori %lt3A_223, %lt3A_225 : i1
    %and3A_227 = arith.andi %ne3A_226, %ne3A_221 : i1
    %add3A_228 = arith.addi %rem3A_219, %select_n3A_218 : i32
    %select_n3A_229 = arith.select %and3A_227, %add3A_228, %rem3A_219 : i32
    %dma_wait3A_230 = arith.constant 0 : i32
    %dma_wait3A_231 = arith.constant 0 : i32
    %dma_wait3A_232 = tpu.memref_slice %arg3[%select_n3A_213, %dma_wait3A_230, %select_n3A_229, %dma_wait3A_231] : memref<4x32x512x512xf32, #tpu.memory_space<hbm>> -> memref<1x32x2x512xf32, #tpu.memory_space<hbm>>
    %dma_wait3A_233 = tpu.memref_squeeze %dma_wait3A_232 : memref<1x32x2x512xf32, #tpu.memory_space<hbm>> -> memref<32x2x512xf32, #tpu.memory_space<hbm>>
    %dma_wait3A_234 = arith.constant 0 : i32
    %dma_wait3A_235 = arith.constant 0 : i32
    %dma_wait3A_236 = tpu.memref_slice %arg3[%select_n3A_213, %dma_wait3A_234, %select_n3A_229, %dma_wait3A_235] : memref<4x32x512x512xf32, #tpu.memory_space<hbm>> -> memref<1x32x2x512xf32, #tpu.memory_space<hbm>>
    %dma_wait3A_237 = tpu.memref_squeeze %dma_wait3A_236 : memref<1x32x2x512xf32, #tpu.memory_space<hbm>> -> memref<32x2x512xf32, #tpu.memory_space<hbm>>
    tpu.wait_dma2 semaphore(%arg14 : memref<!tpu.dma_semaphore, #tpu.memory_space<semaphore_mem>>) src(%arg8 : memref<32x2x512xf32, #tpu.memory_space<vmem>>) dst(%dma_wait3A_237 : memref<32x2x512xf32, #tpu.memory_space<hbm>>)
    %broadcast_in_dim3A_238 = arith.constant 0 : i32
    %broadcast_in_dim3A_239 = vector.broadcast %broadcast_in_dim3A_238 : i32 to vector<16xi32>
    %broadcast_in_dim3A_240 = arith.constant 1 : i32
    %broadcast_in_dim3A_241 = vector.broadcast %broadcast_in_dim3A_240 : i32 to vector<16xi32>
    %scan3A_242 = arith.constant 0 : i32
    %scan3A_243 = arith.constant 0 : i32
    %scan3A_244 = arith.constant 32 : i32
    %scan3A_245 = arith.addi %scan3A_243, %scan3A_244 : i32
    %scan3A_246 = arith.constant 4 : i32
    %scan3A_247 = scf.for %scan3A_558 = %scan3A_243 to %scan3A_245 step %scan3A_246 iter_args(%scan3A_559 = %scan3A_242) -> (i32)  : i32 {
      %mul3A_560 = arith.constant 16 : i32
      %mul3A_561 = arith.muli %scan3A_558, %mul3A_560 : i32
      %add3A_562 = vector.broadcast %mul3A_561 : i32 to vector<16xi32>
      %add3A_563 = arith.addi %add3A_562, %iota3A : vector<16xi32>
      %mul3A_564 = arith.constant 16 : i32
      %mul3A_565 = arith.muli %scan3A_558, %mul3A_564 : i32
      %get3A = arith.constant 0 : i32
      %get3A_566 = arith.index_cast %get3A : i32 to index
      %get3A_567 = arith.index_cast %mul3A_565 : i32 to index
      %get3A_568 = tpu.vector_load %arg4[%get3A_566, %get3A_567] {strides = array<i32>} : memref<2x512xi32, #tpu.memory_space<vmem>>, vector<16xi32>,
      tpu.vector_store_idx %arg8[%get3A_568, %broadcast_in_dim3A_239, %add3A_563], %broadcast_in_dim3A_3 : memref<32x2x512xf32, #tpu.memory_space<vmem>>[vector<16xi32>, vector<16xi32>, vector<16xi32>], vector<16xf32>,
      %mul3A_569 = arith.constant 16 : i32
      %mul3A_570 = arith.muli %scan3A_558, %mul3A_569 : i32
      %get3A_571 = arith.constant 1 : i32
      %get3A_572 = arith.index_cast %get3A_571 : i32 to index
      %get3A_573 = arith.index_cast %mul3A_570 : i32 to index
      %get3A_574 = tpu.vector_load %arg4[%get3A_572, %get3A_573] {strides = array<i32>} : memref<2x512xi32, #tpu.memory_space<vmem>>, vector<16xi32>,
      tpu.vector_store_idx %arg8[%get3A_574, %broadcast_in_dim3A_241, %add3A_563], %broadcast_in_dim3A_3 : memref<32x2x512xf32, #tpu.memory_space<vmem>>[vector<16xi32>, vector<16xi32>, vector<16xi32>], vector<16xf32>,
      %scan3A_575 = arith.constant 0 : i32
      %scan3A_576 = arith.constant 1 : i32
      %scan3A_577 = arith.addi %scan3A_558, %scan3A_576 : i32
      %mul3A_578 = arith.constant 16 : i32
      %mul3A_579 = arith.muli %scan3A_577, %mul3A_578 : i32
      %add3A_580 = vector.broadcast %mul3A_579 : i32 to vector<16xi32>
      %add3A_581 = arith.addi %add3A_580, %iota3A : vector<16xi32>
      %mul3A_582 = arith.constant 16 : i32
      %mul3A_583 = arith.muli %scan3A_577, %mul3A_582 : i32
      %get3A_584 = arith.constant 0 : i32
      %get3A_585 = arith.index_cast %get3A_584 : i32 to index
      %get3A_586 = arith.index_cast %mul3A_583 : i32 to index
      %get3A_587 = tpu.vector_load %arg4[%get3A_585, %get3A_586] {strides = array<i32>} : memref<2x512xi32, #tpu.memory_space<vmem>>, vector<16xi32>,
      tpu.vector_store_idx %arg8[%get3A_587, %broadcast_in_dim3A_239, %add3A_581], %broadcast_in_dim3A_3 : memref<32x2x512xf32, #tpu.memory_space<vmem>>[vector<16xi32>, vector<16xi32>, vector<16xi32>], vector<16xf32>,
      %mul3A_588 = arith.constant 16 : i32
      %mul3A_589 = arith.muli %scan3A_577, %mul3A_588 : i32
      %get3A_590 = arith.constant 1 : i32
      %get3A_591 = arith.index_cast %get3A_590 : i32 to index
      %get3A_592 = arith.index_cast %mul3A_589 : i32 to index
      %get3A_593 = tpu.vector_load %arg4[%get3A_591, %get3A_592] {strides = array<i32>} : memref<2x512xi32, #tpu.memory_space<vmem>>, vector<16xi32>,
      tpu.vector_store_idx %arg8[%get3A_593, %broadcast_in_dim3A_241, %add3A_581], %broadcast_in_dim3A_3 : memref<32x2x512xf32, #tpu.memory_space<vmem>>[vector<16xi32>, vector<16xi32>, vector<16xi32>], vector<16xf32>,
      %scan3A_594 = arith.constant 0 : i32
      %scan3A_595 = arith.constant 2 : i32
      %scan3A_596 = arith.addi %scan3A_558, %scan3A_595 : i32
      %mul3A_597 = arith.constant 16 : i32
      %mul3A_598 = arith.muli %scan3A_596, %mul3A_597 : i32
      %add3A_599 = vector.broadcast %mul3A_598 : i32 to vector<16xi32>
      %add3A_600 = arith.addi %add3A_599, %iota3A : vector<16xi32>
      %mul3A_601 = arith.constant 16 : i32
      %mul3A_602 = arith.muli %scan3A_596, %mul3A_601 : i32
      %get3A_603 = arith.constant 0 : i32
      %get3A_604 = arith.index_cast %get3A_603 : i32 to index
      %get3A_605 = arith.index_cast %mul3A_602 : i32 to index
      %get3A_606 = tpu.vector_load %arg4[%get3A_604, %get3A_605] {strides = array<i32>} : memref<2x512xi32, #tpu.memory_space<vmem>>, vector<16xi32>,
      tpu.vector_store_idx %arg8[%get3A_606, %broadcast_in_dim3A_239, %add3A_600], %broadcast_in_dim3A_3 : memref<32x2x512xf32, #tpu.memory_space<vmem>>[vector<16xi32>, vector<16xi32>, vector<16xi32>], vector<16xf32>,
      %mul3A_607 = arith.constant 16 : i32
      %mul3A_608 = arith.muli %scan3A_596, %mul3A_607 : i32
      %get3A_609 = arith.constant 1 : i32
      %get3A_610 = arith.index_cast %get3A_609 : i32 to index
      %get3A_611 = arith.index_cast %mul3A_608 : i32 to index
      %get3A_612 = tpu.vector_load %arg4[%get3A_610, %get3A_611] {strides = array<i32>} : memref<2x512xi32, #tpu.memory_space<vmem>>, vector<16xi32>,
      tpu.vector_store_idx %arg8[%get3A_612, %broadcast_in_dim3A_241, %add3A_600], %broadcast_in_dim3A_3 : memref<32x2x512xf32, #tpu.memory_space<vmem>>[vector<16xi32>, vector<16xi32>, vector<16xi32>], vector<16xf32>,
      %scan3A_613 = arith.constant 0 : i32
      %scan3A_614 = arith.constant 3 : i32
      %scan3A_615 = arith.addi %scan3A_558, %scan3A_614 : i32
      %mul3A_616 = arith.constant 16 : i32
      %mul3A_617 = arith.muli %scan3A_615, %mul3A_616 : i32
      %add3A_618 = vector.broadcast %mul3A_617 : i32 to vector<16xi32>
      %add3A_619 = arith.addi %add3A_618, %iota3A : vector<16xi32>
      %mul3A_620 = arith.constant 16 : i32
      %mul3A_621 = arith.muli %scan3A_615, %mul3A_620 : i32
      %get3A_622 = arith.constant 0 : i32
      %get3A_623 = arith.index_cast %get3A_622 : i32 to index
      %get3A_624 = arith.index_cast %mul3A_621 : i32 to index
      %get3A_625 = tpu.vector_load %arg4[%get3A_623, %get3A_624] {strides = array<i32>} : memref<2x512xi32, #tpu.memory_space<vmem>>, vector<16xi32>,
      tpu.vector_store_idx %arg8[%get3A_625, %broadcast_in_dim3A_239, %add3A_619], %broadcast_in_dim3A_3 : memref<32x2x512xf32, #tpu.memory_space<vmem>>[vector<16xi32>, vector<16xi32>, vector<16xi32>], vector<16xf32>,
      %mul3A_626 = arith.constant 16 : i32
      %mul3A_627 = arith.muli %scan3A_615, %mul3A_626 : i32
      %get3A_628 = arith.constant 1 : i32
      %get3A_629 = arith.index_cast %get3A_628 : i32 to index
      %get3A_630 = arith.index_cast %mul3A_627 : i32 to index
      %get3A_631 = tpu.vector_load %arg4[%get3A_629, %get3A_630] {strides = array<i32>} : memref<2x512xi32, #tpu.memory_space<vmem>>, vector<16xi32>,
      tpu.vector_store_idx %arg8[%get3A_631, %broadcast_in_dim3A_241, %add3A_619], %broadcast_in_dim3A_3 : memref<32x2x512xf32, #tpu.memory_space<vmem>>[vector<16xi32>, vector<16xi32>, vector<16xi32>], vector<16xf32>,
      %scan3A_632 = arith.constant 0 : i32
      scf.yield %scan3A_632 : i32
    }
    %scan3A_248 = arith.constant 32 : i32
    %mul3A_249 = arith.constant 64 : i32
    %mul3A_250 = arith.muli %add3A, %mul3A_249 : i32
    %add3A_251 = arith.constant 60 : i32
    %add3A_252 = arith.addi %mul3A_250, %add3A_251 : i32
    %dma_wait3A_253 = arith.constant 0 : i32
    %dma_wait3A_254 = tpu.memref_slice %arg2[%add3A_252, %dma_wait3A_253] : memref<2048x512xi32, #tpu.memory_space<hbm>> -> memref<2x512xi32, #tpu.memory_space<hbm>>
    %dma_wait3A_255 = arith.constant 0 : i32
    %dma_wait3A_256 = tpu.memref_slice %arg2[%add3A_252, %dma_wait3A_255] : memref<2048x512xi32, #tpu.memory_space<hbm>> -> memref<2x512xi32, #tpu.memory_space<hbm>>
    tpu.wait_dma2 semaphore(%arg12 : memref<!tpu.dma_semaphore, #tpu.memory_space<semaphore_mem>>) src(%dma_wait3A_256 : memref<2x512xi32, #tpu.memory_space<hbm>>) dst(%arg6 : memref<2x512xi32, #tpu.memory_space<vmem>>)
    %broadcast_in_dim3A_257 = arith.constant 0 : i32
    %broadcast_in_dim3A_258 = vector.broadcast %broadcast_in_dim3A_257 : i32 to vector<16xi32>
    %broadcast_in_dim3A_259 = arith.constant 1 : i32
    %broadcast_in_dim3A_260 = vector.broadcast %broadcast_in_dim3A_259 : i32 to vector<16xi32>
    %scan3A_261 = arith.constant 0 : i32
    %scan3A_262 = arith.constant 0 : i32
    %scan3A_263 = arith.constant 32 : i32
    %scan3A_264 = arith.addi %scan3A_262, %scan3A_263 : i32
    %scan3A_265 = arith.constant 4 : i32
    %scan3A_266 = scf.for %scan3A_558 = %scan3A_262 to %scan3A_264 step %scan3A_265 iter_args(%scan3A_559 = %scan3A_261) -> (i32)  : i32 {
      %mul3A_560 = arith.constant 16 : i32
      %mul3A_561 = arith.muli %scan3A_558, %mul3A_560 : i32
      %add3A_562 = vector.broadcast %mul3A_561 : i32 to vector<16xi32>
      %add3A_563 = arith.addi %add3A_562, %iota3A : vector<16xi32>
      %mul3A_564 = arith.constant 16 : i32
      %mul3A_565 = arith.muli %scan3A_558, %mul3A_564 : i32
      %get3A = arith.constant 0 : i32
      %get3A_566 = arith.index_cast %get3A : i32 to index
      %get3A_567 = arith.index_cast %mul3A_565 : i32 to index
      %get3A_568 = tpu.vector_load %arg6[%get3A_566, %get3A_567] {strides = array<i32>} : memref<2x512xi32, #tpu.memory_space<vmem>>, vector<16xi32>,
      tpu.vector_store_idx %arg8[%get3A_568, %broadcast_in_dim3A_258, %add3A_563], %broadcast_in_dim3A_1 : memref<32x2x512xf32, #tpu.memory_space<vmem>>[vector<16xi32>, vector<16xi32>, vector<16xi32>], vector<16xf32>,
      %mul3A_569 = arith.constant 16 : i32
      %mul3A_570 = arith.muli %scan3A_558, %mul3A_569 : i32
      %get3A_571 = arith.constant 1 : i32
      %get3A_572 = arith.index_cast %get3A_571 : i32 to index
      %get3A_573 = arith.index_cast %mul3A_570 : i32 to index
      %get3A_574 = tpu.vector_load %arg6[%get3A_572, %get3A_573] {strides = array<i32>} : memref<2x512xi32, #tpu.memory_space<vmem>>, vector<16xi32>,
      tpu.vector_store_idx %arg8[%get3A_574, %broadcast_in_dim3A_260, %add3A_563], %broadcast_in_dim3A_1 : memref<32x2x512xf32, #tpu.memory_space<vmem>>[vector<16xi32>, vector<16xi32>, vector<16xi32>], vector<16xf32>,
      %scan3A_575 = arith.constant 0 : i32
      %scan3A_576 = arith.constant 1 : i32
      %scan3A_577 = arith.addi %scan3A_558, %scan3A_576 : i32
      %mul3A_578 = arith.constant 16 : i32
      %mul3A_579 = arith.muli %scan3A_577, %mul3A_578 : i32
      %add3A_580 = vector.broadcast %mul3A_579 : i32 to vector<16xi32>
      %add3A_581 = arith.addi %add3A_580, %iota3A : vector<16xi32>
      %mul3A_582 = arith.constant 16 : i32
      %mul3A_583 = arith.muli %scan3A_577, %mul3A_582 : i32
      %get3A_584 = arith.constant 0 : i32
      %get3A_585 = arith.index_cast %get3A_584 : i32 to index
      %get3A_586 = arith.index_cast %mul3A_583 : i32 to index
      %get3A_587 = tpu.vector_load %arg6[%get3A_585, %get3A_586] {strides = array<i32>} : memref<2x512xi32, #tpu.memory_space<vmem>>, vector<16xi32>,
      tpu.vector_store_idx %arg8[%get3A_587, %broadcast_in_dim3A_258, %add3A_581], %broadcast_in_dim3A_1 : memref<32x2x512xf32, #tpu.memory_space<vmem>>[vector<16xi32>, vector<16xi32>, vector<16xi32>], vector<16xf32>,
      %mul3A_588 = arith.constant 16 : i32
      %mul3A_589 = arith.muli %scan3A_577, %mul3A_588 : i32
      %get3A_590 = arith.constant 1 : i32
      %get3A_591 = arith.index_cast %get3A_590 : i32 to index
      %get3A_592 = arith.index_cast %mul3A_589 : i32 to index
      %get3A_593 = tpu.vector_load %arg6[%get3A_591, %get3A_592] {strides = array<i32>} : memref<2x512xi32, #tpu.memory_space<vmem>>, vector<16xi32>,
      tpu.vector_store_idx %arg8[%get3A_593, %broadcast_in_dim3A_260, %add3A_581], %broadcast_in_dim3A_1 : memref<32x2x512xf32, #tpu.memory_space<vmem>>[vector<16xi32>, vector<16xi32>, vector<16xi32>], vector<16xf32>,
      %scan3A_594 = arith.constant 0 : i32
      %scan3A_595 = arith.constant 2 : i32
      %scan3A_596 = arith.addi %scan3A_558, %scan3A_595 : i32
      %mul3A_597 = arith.constant 16 : i32
      %mul3A_598 = arith.muli %scan3A_596, %mul3A_597 : i32
      %add3A_599 = vector.broadcast %mul3A_598 : i32 to vector<16xi32>
      %add3A_600 = arith.addi %add3A_599, %iota3A : vector<16xi32>
      %mul3A_601 = arith.constant 16 : i32
      %mul3A_602 = arith.muli %scan3A_596, %mul3A_601 : i32
      %get3A_603 = arith.constant 0 : i32
      %get3A_604 = arith.index_cast %get3A_603 : i32 to index
      %get3A_605 = arith.index_cast %mul3A_602 : i32 to index
      %get3A_606 = tpu.vector_load %arg6[%get3A_604, %get3A_605] {strides = array<i32>} : memref<2x512xi32, #tpu.memory_space<vmem>>, vector<16xi32>,
      tpu.vector_store_idx %arg8[%get3A_606, %broadcast_in_dim3A_258, %add3A_600], %broadcast_in_dim3A_1 : memref<32x2x512xf32, #tpu.memory_space<vmem>>[vector<16xi32>, vector<16xi32>, vector<16xi32>], vector<16xf32>,
      %mul3A_607 = arith.constant 16 : i32
      %mul3A_608 = arith.muli %scan3A_596, %mul3A_607 : i32
      %get3A_609 = arith.constant 1 : i32
      %get3A_610 = arith.index_cast %get3A_609 : i32 to index
      %get3A_611 = arith.index_cast %mul3A_608 : i32 to index
      %get3A_612 = tpu.vector_load %arg6[%get3A_610, %get3A_611] {strides = array<i32>} : memref<2x512xi32, #tpu.memory_space<vmem>>, vector<16xi32>,
      tpu.vector_store_idx %arg8[%get3A_612, %broadcast_in_dim3A_260, %add3A_600], %broadcast_in_dim3A_1 : memref<32x2x512xf32, #tpu.memory_space<vmem>>[vector<16xi32>, vector<16xi32>, vector<16xi32>], vector<16xf32>,
      %scan3A_613 = arith.constant 0 : i32
      %scan3A_614 = arith.constant 3 : i32
      %scan3A_615 = arith.addi %scan3A_558, %scan3A_614 : i32
      %mul3A_616 = arith.constant 16 : i32
      %mul3A_617 = arith.muli %scan3A_615, %mul3A_616 : i32
      %add3A_618 = vector.broadcast %mul3A_617 : i32 to vector<16xi32>
      %add3A_619 = arith.addi %add3A_618, %iota3A : vector<16xi32>
      %mul3A_620 = arith.constant 16 : i32
      %mul3A_621 = arith.muli %scan3A_615, %mul3A_620 : i32
      %get3A_622 = arith.constant 0 : i32
      %get3A_623 = arith.index_cast %get3A_622 : i32 to index
      %get3A_624 = arith.index_cast %mul3A_621 : i32 to index
      %get3A_625 = tpu.vector_load %arg6[%get3A_623, %get3A_624] {strides = array<i32>} : memref<2x512xi32, #tpu.memory_space<vmem>>, vector<16xi32>,
      tpu.vector_store_idx %arg8[%get3A_625, %broadcast_in_dim3A_258, %add3A_619], %broadcast_in_dim3A_1 : memref<32x2x512xf32, #tpu.memory_space<vmem>>[vector<16xi32>, vector<16xi32>, vector<16xi32>], vector<16xf32>,
      %mul3A_626 = arith.constant 16 : i32
      %mul3A_627 = arith.muli %scan3A_615, %mul3A_626 : i32
      %get3A_628 = arith.constant 1 : i32
      %get3A_629 = arith.index_cast %get3A_628 : i32 to index
      %get3A_630 = arith.index_cast %mul3A_627 : i32 to index
      %get3A_631 = tpu.vector_load %arg6[%get3A_629, %get3A_630] {strides = array<i32>} : memref<2x512xi32, #tpu.memory_space<vmem>>, vector<16xi32>,
      tpu.vector_store_idx %arg8[%get3A_631, %broadcast_in_dim3A_260, %add3A_619], %broadcast_in_dim3A_1 : memref<32x2x512xf32, #tpu.memory_space<vmem>>[vector<16xi32>, vector<16xi32>, vector<16xi32>], vector<16xf32>,
      %scan3A_632 = arith.constant 0 : i32
      scf.yield %scan3A_632 : i32
    }
    %scan3A_267 = arith.constant 32 : i32
    %mul3A_268 = arith.constant 64 : i32
    %mul3A_269 = arith.muli %add3A, %mul3A_268 : i32
    %add3A_270 = arith.constant 60 : i32
    %add3A_271 = arith.addi %mul3A_269, %add3A_270 : i32
    %jit3A_272 = arith.constant 512 : i32
    %div3A_273 = arith.divsi %add3A_271, %jit3A_272 : i32
    %sign3A_274 = arith.constant 0 : i32
    %sign3A_275 = arith.cmpi sgt, %add3A_271, %sign3A_274 : i32
    %sign3A_276 = arith.extui %sign3A_275 : i1 to i32
    %sign3A_277 = arith.constant 0 : i32
    %sign3A_278 = arith.cmpi slt, %add3A_271, %sign3A_277 : i32
    %sign3A_279 = arith.extui %sign3A_278 : i1 to i32
    %sign3A_280 = arith.subi %sign3A_276, %sign3A_279 : i32
    %sign3A_281 = arith.constant 0 : i32
    %sign3A_282 = arith.cmpi sgt, %jit3A_272, %sign3A_281 : i32
    %sign3A_283 = arith.extui %sign3A_282 : i1 to i32
    %sign3A_284 = arith.constant 0 : i32
    %sign3A_285 = arith.cmpi slt, %jit3A_272, %sign3A_284 : i32
    %sign3A_286 = arith.extui %sign3A_285 : i1 to i32
    %sign3A_287 = arith.subi %sign3A_283, %sign3A_286 : i32
    %ne3A_288 = arith.cmpi ne, %sign3A_280, %sign3A_287 : i32
    %rem3A_289 = arith.remsi %add3A_271, %jit3A_272 : i32
    %ne3A_290 = arith.constant 0 : i32
    %ne3A_291 = arith.cmpi ne, %rem3A_289, %ne3A_290 : i32
    %and3A_292 = arith.andi %ne3A_288, %ne3A_291 : i1
    %sub3A_293 = arith.constant 1 : i32
    %sub3A_294 = arith.subi %div3A_273, %sub3A_293 : i32
    %select_n3A_295 = arith.select %and3A_292, %sub3A_294, %div3A_273 : i32
    %jit3A_296 = arith.constant 512 : i32
    %eq3A_297 = arith.constant 0 : i32
    %eq3A_298 = arith.cmpi eq, %jit3A_296, %eq3A_297 : i32
    %jit3A_299 = arith.constant 1 : i32
    %select_n3A_300 = arith.select %eq3A_298, %jit3A_299, %jit3A_296 : i32
    %rem3A_301 = arith.remsi %add3A_271, %select_n3A_300 : i32
    %ne3A_302 = arith.constant 0 : i32
    %ne3A_303 = arith.cmpi ne, %rem3A_301, %ne3A_302 : i32
    %lt3A_304 = arith.constant 0 : i32
    %lt3A_305 = arith.cmpi slt, %rem3A_301, %lt3A_304 : i32
    %lt3A_306 = arith.constant 0 : i32
    %lt3A_307 = arith.cmpi slt, %select_n3A_300, %lt3A_306 : i32
    %ne3A_308 = arith.xori %lt3A_305, %lt3A_307 : i1
    %and3A_309 = arith.andi %ne3A_308, %ne3A_303 : i1
    %add3A_310 = arith.addi %rem3A_301, %select_n3A_300 : i32
    %select_n3A_311 = arith.select %and3A_309, %add3A_310, %rem3A_301 : i32
    %dma_start3A_312 = arith.constant 0 : i32
    %dma_start3A_313 = arith.constant 0 : i32
    %dma_start3A_314 = tpu.memref_slice %arg3[%select_n3A_295, %dma_start3A_312, %select_n3A_311, %dma_start3A_313] : memref<4x32x512x512xf32, #tpu.memory_space<hbm>> -> memref<1x32x2x512xf32, #tpu.memory_space<hbm>>
    %dma_start3A_315 = tpu.memref_squeeze %dma_start3A_314 : memref<1x32x2x512xf32, #tpu.memory_space<hbm>> -> memref<32x2x512xf32, #tpu.memory_space<hbm>>
    %dma_start3A_316 = arith.constant 0 : i32
    %dma_start3A_317 = arith.constant 0 : i32
    %dma_start3A_318 = tpu.memref_slice %arg3[%select_n3A_295, %dma_start3A_316, %select_n3A_311, %dma_start3A_317] : memref<4x32x512x512xf32, #tpu.memory_space<hbm>> -> memref<1x32x2x512xf32, #tpu.memory_space<hbm>>
    %dma_start3A_319 = tpu.memref_squeeze %dma_start3A_318 : memref<1x32x2x512xf32, #tpu.memory_space<hbm>> -> memref<32x2x512xf32, #tpu.memory_space<hbm>>
    tpu.enqueue_dma source(%arg8 : memref<32x2x512xf32, #tpu.memory_space<vmem>>) target(%dma_start3A_319 : memref<32x2x512xf32, #tpu.memory_space<hbm>>) target_semaphore(%arg14 : memref<!tpu.dma_semaphore, #tpu.memory_space<semaphore_mem>>)
    %mul3A_320 = arith.constant 64 : i32
    %mul3A_321 = arith.muli %add3A, %mul3A_320 : i32
    %add3A_322 = arith.constant 58 : i32
    %add3A_323 = arith.addi %mul3A_321, %add3A_322 : i32
    %jit3A_324 = arith.constant 512 : i32
    %div3A_325 = arith.divsi %add3A_323, %jit3A_324 : i32
    %sign3A_326 = arith.constant 0 : i32
    %sign3A_327 = arith.cmpi sgt, %add3A_323, %sign3A_326 : i32
    %sign3A_328 = arith.extui %sign3A_327 : i1 to i32
    %sign3A_329 = arith.constant 0 : i32
    %sign3A_330 = arith.cmpi slt, %add3A_323, %sign3A_329 : i32
    %sign3A_331 = arith.extui %sign3A_330 : i1 to i32
    %sign3A_332 = arith.subi %sign3A_328, %sign3A_331 : i32
    %sign3A_333 = arith.constant 0 : i32
    %sign3A_334 = arith.cmpi sgt, %jit3A_324, %sign3A_333 : i32
    %sign3A_335 = arith.extui %sign3A_334 : i1 to i32
    %sign3A_336 = arith.constant 0 : i32
    %sign3A_337 = arith.cmpi slt, %jit3A_324, %sign3A_336 : i32
    %sign3A_338 = arith.extui %sign3A_337 : i1 to i32
    %sign3A_339 = arith.subi %sign3A_335, %sign3A_338 : i32
    %ne3A_340 = arith.cmpi ne, %sign3A_332, %sign3A_339 : i32
    %rem3A_341 = arith.remsi %add3A_323, %jit3A_324 : i32
    %ne3A_342 = arith.constant 0 : i32
    %ne3A_343 = arith.cmpi ne, %rem3A_341, %ne3A_342 : i32
    %and3A_344 = arith.andi %ne3A_340, %ne3A_343 : i1
    %sub3A_345 = arith.constant 1 : i32
    %sub3A_346 = arith.subi %div3A_325, %sub3A_345 : i32
    %select_n3A_347 = arith.select %and3A_344, %sub3A_346, %div3A_325 : i32
    %jit3A_348 = arith.constant 512 : i32
    %eq3A_349 = arith.constant 0 : i32
    %eq3A_350 = arith.cmpi eq, %jit3A_348, %eq3A_349 : i32
    %jit3A_351 = arith.constant 1 : i32
    %select_n3A_352 = arith.select %eq3A_350, %jit3A_351, %jit3A_348 : i32
    %rem3A_353 = arith.remsi %add3A_323, %select_n3A_352 : i32
    %ne3A_354 = arith.constant 0 : i32
    %ne3A_355 = arith.cmpi ne, %rem3A_353, %ne3A_354 : i32
    %lt3A_356 = arith.constant 0 : i32
    %lt3A_357 = arith.cmpi slt, %rem3A_353, %lt3A_356 : i32
    %lt3A_358 = arith.constant 0 : i32
    %lt3A_359 = arith.cmpi slt, %select_n3A_352, %lt3A_358 : i32
    %ne3A_360 = arith.xori %lt3A_357, %lt3A_359 : i1
    %and3A_361 = arith.andi %ne3A_360, %ne3A_355 : i1
    %add3A_362 = arith.addi %rem3A_353, %select_n3A_352 : i32
    %select_n3A_363 = arith.select %and3A_361, %add3A_362, %rem3A_353 : i32
    %dma_wait3A_364 = arith.constant 0 : i32
    %dma_wait3A_365 = arith.constant 0 : i32
    %dma_wait3A_366 = tpu.memref_slice %arg3[%select_n3A_347, %dma_wait3A_364, %select_n3A_363, %dma_wait3A_365] : memref<4x32x512x512xf32, #tpu.memory_space<hbm>> -> memref<1x32x2x512xf32, #tpu.memory_space<hbm>>
    %dma_wait3A_367 = tpu.memref_squeeze %dma_wait3A_366 : memref<1x32x2x512xf32, #tpu.memory_space<hbm>> -> memref<32x2x512xf32, #tpu.memory_space<hbm>>
    %dma_wait3A_368 = arith.constant 0 : i32
    %dma_wait3A_369 = arith.constant 0 : i32
    %dma_wait3A_370 = tpu.memref_slice %arg3[%select_n3A_347, %dma_wait3A_368, %select_n3A_363, %dma_wait3A_369] : memref<4x32x512x512xf32, #tpu.memory_space<hbm>> -> memref<1x32x2x512xf32, #tpu.memory_space<hbm>>
    %dma_wait3A_371 = tpu.memref_squeeze %dma_wait3A_370 : memref<1x32x2x512xf32, #tpu.memory_space<hbm>> -> memref<32x2x512xf32, #tpu.memory_space<hbm>>
    tpu.wait_dma2 semaphore(%arg15 : memref<!tpu.dma_semaphore, #tpu.memory_space<semaphore_mem>>) src(%arg9 : memref<32x2x512xf32, #tpu.memory_space<vmem>>) dst(%dma_wait3A_371 : memref<32x2x512xf32, #tpu.memory_space<hbm>>)
    %broadcast_in_dim3A_372 = arith.constant 0 : i32
    %broadcast_in_dim3A_373 = vector.broadcast %broadcast_in_dim3A_372 : i32 to vector<16xi32>
    %broadcast_in_dim3A_374 = arith.constant 1 : i32
    %broadcast_in_dim3A_375 = vector.broadcast %broadcast_in_dim3A_374 : i32 to vector<16xi32>
    %scan3A_376 = arith.constant 0 : i32
    %scan3A_377 = arith.constant 0 : i32
    %scan3A_378 = arith.constant 32 : i32
    %scan3A_379 = arith.addi %scan3A_377, %scan3A_378 : i32
    %scan3A_380 = arith.constant 4 : i32
    %scan3A_381 = scf.for %scan3A_558 = %scan3A_377 to %scan3A_379 step %scan3A_380 iter_args(%scan3A_559 = %scan3A_376) -> (i32)  : i32 {
      %mul3A_560 = arith.constant 16 : i32
      %mul3A_561 = arith.muli %scan3A_558, %mul3A_560 : i32
      %add3A_562 = vector.broadcast %mul3A_561 : i32 to vector<16xi32>
      %add3A_563 = arith.addi %add3A_562, %iota3A : vector<16xi32>
      %mul3A_564 = arith.constant 16 : i32
      %mul3A_565 = arith.muli %scan3A_558, %mul3A_564 : i32
      %get3A = arith.constant 0 : i32
      %get3A_566 = arith.index_cast %get3A : i32 to index
      %get3A_567 = arith.index_cast %mul3A_565 : i32 to index
      %get3A_568 = tpu.vector_load %arg5[%get3A_566, %get3A_567] {strides = array<i32>} : memref<2x512xi32, #tpu.memory_space<vmem>>, vector<16xi32>,
      tpu.vector_store_idx %arg9[%get3A_568, %broadcast_in_dim3A_373, %add3A_563], %broadcast_in_dim3A_3 : memref<32x2x512xf32, #tpu.memory_space<vmem>>[vector<16xi32>, vector<16xi32>, vector<16xi32>], vector<16xf32>,
      %mul3A_569 = arith.constant 16 : i32
      %mul3A_570 = arith.muli %scan3A_558, %mul3A_569 : i32
      %get3A_571 = arith.constant 1 : i32
      %get3A_572 = arith.index_cast %get3A_571 : i32 to index
      %get3A_573 = arith.index_cast %mul3A_570 : i32 to index
      %get3A_574 = tpu.vector_load %arg5[%get3A_572, %get3A_573] {strides = array<i32>} : memref<2x512xi32, #tpu.memory_space<vmem>>, vector<16xi32>,
      tpu.vector_store_idx %arg9[%get3A_574, %broadcast_in_dim3A_375, %add3A_563], %broadcast_in_dim3A_3 : memref<32x2x512xf32, #tpu.memory_space<vmem>>[vector<16xi32>, vector<16xi32>, vector<16xi32>], vector<16xf32>,
      %scan3A_575 = arith.constant 0 : i32
      %scan3A_576 = arith.constant 1 : i32
      %scan3A_577 = arith.addi %scan3A_558, %scan3A_576 : i32
      %mul3A_578 = arith.constant 16 : i32
      %mul3A_579 = arith.muli %scan3A_577, %mul3A_578 : i32
      %add3A_580 = vector.broadcast %mul3A_579 : i32 to vector<16xi32>
      %add3A_581 = arith.addi %add3A_580, %iota3A : vector<16xi32>
      %mul3A_582 = arith.constant 16 : i32
      %mul3A_583 = arith.muli %scan3A_577, %mul3A_582 : i32
      %get3A_584 = arith.constant 0 : i32
      %get3A_585 = arith.index_cast %get3A_584 : i32 to index
      %get3A_586 = arith.index_cast %mul3A_583 : i32 to index
      %get3A_587 = tpu.vector_load %arg5[%get3A_585, %get3A_586] {strides = array<i32>} : memref<2x512xi32, #tpu.memory_space<vmem>>, vector<16xi32>,
      tpu.vector_store_idx %arg9[%get3A_587, %broadcast_in_dim3A_373, %add3A_581], %broadcast_in_dim3A_3 : memref<32x2x512xf32, #tpu.memory_space<vmem>>[vector<16xi32>, vector<16xi32>, vector<16xi32>], vector<16xf32>,
      %mul3A_588 = arith.constant 16 : i32
      %mul3A_589 = arith.muli %scan3A_577, %mul3A_588 : i32
      %get3A_590 = arith.constant 1 : i32
      %get3A_591 = arith.index_cast %get3A_590 : i32 to index
      %get3A_592 = arith.index_cast %mul3A_589 : i32 to index
      %get3A_593 = tpu.vector_load %arg5[%get3A_591, %get3A_592] {strides = array<i32>} : memref<2x512xi32, #tpu.memory_space<vmem>>, vector<16xi32>,
      tpu.vector_store_idx %arg9[%get3A_593, %broadcast_in_dim3A_375, %add3A_581], %broadcast_in_dim3A_3 : memref<32x2x512xf32, #tpu.memory_space<vmem>>[vector<16xi32>, vector<16xi32>, vector<16xi32>], vector<16xf32>,
      %scan3A_594 = arith.constant 0 : i32
      %scan3A_595 = arith.constant 2 : i32
      %scan3A_596 = arith.addi %scan3A_558, %scan3A_595 : i32
      %mul3A_597 = arith.constant 16 : i32
      %mul3A_598 = arith.muli %scan3A_596, %mul3A_597 : i32
      %add3A_599 = vector.broadcast %mul3A_598 : i32 to vector<16xi32>
      %add3A_600 = arith.addi %add3A_599, %iota3A : vector<16xi32>
      %mul3A_601 = arith.constant 16 : i32
      %mul3A_602 = arith.muli %scan3A_596, %mul3A_601 : i32
      %get3A_603 = arith.constant 0 : i32
      %get3A_604 = arith.index_cast %get3A_603 : i32 to index
      %get3A_605 = arith.index_cast %mul3A_602 : i32 to index
      %get3A_606 = tpu.vector_load %arg5[%get3A_604, %get3A_605] {strides = array<i32>} : memref<2x512xi32, #tpu.memory_space<vmem>>, vector<16xi32>,
      tpu.vector_store_idx %arg9[%get3A_606, %broadcast_in_dim3A_373, %add3A_600], %broadcast_in_dim3A_3 : memref<32x2x512xf32, #tpu.memory_space<vmem>>[vector<16xi32>, vector<16xi32>, vector<16xi32>], vector<16xf32>,
      %mul3A_607 = arith.constant 16 : i32
      %mul3A_608 = arith.muli %scan3A_596, %mul3A_607 : i32
      %get3A_609 = arith.constant 1 : i32
      %get3A_610 = arith.index_cast %get3A_609 : i32 to index
      %get3A_611 = arith.index_cast %mul3A_608 : i32 to index
      %get3A_612 = tpu.vector_load %arg5[%get3A_610, %get3A_611] {strides = array<i32>} : memref<2x512xi32, #tpu.memory_space<vmem>>, vector<16xi32>,
      tpu.vector_store_idx %arg9[%get3A_612, %broadcast_in_dim3A_375, %add3A_600], %broadcast_in_dim3A_3 : memref<32x2x512xf32, #tpu.memory_space<vmem>>[vector<16xi32>, vector<16xi32>, vector<16xi32>], vector<16xf32>,
      %scan3A_613 = arith.constant 0 : i32
      %scan3A_614 = arith.constant 3 : i32
      %scan3A_615 = arith.addi %scan3A_558, %scan3A_614 : i32
      %mul3A_616 = arith.constant 16 : i32
      %mul3A_617 = arith.muli %scan3A_615, %mul3A_616 : i32
      %add3A_618 = vector.broadcast %mul3A_617 : i32 to vector<16xi32>
      %add3A_619 = arith.addi %add3A_618, %iota3A : vector<16xi32>
      %mul3A_620 = arith.constant 16 : i32
      %mul3A_621 = arith.muli %scan3A_615, %mul3A_620 : i32
      %get3A_622 = arith.constant 0 : i32
      %get3A_623 = arith.index_cast %get3A_622 : i32 to index
      %get3A_624 = arith.index_cast %mul3A_621 : i32 to index
      %get3A_625 = tpu.vector_load %arg5[%get3A_623, %get3A_624] {strides = array<i32>} : memref<2x512xi32, #tpu.memory_space<vmem>>, vector<16xi32>,
      tpu.vector_store_idx %arg9[%get3A_625, %broadcast_in_dim3A_373, %add3A_619], %broadcast_in_dim3A_3 : memref<32x2x512xf32, #tpu.memory_space<vmem>>[vector<16xi32>, vector<16xi32>, vector<16xi32>], vector<16xf32>,
      %mul3A_626 = arith.constant 16 : i32
      %mul3A_627 = arith.muli %scan3A_615, %mul3A_626 : i32
      %get3A_628 = arith.constant 1 : i32
      %get3A_629 = arith.index_cast %get3A_628 : i32 to index
      %get3A_630 = arith.index_cast %mul3A_627 : i32 to index
      %get3A_631 = tpu.vector_load %arg5[%get3A_629, %get3A_630] {strides = array<i32>} : memref<2x512xi32, #tpu.memory_space<vmem>>, vector<16xi32>,
      tpu.vector_store_idx %arg9[%get3A_631, %broadcast_in_dim3A_375, %add3A_619], %broadcast_in_dim3A_3 : memref<32x2x512xf32, #tpu.memory_space<vmem>>[vector<16xi32>, vector<16xi32>, vector<16xi32>], vector<16xf32>,
      %scan3A_632 = arith.constant 0 : i32
      scf.yield %scan3A_632 : i32
    }
    %scan3A_382 = arith.constant 32 : i32
    %mul3A_383 = arith.constant 64 : i32
    %mul3A_384 = arith.muli %add3A, %mul3A_383 : i32
    %add3A_385 = arith.constant 62 : i32
    %add3A_386 = arith.addi %mul3A_384, %add3A_385 : i32
    %dma_wait3A_387 = arith.constant 0 : i32
    %dma_wait3A_388 = tpu.memref_slice %arg2[%add3A_386, %dma_wait3A_387] : memref<2048x512xi32, #tpu.memory_space<hbm>> -> memref<2x512xi32, #tpu.memory_space<hbm>>
    %dma_wait3A_389 = arith.constant 0 : i32
    %dma_wait3A_390 = tpu.memref_slice %arg2[%add3A_386, %dma_wait3A_389] : memref<2048x512xi32, #tpu.memory_space<hbm>> -> memref<2x512xi32, #tpu.memory_space<hbm>>
    tpu.wait_dma2 semaphore(%arg13 : memref<!tpu.dma_semaphore, #tpu.memory_space<semaphore_mem>>) src(%dma_wait3A_390 : memref<2x512xi32, #tpu.memory_space<hbm>>) dst(%arg7 : memref<2x512xi32, #tpu.memory_space<vmem>>)
    %broadcast_in_dim3A_391 = arith.constant 0 : i32
    %broadcast_in_dim3A_392 = vector.broadcast %broadcast_in_dim3A_391 : i32 to vector<16xi32>
    %broadcast_in_dim3A_393 = arith.constant 1 : i32
    %broadcast_in_dim3A_394 = vector.broadcast %broadcast_in_dim3A_393 : i32 to vector<16xi32>
    %scan3A_395 = arith.constant 0 : i32
    %scan3A_396 = arith.constant 0 : i32
    %scan3A_397 = arith.constant 32 : i32
    %scan3A_398 = arith.addi %scan3A_396, %scan3A_397 : i32
    %scan3A_399 = arith.constant 4 : i32
    %scan3A_400 = scf.for %scan3A_558 = %scan3A_396 to %scan3A_398 step %scan3A_399 iter_args(%scan3A_559 = %scan3A_395) -> (i32)  : i32 {
      %mul3A_560 = arith.constant 16 : i32
      %mul3A_561 = arith.muli %scan3A_558, %mul3A_560 : i32
      %add3A_562 = vector.broadcast %mul3A_561 : i32 to vector<16xi32>
      %add3A_563 = arith.addi %add3A_562, %iota3A : vector<16xi32>
      %mul3A_564 = arith.constant 16 : i32
      %mul3A_565 = arith.muli %scan3A_558, %mul3A_564 : i32
      %get3A = arith.constant 0 : i32
      %get3A_566 = arith.index_cast %get3A : i32 to index
      %get3A_567 = arith.index_cast %mul3A_565 : i32 to index
      %get3A_568 = tpu.vector_load %arg7[%get3A_566, %get3A_567] {strides = array<i32>} : memref<2x512xi32, #tpu.memory_space<vmem>>, vector<16xi32>,
      tpu.vector_store_idx %arg9[%get3A_568, %broadcast_in_dim3A_392, %add3A_563], %broadcast_in_dim3A_1 : memref<32x2x512xf32, #tpu.memory_space<vmem>>[vector<16xi32>, vector<16xi32>, vector<16xi32>], vector<16xf32>,
      %mul3A_569 = arith.constant 16 : i32
      %mul3A_570 = arith.muli %scan3A_558, %mul3A_569 : i32
      %get3A_571 = arith.constant 1 : i32
      %get3A_572 = arith.index_cast %get3A_571 : i32 to index
      %get3A_573 = arith.index_cast %mul3A_570 : i32 to index
      %get3A_574 = tpu.vector_load %arg7[%get3A_572, %get3A_573] {strides = array<i32>} : memref<2x512xi32, #tpu.memory_space<vmem>>, vector<16xi32>,
      tpu.vector_store_idx %arg9[%get3A_574, %broadcast_in_dim3A_394, %add3A_563], %broadcast_in_dim3A_1 : memref<32x2x512xf32, #tpu.memory_space<vmem>>[vector<16xi32>, vector<16xi32>, vector<16xi32>], vector<16xf32>,
      %scan3A_575 = arith.constant 0 : i32
      %scan3A_576 = arith.constant 1 : i32
      %scan3A_577 = arith.addi %scan3A_558, %scan3A_576 : i32
      %mul3A_578 = arith.constant 16 : i32
      %mul3A_579 = arith.muli %scan3A_577, %mul3A_578 : i32
      %add3A_580 = vector.broadcast %mul3A_579 : i32 to vector<16xi32>
      %add3A_581 = arith.addi %add3A_580, %iota3A : vector<16xi32>
      %mul3A_582 = arith.constant 16 : i32
      %mul3A_583 = arith.muli %scan3A_577, %mul3A_582 : i32
      %get3A_584 = arith.constant 0 : i32
      %get3A_585 = arith.index_cast %get3A_584 : i32 to index
      %get3A_586 = arith.index_cast %mul3A_583 : i32 to index
      %get3A_587 = tpu.vector_load %arg7[%get3A_585, %get3A_586] {strides = array<i32>} : memref<2x512xi32, #tpu.memory_space<vmem>>, vector<16xi32>,
      tpu.vector_store_idx %arg9[%get3A_587, %broadcast_in_dim3A_392, %add3A_581], %broadcast_in_dim3A_1 : memref<32x2x512xf32, #tpu.memory_space<vmem>>[vector<16xi32>, vector<16xi32>, vector<16xi32>], vector<16xf32>,
      %mul3A_588 = arith.constant 16 : i32
      %mul3A_589 = arith.muli %scan3A_577, %mul3A_588 : i32
      %get3A_590 = arith.constant 1 : i32
      %get3A_591 = arith.index_cast %get3A_590 : i32 to index
      %get3A_592 = arith.index_cast %mul3A_589 : i32 to index
      %get3A_593 = tpu.vector_load %arg7[%get3A_591, %get3A_592] {strides = array<i32>} : memref<2x512xi32, #tpu.memory_space<vmem>>, vector<16xi32>,
      tpu.vector_store_idx %arg9[%get3A_593, %broadcast_in_dim3A_394, %add3A_581], %broadcast_in_dim3A_1 : memref<32x2x512xf32, #tpu.memory_space<vmem>>[vector<16xi32>, vector<16xi32>, vector<16xi32>], vector<16xf32>,
      %scan3A_594 = arith.constant 0 : i32
      %scan3A_595 = arith.constant 2 : i32
      %scan3A_596 = arith.addi %scan3A_558, %scan3A_595 : i32
      %mul3A_597 = arith.constant 16 : i32
      %mul3A_598 = arith.muli %scan3A_596, %mul3A_597 : i32
      %add3A_599 = vector.broadcast %mul3A_598 : i32 to vector<16xi32>
      %add3A_600 = arith.addi %add3A_599, %iota3A : vector<16xi32>
      %mul3A_601 = arith.constant 16 : i32
      %mul3A_602 = arith.muli %scan3A_596, %mul3A_601 : i32
      %get3A_603 = arith.constant 0 : i32
      %get3A_604 = arith.index_cast %get3A_603 : i32 to index
      %get3A_605 = arith.index_cast %mul3A_602 : i32 to index
      %get3A_606 = tpu.vector_load %arg7[%get3A_604, %get3A_605] {strides = array<i32>} : memref<2x512xi32, #tpu.memory_space<vmem>>, vector<16xi32>,
      tpu.vector_store_idx %arg9[%get3A_606, %broadcast_in_dim3A_392, %add3A_600], %broadcast_in_dim3A_1 : memref<32x2x512xf32, #tpu.memory_space<vmem>>[vector<16xi32>, vector<16xi32>, vector<16xi32>], vector<16xf32>,
      %mul3A_607 = arith.constant 16 : i32
      %mul3A_608 = arith.muli %scan3A_596, %mul3A_607 : i32
      %get3A_609 = arith.constant 1 : i32
      %get3A_610 = arith.index_cast %get3A_609 : i32 to index
      %get3A_611 = arith.index_cast %mul3A_608 : i32 to index
      %get3A_612 = tpu.vector_load %arg7[%get3A_610, %get3A_611] {strides = array<i32>} : memref<2x512xi32, #tpu.memory_space<vmem>>, vector<16xi32>,
      tpu.vector_store_idx %arg9[%get3A_612, %broadcast_in_dim3A_394, %add3A_600], %broadcast_in_dim3A_1 : memref<32x2x512xf32, #tpu.memory_space<vmem>>[vector<16xi32>, vector<16xi32>, vector<16xi32>], vector<16xf32>,
      %scan3A_613 = arith.constant 0 : i32
      %scan3A_614 = arith.constant 3 : i32
      %scan3A_615 = arith.addi %scan3A_558, %scan3A_614 : i32
      %mul3A_616 = arith.constant 16 : i32
      %mul3A_617 = arith.muli %scan3A_615, %mul3A_616 : i32
      %add3A_618 = vector.broadcast %mul3A_617 : i32 to vector<16xi32>
      %add3A_619 = arith.addi %add3A_618, %iota3A : vector<16xi32>
      %mul3A_620 = arith.constant 16 : i32
      %mul3A_621 = arith.muli %scan3A_615, %mul3A_620 : i32
      %get3A_622 = arith.constant 0 : i32
      %get3A_623 = arith.index_cast %get3A_622 : i32 to index
      %get3A_624 = arith.index_cast %mul3A_621 : i32 to index
      %get3A_625 = tpu.vector_load %arg7[%get3A_623, %get3A_624] {strides = array<i32>} : memref<2x512xi32, #tpu.memory_space<vmem>>, vector<16xi32>,
      tpu.vector_store_idx %arg9[%get3A_625, %broadcast_in_dim3A_392, %add3A_619], %broadcast_in_dim3A_1 : memref<32x2x512xf32, #tpu.memory_space<vmem>>[vector<16xi32>, vector<16xi32>, vector<16xi32>], vector<16xf32>,
      %mul3A_626 = arith.constant 16 : i32
      %mul3A_627 = arith.muli %scan3A_615, %mul3A_626 : i32
      %get3A_628 = arith.constant 1 : i32
      %get3A_629 = arith.index_cast %get3A_628 : i32 to index
      %get3A_630 = arith.index_cast %mul3A_627 : i32 to index
      %get3A_631 = tpu.vector_load %arg7[%get3A_629, %get3A_630] {strides = array<i32>} : memref<2x512xi32, #tpu.memory_space<vmem>>, vector<16xi32>,
      tpu.vector_store_idx %arg9[%get3A_631, %broadcast_in_dim3A_394, %add3A_619], %broadcast_in_dim3A_1 : memref<32x2x512xf32, #tpu.memory_space<vmem>>[vector<16xi32>, vector<16xi32>, vector<16xi32>], vector<16xf32>,
      %scan3A_632 = arith.constant 0 : i32
      scf.yield %scan3A_632 : i32
    }
    %scan3A_401 = arith.constant 32 : i32
    %mul3A_402 = arith.constant 64 : i32
    %mul3A_403 = arith.muli %add3A, %mul3A_402 : i32
    %add3A_404 = arith.constant 62 : i32
    %add3A_405 = arith.addi %mul3A_403, %add3A_404 : i32
    %jit3A_406 = arith.constant 512 : i32
    %div3A_407 = arith.divsi %add3A_405, %jit3A_406 : i32
    %sign3A_408 = arith.constant 0 : i32
    %sign3A_409 = arith.cmpi sgt, %add3A_405, %sign3A_408 : i32
    %sign3A_410 = arith.extui %sign3A_409 : i1 to i32
    %sign3A_411 = arith.constant 0 : i32
    %sign3A_412 = arith.cmpi slt, %add3A_405, %sign3A_411 : i32
    %sign3A_413 = arith.extui %sign3A_412 : i1 to i32
    %sign3A_414 = arith.subi %sign3A_410, %sign3A_413 : i32
    %sign3A_415 = arith.constant 0 : i32
    %sign3A_416 = arith.cmpi sgt, %jit3A_406, %sign3A_415 : i32
    %sign3A_417 = arith.extui %sign3A_416 : i1 to i32
    %sign3A_418 = arith.constant 0 : i32
    %sign3A_419 = arith.cmpi slt, %jit3A_406, %sign3A_418 : i32
    %sign3A_420 = arith.extui %sign3A_419 : i1 to i32
    %sign3A_421 = arith.subi %sign3A_417, %sign3A_420 : i32
    %ne3A_422 = arith.cmpi ne, %sign3A_414, %sign3A_421 : i32
    %rem3A_423 = arith.remsi %add3A_405, %jit3A_406 : i32
    %ne3A_424 = arith.constant 0 : i32
    %ne3A_425 = arith.cmpi ne, %rem3A_423, %ne3A_424 : i32
    %and3A_426 = arith.andi %ne3A_422, %ne3A_425 : i1
    %sub3A_427 = arith.constant 1 : i32
    %sub3A_428 = arith.subi %div3A_407, %sub3A_427 : i32
    %select_n3A_429 = arith.select %and3A_426, %sub3A_428, %div3A_407 : i32
    %jit3A_430 = arith.constant 512 : i32
    %eq3A_431 = arith.constant 0 : i32
    %eq3A_432 = arith.cmpi eq, %jit3A_430, %eq3A_431 : i32
    %jit3A_433 = arith.constant 1 : i32
    %select_n3A_434 = arith.select %eq3A_432, %jit3A_433, %jit3A_430 : i32
    %rem3A_435 = arith.remsi %add3A_405, %select_n3A_434 : i32
    %ne3A_436 = arith.constant 0 : i32
    %ne3A_437 = arith.cmpi ne, %rem3A_435, %ne3A_436 : i32
    %lt3A_438 = arith.constant 0 : i32
    %lt3A_439 = arith.cmpi slt, %rem3A_435, %lt3A_438 : i32
    %lt3A_440 = arith.constant 0 : i32
    %lt3A_441 = arith.cmpi slt, %select_n3A_434, %lt3A_440 : i32
    %ne3A_442 = arith.xori %lt3A_439, %lt3A_441 : i1
    %and3A_443 = arith.andi %ne3A_442, %ne3A_437 : i1
    %add3A_444 = arith.addi %rem3A_435, %select_n3A_434 : i32
    %select_n3A_445 = arith.select %and3A_443, %add3A_444, %rem3A_435 : i32
    %dma_start3A_446 = arith.constant 0 : i32
    %dma_start3A_447 = arith.constant 0 : i32
    %dma_start3A_448 = tpu.memref_slice %arg3[%select_n3A_429, %dma_start3A_446, %select_n3A_445, %dma_start3A_447] : memref<4x32x512x512xf32, #tpu.memory_space<hbm>> -> memref<1x32x2x512xf32, #tpu.memory_space<hbm>>
    %dma_start3A_449 = tpu.memref_squeeze %dma_start3A_448 : memref<1x32x2x512xf32, #tpu.memory_space<hbm>> -> memref<32x2x512xf32, #tpu.memory_space<hbm>>
    %dma_start3A_450 = arith.constant 0 : i32
    %dma_start3A_451 = arith.constant 0 : i32
    %dma_start3A_452 = tpu.memref_slice %arg3[%select_n3A_429, %dma_start3A_450, %select_n3A_445, %dma_start3A_451] : memref<4x32x512x512xf32, #tpu.memory_space<hbm>> -> memref<1x32x2x512xf32, #tpu.memory_space<hbm>>
    %dma_start3A_453 = tpu.memref_squeeze %dma_start3A_452 : memref<1x32x2x512xf32, #tpu.memory_space<hbm>> -> memref<32x2x512xf32, #tpu.memory_space<hbm>>
    tpu.enqueue_dma source(%arg9 : memref<32x2x512xf32, #tpu.memory_space<vmem>>) target(%dma_start3A_453 : memref<32x2x512xf32, #tpu.memory_space<hbm>>) target_semaphore(%arg15 : memref<!tpu.dma_semaphore, #tpu.memory_space<semaphore_mem>>)
    %mul3A_454 = arith.constant 64 : i32
    %mul3A_455 = arith.muli %add3A, %mul3A_454 : i32
    %add3A_456 = arith.constant 60 : i32
    %add3A_457 = arith.addi %mul3A_455, %add3A_456 : i32
    %jit3A_458 = arith.constant 512 : i32
    %div3A_459 = arith.divsi %add3A_457, %jit3A_458 : i32
    %sign3A_460 = arith.constant 0 : i32
    %sign3A_461 = arith.cmpi sgt, %add3A_457, %sign3A_460 : i32
    %sign3A_462 = arith.extui %sign3A_461 : i1 to i32
    %sign3A_463 = arith.constant 0 : i32
    %sign3A_464 = arith.cmpi slt, %add3A_457, %sign3A_463 : i32
    %sign3A_465 = arith.extui %sign3A_464 : i1 to i32
    %sign3A_466 = arith.subi %sign3A_462, %sign3A_465 : i32
    %sign3A_467 = arith.constant 0 : i32
    %sign3A_468 = arith.cmpi sgt, %jit3A_458, %sign3A_467 : i32
    %sign3A_469 = arith.extui %sign3A_468 : i1 to i32
    %sign3A_470 = arith.constant 0 : i32
    %sign3A_471 = arith.cmpi slt, %jit3A_458, %sign3A_470 : i32
    %sign3A_472 = arith.extui %sign3A_471 : i1 to i32
    %sign3A_473 = arith.subi %sign3A_469, %sign3A_472 : i32
    %ne3A_474 = arith.cmpi ne, %sign3A_466, %sign3A_473 : i32
    %rem3A_475 = arith.remsi %add3A_457, %jit3A_458 : i32
    %ne3A_476 = arith.constant 0 : i32
    %ne3A_477 = arith.cmpi ne, %rem3A_475, %ne3A_476 : i32
    %and3A_478 = arith.andi %ne3A_474, %ne3A_477 : i1
    %sub3A_479 = arith.constant 1 : i32
    %sub3A_480 = arith.subi %div3A_459, %sub3A_479 : i32
    %select_n3A_481 = arith.select %and3A_478, %sub3A_480, %div3A_459 : i32
    %jit3A_482 = arith.constant 512 : i32
    %eq3A_483 = arith.constant 0 : i32
    %eq3A_484 = arith.cmpi eq, %jit3A_482, %eq3A_483 : i32
    %jit3A_485 = arith.constant 1 : i32
    %select_n3A_486 = arith.select %eq3A_484, %jit3A_485, %jit3A_482 : i32
    %rem3A_487 = arith.remsi %add3A_457, %select_n3A_486 : i32
    %ne3A_488 = arith.constant 0 : i32
    %ne3A_489 = arith.cmpi ne, %rem3A_487, %ne3A_488 : i32
    %lt3A_490 = arith.constant 0 : i32
    %lt3A_491 = arith.cmpi slt, %rem3A_487, %lt3A_490 : i32
    %lt3A_492 = arith.constant 0 : i32
    %lt3A_493 = arith.cmpi slt, %select_n3A_486, %lt3A_492 : i32
    %ne3A_494 = arith.xori %lt3A_491, %lt3A_493 : i1
    %and3A_495 = arith.andi %ne3A_494, %ne3A_489 : i1
    %add3A_496 = arith.addi %rem3A_487, %select_n3A_486 : i32
    %select_n3A_497 = arith.select %and3A_495, %add3A_496, %rem3A_487 : i32
    %dma_wait3A_498 = arith.constant 0 : i32
    %dma_wait3A_499 = arith.constant 0 : i32
    %dma_wait3A_500 = tpu.memref_slice %arg3[%select_n3A_481, %dma_wait3A_498, %select_n3A_497, %dma_wait3A_499] : memref<4x32x512x512xf32, #tpu.memory_space<hbm>> -> memref<1x32x2x512xf32, #tpu.memory_space<hbm>>
    %dma_wait3A_501 = tpu.memref_squeeze %dma_wait3A_500 : memref<1x32x2x512xf32, #tpu.memory_space<hbm>> -> memref<32x2x512xf32, #tpu.memory_space<hbm>>
    %dma_wait3A_502 = arith.constant 0 : i32
    %dma_wait3A_503 = arith.constant 0 : i32
    %dma_wait3A_504 = tpu.memref_slice %arg3[%select_n3A_481, %dma_wait3A_502, %select_n3A_497, %dma_wait3A_503] : memref<4x32x512x512xf32, #tpu.memory_space<hbm>> -> memref<1x32x2x512xf32, #tpu.memory_space<hbm>>
    %dma_wait3A_505 = tpu.memref_squeeze %dma_wait3A_504 : memref<1x32x2x512xf32, #tpu.memory_space<hbm>> -> memref<32x2x512xf32, #tpu.memory_space<hbm>>
    tpu.wait_dma2 semaphore(%arg14 : memref<!tpu.dma_semaphore, #tpu.memory_space<semaphore_mem>>) src(%arg8 : memref<32x2x512xf32, #tpu.memory_space<vmem>>) dst(%dma_wait3A_505 : memref<32x2x512xf32, #tpu.memory_space<hbm>>)
    %mul3A_506 = arith.constant 64 : i32
    %mul3A_507 = arith.muli %add3A, %mul3A_506 : i32
    %add3A_508 = arith.constant 62 : i32
    %add3A_509 = arith.addi %mul3A_507, %add3A_508 : i32
    %jit3A_510 = arith.constant 512 : i32
    %div3A_511 = arith.divsi %add3A_509, %jit3A_510 : i32
    %sign3A_512 = arith.constant 0 : i32
    %sign3A_513 = arith.cmpi sgt, %add3A_509, %sign3A_512 : i32
    %sign3A_514 = arith.extui %sign3A_513 : i1 to i32
    %sign3A_515 = arith.constant 0 : i32
    %sign3A_516 = arith.cmpi slt, %add3A_509, %sign3A_515 : i32
    %sign3A_517 = arith.extui %sign3A_516 : i1 to i32
    %sign3A_518 = arith.subi %sign3A_514, %sign3A_517 : i32
    %sign3A_519 = arith.constant 0 : i32
    %sign3A_520 = arith.cmpi sgt, %jit3A_510, %sign3A_519 : i32
    %sign3A_521 = arith.extui %sign3A_520 : i1 to i32
    %sign3A_522 = arith.constant 0 : i32
    %sign3A_523 = arith.cmpi slt, %jit3A_510, %sign3A_522 : i32
    %sign3A_524 = arith.extui %sign3A_523 : i1 to i32
    %sign3A_525 = arith.subi %sign3A_521, %sign3A_524 : i32
    %ne3A_526 = arith.cmpi ne, %sign3A_518, %sign3A_525 : i32
    %rem3A_527 = arith.remsi %add3A_509, %jit3A_510 : i32
    %ne3A_528 = arith.constant 0 : i32
    %ne3A_529 = arith.cmpi ne, %rem3A_527, %ne3A_528 : i32
    %and3A_530 = arith.andi %ne3A_526, %ne3A_529 : i1
    %sub3A_531 = arith.constant 1 : i32
    %sub3A_532 = arith.subi %div3A_511, %sub3A_531 : i32
    %select_n3A_533 = arith.select %and3A_530, %sub3A_532, %div3A_511 : i32
    %jit3A_534 = arith.constant 512 : i32
    %eq3A_535 = arith.constant 0 : i32
    %eq3A_536 = arith.cmpi eq, %jit3A_534, %eq3A_535 : i32
    %jit3A_537 = arith.constant 1 : i32
    %select_n3A_538 = arith.select %eq3A_536, %jit3A_537, %jit3A_534 : i32
    %rem3A_539 = arith.remsi %add3A_509, %select_n3A_538 : i32
    %ne3A_540 = arith.constant 0 : i32
    %ne3A_541 = arith.cmpi ne, %rem3A_539, %ne3A_540 : i32
    %lt3A_542 = arith.constant 0 : i32
    %lt3A_543 = arith.cmpi slt, %rem3A_539, %lt3A_542 : i32
    %lt3A_544 = arith.constant 0 : i32
    %lt3A_545 = arith.cmpi slt, %select_n3A_538, %lt3A_544 : i32
    %ne3A_546 = arith.xori %lt3A_543, %lt3A_545 : i1
    %and3A_547 = arith.andi %ne3A_546, %ne3A_541 : i1
    %add3A_548 = arith.addi %rem3A_539, %select_n3A_538 : i32
    %select_n3A_549 = arith.select %and3A_547, %add3A_548, %rem3A_539 : i32
    %dma_wait3A_550 = arith.constant 0 : i32
    %dma_wait3A_551 = arith.constant 0 : i32
    %dma_wait3A_552 = tpu.memref_slice %arg3[%select_n3A_533, %dma_wait3A_550, %select_n3A_549, %dma_wait3A_551] : memref<4x32x512x512xf32, #tpu.memory_space<hbm>> -> memref<1x32x2x512xf32, #tpu.memory_space<hbm>>
    %dma_wait3A_553 = tpu.memref_squeeze %dma_wait3A_552 : memref<1x32x2x512xf32, #tpu.memory_space<hbm>> -> memref<32x2x512xf32, #tpu.memory_space<hbm>>
    %dma_wait3A_554 = arith.constant 0 : i32
    %dma_wait3A_555 = arith.constant 0 : i32
    %dma_wait3A_556 = tpu.memref_slice %arg3[%select_n3A_533, %dma_wait3A_554, %select_n3A_549, %dma_wait3A_555] : memref<4x32x512x512xf32, #tpu.memory_space<hbm>> -> memref<1x32x2x512xf32, #tpu.memory_space<hbm>>
    %dma_wait3A_557 = tpu.memref_squeeze %dma_wait3A_556 : memref<1x32x2x512xf32, #tpu.memory_space<hbm>> -> memref<32x2x512xf32, #tpu.memory_space<hbm>>
    tpu.wait_dma2 semaphore(%arg15 : memref<!tpu.dma_semaphore, #tpu.memory_space<semaphore_mem>>) src(%arg9 : memref<32x2x512xf32, #tpu.memory_space<vmem>>) dst(%dma_wait3A_557 : memref<32x2x512xf32, #tpu.memory_space<hbm>>)
    return
  }
}

</mosaic_0001>

<sc_bundles>
// kernel: kernel.3.cloned.1.call-start
scs
__scs_entry_jumppad:
0x0: {  	(pc) =	sbr.rel $0x88, $3  }
0x1: {  	(tag) =	ssettag $0x0;
	lr =	simm.s32 $0x1  }
0x2: {  	[smem:$0x3FA0] =	sst lr;
	_ =	strace $0xD0000000  }
0x3: {  	_ = 	snop  }
0x4: {  	_ = 	snop  }
0x5: {  	_ = 	snop  }
0x6: {  	_ = 	snop  }
0x7: {  	_ = 	snop  }
__scs_overlays_trampoline_lowered:
0x8: {  	[smem:$0x3FAF] =	sst s0  }
0x9: {  	[smem:$0x3FB0] =	sst s1  }
0xa: {  	[smem:$0x3FB1] =	sst s2  }
0xb: {  	[smem:$0x3FB2] =	sst s3  }
0xc: {  	[smem:$0x3FB3] =	sst s4  }
0xd: {  	[smem:$0x3FB4] =	sst s5  }
0xe: {  	[smem:$0x3FB5] =	sst s6  }
0xf: {  	[smem:$0x3FB6] =	sst s7  }
0x10: {  	[smem:$0x3FB7] =	sst s8  }
0x11: {  	[smem:$0x3FB8] =	sst s9;
	s0 =	simm.s32 @!p0 $0x0  }
0x12: {  	s1 =	sld [smem:$0x3F9E];
	s0 =	simm.s32 @p0 $0x1  }
0x13: {  	[smem:$0x3FB9] =	sst s0;
	s0 =	simm.s32 @!p1 $0x0  }
0x14: {  	s2 =	sld [smem:$0x3F9D];
	s0 =	simm.s32 @p1 $0x1  }
0x15: {  	[smem:$0x3FBA] =	sst s0;
	s0 =	simm.s32 @!p2 $0x0  }
0x16: {  	s3 =	sld [smem:$0x3FDB];
	s0 =	simm.s32 @p2 $0x1  }
0x17: {  	s4 =	simm.s32 $0x1BF5;
	[smem:$0x3FBC] =	sst s0  }
0x18: {  	s0 =	sld [smem:$0x3F9F];
	_ =	swait.ge [sflag:s4], $0x0  }
0x19: {  	s7 =	sld [smem:$0x3FA0]  }
0x1a: {  	s8 =	sadd.s32 $0xFFFFE003, lr  }
0x1b: {  	s9 =	sadd.s32 $0xFFFFFEF7, lr;
	s5 =	simm.s32 $0xFFFFFFFF;
	p2 =	slt.u32 s8, $0xFFFFF086  }
0x1c: {  	p1 =	slt.u32 s9, $0xF7A;
	s5 =	simm.s32 @!p2 $0x0  }
0x1d: {  	s5 =	simm.s32 @p1 $0x1;
	p0 =	seq.s32 s7, s2  }
0x1e: {  	s7 =	smul.u32 @!p0 $0xF7A, s2;
	p2 =	seq.s32 @!p0 s5, $0x0  }
0x1f: {  	s9 =	smul.u32 $0xF7A, s1;
	s8 =	simm.s32 @!p0 $0x1BF5;
	p2 =	por !p2, p0  }
0x20: {  	[sflag:s8] =	ssyncset.s32 @!p0 $0xFFFFF086;
	s6 =	sadd.s32 @!p0 s3, s7;
	s7 =	simm.s32 @!p0 $0x108  }
0x21: {  	s3 =	sadd.s32 s3, s9;
	s6 =	sadd.s32 @!p0 $0x88, s6;
	s7 =	simm.s32 @p2 $0x1082  }
0x22: {  	[simem:s7], [sflag:s8] =	dma.local @!p0 [hbm:s6], $0xF7A  }
0x23: {  	s9 =	sor.u32 $0xD0000000, s2;
	s6 =	simm.s32 $0x108;
	_ =	swait.ge @!p0 [sflag:s8], $0x0  }
0x24: {  	s3 =	sadd.s32 $0x88, s3;
	s6 =	simm.s32 @!p1 $0x1082;
	[sflag:s4] =	ssyncset.s32 $0xFFFFF086  }
0x25: {  	[simem:s6], [sflag:s4] =	dma.local [hbm:s3], $0xF7A  }
0x26: {  	[smem:$0x3FA0] =	sst s1;
	(tag) =	ssettag s2;
	_ =	strace s9  }
0x27: {  	s1 =	sld [smem:$0x3FB0]  }
0x28: {  	s2 =	sld [smem:$0x3FB1]  }
0x29: {  	s4 =	sld [smem:$0x3FB3]  }
0x2a: {  	p0 =	seq.s32 s5, $0x0;
	s5 =	sld [smem:$0x3FB4]  }
0x2b: {  	s6 =	sld [smem:$0x3FB5]  }
0x2c: {  	s7 =	sld [smem:$0x3FB6]  }
0x2d: {  	s3 =	simm.s32 $0x108;
	s8 =	sld [smem:$0x3FB7]  }
0x2e: {  	s3 =	simm.s32 @!p0 $0x1082;
	s9 =	sld [smem:$0x3FB8]  }
0x2f: {  	lr =	sadd.s32 s0, s3;
	s0 =	sld [smem:$0x3FAF]  }
0x30: {  	s3 =	sld [smem:$0x3FB2]  }
0x31: {  	[smem:$0x3FBB] =	sst s10  }
0x32: {  	s10 =	sld [smem:$0x3FB9];
	_ =	sdelay $0x3  }
0x33: {  	p0 =	seq.s32 s10, $0x1;
	s10 =	sld [smem:$0x3FBB];
	_ =	sdelay $0x3  }
0x34: {  	[smem:$0x3FBB] =	sst s10  }
0x35: {  	s10 =	sld [smem:$0x3FBA];
	_ =	sdelay $0x3  }
0x36: {  	p1 =	seq.s32 s10, $0x1;
	s10 =	sld [smem:$0x3FBB];
	_ =	sdelay $0x3  }
0x37: {  	[smem:$0x3FBB] =	sst s10  }
0x38: {  	s10 =	sld [smem:$0x3FBC]  }
0x39: {  	_ = 	snop;
	(pc) =	sbr.ind lr, $3  }
0x3a: {  	_ = 	snop  }
0x3b: {  	_ = 	snop  }
0x3c: {  	p2 =	seq.s32 s10, $0x1;
	s10 =	sld [smem:$0x3FBB]  }
0x3d: {  	_ =	shalt  }
0x3e: {  	_ =	shalt  }
0x3f: {  	_ =	shalt  }
0x40: {  	_ =	shalt  }
0x41: {  	_ =	shalt  }
0x42: {  	_ =	shalt  }
0x43: {  	_ =	shalt  }
0x44: {  	_ =	shalt  }
0x45: {  	_ =	shalt  }
0x46: {  	_ =	shalt  }
0x47: {  	_ =	shalt  }
0x48: {  	_ =	shalt  }
0x49: {  	_ =	shalt  }
0x4a: {  	_ =	shalt  }
0x4b: {  	_ =	shalt  }
0x4c: {  	_ =	shalt  }
0x4d: {  	_ =	shalt  }
0x4e: {  	_ =	shalt  }
0x4f: {  	_ =	shalt  }
0x50: {  	_ =	shalt  }
0x51: {  	_ =	shalt  }
0x52: {  	_ =	shalt  }
0x53: {  	_ =	shalt  }
0x54: {  	_ =	shalt  }
0x55: {  	_ =	shalt  }
0x56: {  	_ =	shalt  }
0x57: {  	_ =	shalt  }
0x58: {  	_ =	shalt  }
0x59: {  	_ =	shalt  }
0x5a: {  	_ =	shalt  }
0x5b: {  	_ =	shalt  }
0x5c: {  	_ =	shalt  }
0x5d: {  	_ =	shalt  }
0x5e: {  	_ =	shalt  }
0x5f: {  	_ =	shalt  }
0x60: {  	_ =	shalt  }
0x61: {  	_ =	shalt  }
0x62: {  	_ =	shalt  }
0x63: {  	_ =	shalt  }
0x64: {  	_ =	shalt  }
0x65: {  	_ =	shalt  }
0x66: {  	_ =	shalt  }
0x67: {  	_ =	shalt  }
0x68: {  	_ =	shalt  }
0x69: {  	_ =	shalt  }
0x6a: {  	_ =	shalt  }
0x6b: {  	_ =	shalt  }
0x6c: {  	_ =	shalt  }
0x6d: {  	_ =	shalt  }
0x6e: {  	_ =	shalt  }
0x6f: {  	_ =	shalt  }
0x70: {  	_ =	shalt  }
0x71: {  	_ =	shalt  }
0x72: {  	_ =	shalt  }
0x73: {  	_ =	shalt  }
0x74: {  	_ =	shalt  }
0x75: {  	_ =	shalt  }
0x76: {  	_ =	shalt  }
0x77: {  	_ =	shalt  }
0x78: {  	_ =	shalt  }
0x79: {  	_ =	shalt  }
0x7a: {  	_ =	shalt  }
0x7b: {  	_ =	shalt  }
0x7c: {  	_ =	shalt  }
0x7d: {  	_ =	shalt  }
0x7e: {  	_ =	shalt  }
0x7f: {  	_ =	shalt  }
0x80: {  	_ =	shalt  }
0x81: {  	_ =	shalt  }
0x82: {  	_ =	shalt  }
0x83: {  	_ =	shalt  }
0x84: {  	_ =	shalt  }
0x85: {  	_ =	shalt  }
0x86: {  	_ =	shalt  }
0x87: {  	_ =	shalt  }
.Lfunc_end0:
.L_simem_size_0:
called_computation_lowered:
.L_overlay_start_0:
0x88: {  	s2 =	sld [smem:$0x3FD9]  }
0x89: {  	s3 =	sld [smem:$0x3FFE];
	_ =	sdelay $0x1  }
0x8a: {  	s1 =	srdreg.scid  }
0x8b: {  	s0 =	sand.u32 $0x1, s1  }
0x8c: {  	s17 =	sshll.u32 s0, $0xA;
	s2 =	sadd.s32 s3, s2  }
0x8d: {  	s2 =	sadd.s32 s2, s17  }
0x8e: {  	[smem:$0x3FC7] =	sst s2  }
0x8f: {  	_ = 	snop  }
0x90: {  	s2 =	sld [smem:$0x3FD0];
	(tm) =	ssettm $0x1  }
0x91: {  	s18 =	sld [smem:$0x3FFB];
	_ =	sdelay $0x3  }
0x92: {  	_ =	strace s18  }
0x93: {  	s3 =	sld [smem:$0x3FFC];
	_ =	sdelay $0x3  }
0x94: {  	_ =	strace s3  }
0x95: {  	s3 =	sld [smem:$0x3FFD];
	_ =	sdelay $0x3  }
0x96: {  	_ =	strace s3  }
0x97: {  	_ =	strace $0x8FFFFFFF  }
0x98: {  	s19 =	sld [smem:$0x3FDB];
	_ =	sdelay $0x1  }
0x99: {  	s4 =	simm.s32 $_scs_section_size  }
0x9a: {  	s5 =	simm.s32 $_size__tile_overlayer_lowered;
	s6 =	simm.s32 $_tile_overlayer_lowered  }
0x9b: {  	s22 =	simm.s32 $0x1BFF;
	s21 =	sshll.u32 s6, $0x1;
	s3 =	sadd.s32 s4, s19  }
0x9c: {  	s7 =	simm.s32 $0x0;
	s20 =	sshll.u32 s5, $0x1;
	s5 =	sadd.s32 s21, s3  }
0x9d: {  	[timem:s7], [sflag:s22] =	dma.local [hbm:s5], s20  }
0x9e: {  	_ =	swait.ge [sflag:s22], s20  }
0x9f: {  	s4 =	ssub.s32 $0x0, s20;
	[sflag:s22] =	ssyncset.done $0x0  }
0xa0: {  	[sflag:s22] =	ssyncadd.s32 s4;
	_ =	sdelay $0x1  }
0xa1: {  	s23 =	simm.s32 $0x1B8B  }
0xa2: {  	_ =	swait.ge [sflag:s23], $0x1  }
0xa3: {  	[sflag:s23] =	ssyncset.done $0x0  }
0xa4: {  	s25 =	simm.s32 $0x1B8E;
	s24 =	sld [smem:$0x3FFE];
	[sflag:s23] =	ssyncadd.s32 $0xFFFFFFFF  }
0xa5: {  	s26 =	simm.s32 $execute0_lowered;
	[smem:$0x3FD2] =	sst s25  }
0xa6: {  	s5 =	sshll.u32 s26, $0x1;
	_ =	strace $0x80000046;
	[dreg:$0x1] =	wrdreg $0xFFFFFFFF  }
0xa7: {  	s28 =	simm.s32 $_size_execute0_lowered;
	s3 =	sadd.s32 s3, s5;
	[dreg:$0x0] =	wrdreg $0x0  }
0xa8: {  	s5 =	sshll.u32 s28, $0x1;
	[dreg:$0x2] =	wrdreg s3  }
0xa9: {  	[dreg:$0x3] =	wrdreg s5  }
0xaa: {  	[dreg:$0x4] =	wrdreg $0xC0  }
0xab: {  	_ =	task [dreg:s7], $0x5FFFF  }
0xac: {  	[dreg:$0x1] =	wrdreg $0xFFFFFFFF  }
0xad: {  	[dreg:$0x0] =	wrdreg $0x60  }
0xae: {  	[dreg:$0x2] =	wrdreg s2  }
0xaf: {  	[dreg:$0x3] =	wrdreg s24  }
0xb0: {  	[dreg:$0x4] =	wrdreg $0x9  }
0xb1: {  	_ =	task.clear_ibuf [dreg:s7], $0x5FFFF;
	_ =	strace $0x90000046  }
0xb2: {  	s29 =	simm.s32 $0x9;
	_ =	strace $0x80000048  }
0xb3: {  	_ =	swait.ge [sflag:s29], $0x1  }
0xb4: {  	[sflag:s29] =	ssyncadd.s32 $0xFFFFFFFF  }
0xb5: {  	_ =	strace $0x90000048  }
0xb6: {  	_ =	sfence  }
0xb7: {  	s30 =	sld [smem:$0x0];
	_ =	sdelay $0x2  }
0xb8: {  	s31 =	sshll.u32 s1, $0xD;
	s1 =	sshrl.u32 s1, $0x2  }
0xb9: {  	s3 =	sand.u32 $0x4000, s31;
	s1 =	sadd.s32 s1, s30  }
0xba: {  	s0 =	sor.u32 s3, s0;
	s1 =	sshll.u32 s1, $0x11  }
0xbb: {  	s0 =	sor.u32 s1, s0  }
0xbc: {  	s0 =	sadd.s32 $0x8F2B, s0  }
0xbd: {  	[sflag:s0] =	ssyncadd.remote.s32 $0x1  }
0xbe: {  	_ =	sfence.sel $0xFFFF  }
0xbf: {  	[dreg:$0x0] =	wrdreg $0xFFFFFFFF;
	(pc) =	sbr.abs _section_cstart, $3  }
0xc0: {  	[dreg:$0x1] =	wrdreg $0xFFFFFFFF  }
0xc1: {  	_ =	task.clear_ibuf [dreg:s7], $0x2FFFF;
	_ =	strace $0x9FFFFFFF  }
0xc2: {  	(tm) =	ssettm $0x7FFFFFFF  }
0xc3: {  	_ =	shalt  }
tec
execute0_lowered:
.L_overlay_start_1:
0x0: {  	(tag) =	ssettag $0x1  }
0x1: {  	s1 =	rddreg [dreg:$0x0]  }
0x2: {  	s0 =	rddreg [dreg:$0x1];
	s9 =	simm.s32 $0x0;
	s2 =	srdreg.scid  }
0x3: {  	s3 =	stileid.u32;
	s28 =	simm.s32 $0x9000;
	s29 =	simm.s32 $0x5  }
0x4: {  	s30 =	simm.s32 $0x3;
	s31 =	simm.s32 $0x6;
	[smem:$0x7FF] =	sst s9  }
0x5: {  	s2 =	sand.u32 $0x1, s2;
	s4 =	sshll.u32 s3, $0x7;
	s5 =	sadd.s32 $0x400, s0  }
0x6: {  	s17 =	sshll.u32 s3, $0x15;
	s6 =	ssub.s32 $0x2, s2;
	s2 =	sshll.u32 s2, $0x6  }
0x7: {  	s23 =	sshll.u32 s3, $0x12;
	s7 =	sshrl.u32 s6, $0x1;
	s4 =	sor.u32 s2, s4  }
0x8: {  	_ =	strace $0x80000047;
	s11 =	ssub.s32 s6, s7;
	s2 =	sshll.u32 s4, $0x6  }
0x9: {  	s16 =	sor.u32 $0x2, s4;
	s8 =	sshll.u32 s4, $0x9;
	s12 =	sor.u32 $0x8, s4  }
0xa: {  	s14 =	sor.u32 $0xA, s4;
	s15 =	sor.u32 $0xC, s4;
	s10 =	sadd.s32 s1, s2  }
0xb: {  	s18 =	sshll.u32 s16, $0x6;
	s8 =	sor.u32 s17, s8;
	s6 =	sshll.u32 s16, $0x9  }
0xc: {  	s16 =	sor.u32 $0xE, s4;
	s0 =	smax.u32 s11, $0x1;
	[dreg:$0x4] =	wrdreg s10  }
0xd: {  	s2 =	sadd.s32 s1, s18;
	s19 =	sand.u32 $0x1838000, s8;
	[dreg:$0xc] =	wrdreg s0  }
0xe: {  	s20 =	sadd.s32 $0x100, s10;
	s6 =	sor.u32 s17, s6;
	[dreg:$0x5] =	wrdreg s2  }
0xf: {  	s24 =	sadd.s32 $0x180, s10;
	s0 =	simm.s32 $0x4;
	[dreg:$0x6] =	wrdreg s20  }
0x10: {  	s2 =	sshrl.u32 s19, $0x3;
	s22 =	sand.u32 $0x1838400, s6;
	[dreg:$0x8] =	wrdreg s24  }
0x11: {  	s6 =	sand.u32 $0x300000, s23;
	s20 =	simm.s32 $0x400;
	s23 =	simm.s32 $0x1000  }
0x12: {  	s24 =	simm.s32 $0x40000;
	s21 =	sadd.s32 s5, s2;
	s2 =	sshrl.u32 s22, $0x3  }
0x13: {  	s13 =	sadd.s32 s5, s6;
	s2 =	sadd.s32 s5, s2;
	[dreg:$0x7] =	wrdreg s21  }
0x14: {  	v1 =	vlaneseq.u32;
	s22 =	simm.s32 $0x1;
	s25 =	sadd.s32 $0xF00, s21;
	[dreg:$0x9] =	wrdreg s2  }
0x15: {  	v0 =	vimm.f32 $0.0e+00;
	v2 =	vshrl.u32 v1, $0x3;
	v1 =	vand.u32 $0x7, v1;
	s26 =	sadd.s32 $0xF80, s21;
	s21 =	simm.s32 $0x800;
	[dreg:$0xa] =	wrdreg s25  }
0x16: {  	v3 =	vimm.f32 $1.000000000e+00;
	v2 =	vmul.u32 $0x8, v2;
	v4 =	vor.u32 $0x200, v1;
	[dreg:$0xb] =	wrdreg s26;
	s25 =	simm.s32 $0xC00;
	s26 =	simm.s32 $0x2  }
.LBB2_1:
0x17: {  	s2 =	simm.s32 $0x0;
	s7 =	simm.s32 $0x1000  }
.LBB2_2:
0x18: {  	p0 =	sne.s32 s7, $0x1F000;
	[tilespmem:s2+$0x13F0] =	vst v0  }
0x19: {  	[tilespmem:s2+$0x1000] =	vst v0  }
0x1a: {  	[tilespmem:s2+$0x1200] =	vst v0  }
0x1b: {  	[tilespmem:s2+$0x1010] =	vst v0  }
0x1c: {  	[tilespmem:s2+$0x1210] =	vst v0  }
0x1d: {  	[tilespmem:s2+$0x1020] =	vst v0  }
0x1e: {  	[tilespmem:s2+$0x1220] =	vst v0  }
0x1f: {  	[tilespmem:s2+$0x1030] =	vst v0  }
0x20: {  	[tilespmem:s2+$0x1230] =	vst v0  }
0x21: {  	[tilespmem:s2+$0x1040] =	vst v0  }
0x22: {  	[tilespmem:s2+$0x1240] =	vst v0  }
0x23: {  	[tilespmem:s2+$0x1050] =	vst v0  }
0x24: {  	[tilespmem:s2+$0x1250] =	vst v0  }
0x25: {  	[tilespmem:s2+$0x1060] =	vst v0  }
0x26: {  	[tilespmem:s2+$0x1260] =	vst v0  }
0x27: {  	[tilespmem:s2+$0x1070] =	vst v0  }
0x28: {  	[tilespmem:s2+$0x1270] =	vst v0  }
0x29: {  	[tilespmem:s2+$0x1080] =	vst v0  }
0x2a: {  	[tilespmem:s2+$0x1280] =	vst v0  }
0x2b: {  	[tilespmem:s2+$0x1090] =	vst v0  }
0x2c: {  	[tilespmem:s2+$0x1290] =	vst v0  }
0x2d: {  	[tilespmem:s2+$0x10A0] =	vst v0  }
0x2e: {  	[tilespmem:s2+$0x12A0] =	vst v0  }
0x2f: {  	[tilespmem:s2+$0x10B0] =	vst v0  }
0x30: {  	[tilespmem:s2+$0x12B0] =	vst v0  }
0x31: {  	[tilespmem:s2+$0x10C0] =	vst v0  }
0x32: {  	[tilespmem:s2+$0x12C0] =	vst v0  }
0x33: {  	[tilespmem:s2+$0x10D0] =	vst v0  }
0x34: {  	[tilespmem:s2+$0x12D0] =	vst v0  }
0x35: {  	[tilespmem:s2+$0x10E0] =	vst v0  }
0x36: {  	[tilespmem:s2+$0x12E0] =	vst v0  }
0x37: {  	[tilespmem:s2+$0x10F0] =	vst v0  }
0x38: {  	[tilespmem:s2+$0x12F0] =	vst v0  }
0x39: {  	[tilespmem:s2+$0x1100] =	vst v0  }
0x3a: {  	[tilespmem:s2+$0x1300] =	vst v0  }
0x3b: {  	[tilespmem:s2+$0x1110] =	vst v0  }
0x3c: {  	[tilespmem:s2+$0x1310] =	vst v0  }
0x3d: {  	[tilespmem:s2+$0x1120] =	vst v0  }
0x3e: {  	[tilespmem:s2+$0x1320] =	vst v0  }
0x3f: {  	[tilespmem:s2+$0x1130] =	vst v0  }
0x40: {  	[tilespmem:s2+$0x1330] =	vst v0  }
0x41: {  	[tilespmem:s2+$0x1140] =	vst v0  }
0x42: {  	[tilespmem:s2+$0x1340] =	vst v0  }
0x43: {  	[tilespmem:s2+$0x1150] =	vst v0  }
0x44: {  	[tilespmem:s2+$0x1350] =	vst v0  }
0x45: {  	[tilespmem:s2+$0x1160] =	vst v0  }
0x46: {  	[tilespmem:s2+$0x1360] =	vst v0  }
0x47: {  	[tilespmem:s2+$0x1170] =	vst v0  }
0x48: {  	[tilespmem:s2+$0x1370] =	vst v0  }
0x49: {  	[tilespmem:s2+$0x1180] =	vst v0  }
0x4a: {  	[tilespmem:s2+$0x1380] =	vst v0  }
0x4b: {  	[tilespmem:s2+$0x1190] =	vst v0  }
0x4c: {  	[tilespmem:s2+$0x1390] =	vst v0  }
0x4d: {  	[tilespmem:s2+$0x11A0] =	vst v0  }
0x4e: {  	[tilespmem:s2+$0x13A0] =	vst v0  }
0x4f: {  	[tilespmem:s2+$0x11B0] =	vst v0  }
0x50: {  	[tilespmem:s2+$0x13B0] =	vst v0  }
0x51: {  	[tilespmem:s2+$0x11C0] =	vst v0  }
0x52: {  	[tilespmem:s2+$0x13C0] =	vst v0  }
.Ltmp0:
0x53: {  	[tilespmem:s2+$0x11D0] =	vst v0;
	(pc) =	sbr.rel @p0 .LBB2_2-.Ltmp0, $4  }
0x54: {  	[tilespmem:s2+$0x13D0] =	vst v0  }
0x55: {  	[tilespmem:s2+$0x11E0] =	vst v0  }
0x56: {  	[tilespmem:s2+$0x13E0] =	vst v0  }
0x57: {  	[tilespmem:s2+$0x11F0] =	vst v0;
	s2 =	sshra.s32 s7, $0x2;
	s7 =	sadd.s32 $0x1000, s7  }
0x58: {  	[tilespmem:s2+$0x13F0] =	vst v0  }
0x59: {  	[tilespmem:s2+$0x1000] =	vst v0  }
0x5a: {  	[tilespmem:s2+$0x1200] =	vst v0  }
0x5b: {  	[tilespmem:s2+$0x1010] =	vst v0  }
0x5c: {  	[tilespmem:s2+$0x1210] =	vst v0  }
0x5d: {  	[tilespmem:s2+$0x1020] =	vst v0  }
0x5e: {  	[tilespmem:s2+$0x1220] =	vst v0  }
0x5f: {  	[tilespmem:s2+$0x1030] =	vst v0  }
0x60: {  	[tilespmem:s2+$0x1230] =	vst v0  }
0x61: {  	[tilespmem:s2+$0x1040] =	vst v0  }
0x62: {  	[tilespmem:s2+$0x1240] =	vst v0  }
0x63: {  	[tilespmem:s2+$0x1050] =	vst v0  }
0x64: {  	[tilespmem:s2+$0x1250] =	vst v0  }
0x65: {  	[tilespmem:s2+$0x1060] =	vst v0  }
0x66: {  	[tilespmem:s2+$0x1260] =	vst v0  }
0x67: {  	[tilespmem:s2+$0x1070] =	vst v0  }
0x68: {  	[tilespmem:s2+$0x1270] =	vst v0  }
0x69: {  	[tilespmem:s2+$0x1080] =	vst v0  }
0x6a: {  	[tilespmem:s2+$0x1280] =	vst v0  }
0x6b: {  	[tilespmem:s2+$0x1090] =	vst v0  }
0x6c: {  	[tilespmem:s2+$0x1290] =	vst v0  }
0x6d: {  	[tilespmem:s2+$0x10A0] =	vst v0  }
0x6e: {  	[tilespmem:s2+$0x12A0] =	vst v0  }
0x6f: {  	[tilespmem:s2+$0x10B0] =	vst v0  }
0x70: {  	[tilespmem:s2+$0x12B0] =	vst v0  }
0x71: {  	[tilespmem:s2+$0x10C0] =	vst v0  }
0x72: {  	[tilespmem:s2+$0x12C0] =	vst v0  }
0x73: {  	[tilespmem:s2+$0x10D0] =	vst v0  }
0x74: {  	[tilespmem:s2+$0x12D0] =	vst v0  }
0x75: {  	[tilespmem:s2+$0x10E0] =	vst v0  }
0x76: {  	[tilespmem:s2+$0x12E0] =	vst v0  }
0x77: {  	[tilespmem:s2+$0x10F0] =	vst v0  }
0x78: {  	[tilespmem:s2+$0x12F0] =	vst v0  }
0x79: {  	[tilespmem:s2+$0x1100] =	vst v0  }
0x7a: {  	[tilespmem:s2+$0x1300] =	vst v0  }
0x7b: {  	[tilespmem:s2+$0x1110] =	vst v0  }
0x7c: {  	[tilespmem:s2+$0x1310] =	vst v0  }
0x7d: {  	[tilespmem:s2+$0x1120] =	vst v0  }
0x7e: {  	[tilespmem:s2+$0x1320] =	vst v0  }
0x7f: {  	[tilespmem:s2+$0x1130] =	vst v0  }
0x80: {  	[tilespmem:s2+$0x1330] =	vst v0  }
0x81: {  	[tilespmem:s2+$0x1140] =	vst v0  }
0x82: {  	[tilespmem:s2+$0x1340] =	vst v0  }
0x83: {  	[tilespmem:s2+$0x1150] =	vst v0  }
0x84: {  	[tilespmem:s2+$0x1350] =	vst v0  }
0x85: {  	[tilespmem:s2+$0x1160] =	vst v0  }
0x86: {  	[tilespmem:s2+$0x1360] =	vst v0  }
0x87: {  	[tilespmem:s2+$0x1170] =	vst v0  }
0x88: {  	[tilespmem:s2+$0x1370] =	vst v0  }
0x89: {  	[tilespmem:s2+$0x1180] =	vst v0  }
0x8a: {  	[tilespmem:s2+$0x1380] =	vst v0  }
0x8b: {  	[tilespmem:s2+$0x1190] =	vst v0  }
0x8c: {  	[tilespmem:s2+$0x1390] =	vst v0  }
0x8d: {  	[tilespmem:s2+$0x11A0] =	vst v0  }
0x8e: {  	[tilespmem:s2+$0x13A0] =	vst v0  }
0x8f: {  	[tilespmem:s2+$0x11B0] =	vst v0  }
0x90: {  	[tilespmem:s2+$0x13B0] =	vst v0  }
0x91: {  	[tilespmem:s2+$0x11C0] =	vst v0  }
0x92: {  	[tilespmem:s2+$0x13C0] =	vst v0  }
0x93: {  	[tilespmem:s2+$0x11D0] =	vst v0  }
0x94: {  	[tilespmem:s2+$0x13D0] =	vst v0  }
0x95: {  	[tilespmem:s2+$0x11E0] =	vst v0  }
0x96: {  	[tilespmem:s2+$0x13E0] =	vst v0  }
0x97: {  	[tilespmem:s2+$0x11F0] =	vst v0;
	s2 =	simm.s32 $0x0;
	s7 =	simm.s32 $0x1000  }
.LBB2_4:
0x98: {  	p0 =	sne.s32 s7, $0x1F000;
	[tilespmem:s2+$0x93F0] =	vst v0  }
0x99: {  	[tilespmem:s2+$0x9000] =	vst v0  }
0x9a: {  	[tilespmem:s2+$0x9200] =	vst v0  }
0x9b: {  	[tilespmem:s2+$0x9010] =	vst v0  }
0x9c: {  	[tilespmem:s2+$0x9210] =	vst v0  }
0x9d: {  	[tilespmem:s2+$0x9020] =	vst v0  }
0x9e: {  	[tilespmem:s2+$0x9220] =	vst v0  }
0x9f: {  	[tilespmem:s2+$0x9030] =	vst v0  }
0xa0: {  	[tilespmem:s2+$0x9230] =	vst v0  }
0xa1: {  	[tilespmem:s2+$0x9040] =	vst v0  }
0xa2: {  	[tilespmem:s2+$0x9240] =	vst v0  }
0xa3: {  	[tilespmem:s2+$0x9050] =	vst v0  }
0xa4: {  	[tilespmem:s2+$0x9250] =	vst v0  }
0xa5: {  	[tilespmem:s2+$0x9060] =	vst v0  }
0xa6: {  	[tilespmem:s2+$0x9260] =	vst v0  }
0xa7: {  	[tilespmem:s2+$0x9070] =	vst v0  }
0xa8: {  	[tilespmem:s2+$0x9270] =	vst v0  }
0xa9: {  	[tilespmem:s2+$0x9080] =	vst v0  }
0xaa: {  	[tilespmem:s2+$0x9280] =	vst v0  }
0xab: {  	[tilespmem:s2+$0x9090] =	vst v0  }
0xac: {  	[tilespmem:s2+$0x9290] =	vst v0  }
0xad: {  	[tilespmem:s2+$0x90A0] =	vst v0  }
0xae: {  	[tilespmem:s2+$0x92A0] =	vst v0  }
0xaf: {  	[tilespmem:s2+$0x90B0] =	vst v0  }
0xb0: {  	[tilespmem:s2+$0x92B0] =	vst v0  }
0xb1: {  	[tilespmem:s2+$0x90C0] =	vst v0  }
0xb2: {  	[tilespmem:s2+$0x92C0] =	vst v0  }
0xb3: {  	[tilespmem:s2+$0x90D0] =	vst v0  }
0xb4: {  	[tilespmem:s2+$0x92D0] =	vst v0  }
0xb5: {  	[tilespmem:s2+$0x90E0] =	vst v0  }
0xb6: {  	[tilespmem:s2+$0x92E0] =	vst v0  }
0xb7: {  	[tilespmem:s2+$0x90F0] =	vst v0  }
0xb8: {  	[tilespmem:s2+$0x92F0] =	vst v0  }
0xb9: {  	[tilespmem:s2+$0x9100] =	vst v0  }
0xba: {  	[tilespmem:s2+$0x9300] =	vst v0  }
0xbb: {  	[tilespmem:s2+$0x9110] =	vst v0  }
0xbc: {  	[tilespmem:s2+$0x9310] =	vst v0  }
0xbd: {  	[tilespmem:s2+$0x9120] =	vst v0  }
0xbe: {  	[tilespmem:s2+$0x9320] =	vst v0  }
0xbf: {  	[tilespmem:s2+$0x9130] =	vst v0  }
0xc0: {  	[tilespmem:s2+$0x9330] =	vst v0  }
0xc1: {  	[tilespmem:s2+$0x9140] =	vst v0  }
0xc2: {  	[tilespmem:s2+$0x9340] =	vst v0  }
0xc3: {  	[tilespmem:s2+$0x9150] =	vst v0  }
0xc4: {  	[tilespmem:s2+$0x9350] =	vst v0  }
0xc5: {  	[tilespmem:s2+$0x9160] =	vst v0  }
0xc6: {  	[tilespmem:s2+$0x9360] =	vst v0  }
0xc7: {  	[tilespmem:s2+$0x9170] =	vst v0  }
0xc8: {  	[tilespmem:s2+$0x9370] =	vst v0  }
0xc9: {  	[tilespmem:s2+$0x9180] =	vst v0  }
0xca: {  	[tilespmem:s2+$0x9380] =	vst v0  }
0xcb: {  	[tilespmem:s2+$0x9190] =	vst v0  }
0xcc: {  	[tilespmem:s2+$0x9390] =	vst v0  }
0xcd: {  	[tilespmem:s2+$0x91A0] =	vst v0  }
0xce: {  	[tilespmem:s2+$0x93A0] =	vst v0  }
0xcf: {  	[tilespmem:s2+$0x91B0] =	vst v0  }
0xd0: {  	[tilespmem:s2+$0x93B0] =	vst v0  }
0xd1: {  	[tilespmem:s2+$0x91C0] =	vst v0  }
0xd2: {  	[tilespmem:s2+$0x93C0] =	vst v0  }
.Ltmp1:
0xd3: {  	[tilespmem:s2+$0x91D0] =	vst v0;
	(pc) =	sbr.rel @p0 .LBB2_4-.Ltmp1, $4  }
0xd4: {  	[tilespmem:s2+$0x93D0] =	vst v0  }
0xd5: {  	[tilespmem:s2+$0x91E0] =	vst v0  }
0xd6: {  	[tilespmem:s2+$0x93E0] =	vst v0  }
0xd7: {  	[tilespmem:s2+$0x91F0] =	vst v0;
	s2 =	sshra.s32 s7, $0x2;
	s7 =	sadd.s32 $0x1000, s7  }
0xd8: {  	[tilespmem:s2+$0x93F0] =	vst v0  }
0xd9: {  	[tilespmem:s2+$0x9000] =	vst v0  }
0xda: {  	[tilespmem:s2+$0x9200] =	vst v0  }
0xdb: {  	[tilespmem:s2+$0x9010] =	vst v0  }
0xdc: {  	[tilespmem:s2+$0x9210] =	vst v0  }
0xdd: {  	[tilespmem:s2+$0x9020] =	vst v0  }
0xde: {  	[tilespmem:s2+$0x9220] =	vst v0  }
0xdf: {  	[tilespmem:s2+$0x9030] =	vst v0  }
0xe0: {  	[tilespmem:s2+$0x9230] =	vst v0  }
0xe1: {  	[tilespmem:s2+$0x9040] =	vst v0  }
0xe2: {  	[tilespmem:s2+$0x9240] =	vst v0  }
0xe3: {  	[tilespmem:s2+$0x9050] =	vst v0  }
0xe4: {  	[tilespmem:s2+$0x9250] =	vst v0  }
0xe5: {  	[tilespmem:s2+$0x9060] =	vst v0  }
0xe6: {  	[tilespmem:s2+$0x9260] =	vst v0  }
0xe7: {  	[tilespmem:s2+$0x9070] =	vst v0  }
0xe8: {  	[tilespmem:s2+$0x9270] =	vst v0  }
0xe9: {  	[tilespmem:s2+$0x9080] =	vst v0  }
0xea: {  	[tilespmem:s2+$0x9280] =	vst v0  }
0xeb: {  	[tilespmem:s2+$0x9090] =	vst v0  }
0xec: {  	[tilespmem:s2+$0x9290] =	vst v0  }
0xed: {  	[tilespmem:s2+$0x90A0] =	vst v0  }
0xee: {  	[tilespmem:s2+$0x92A0] =	vst v0  }
0xef: {  	[tilespmem:s2+$0x90B0] =	vst v0  }
0xf0: {  	[tilespmem:s2+$0x92B0] =	vst v0  }
0xf1: {  	[tilespmem:s2+$0x90C0] =	vst v0  }
0xf2: {  	[tilespmem:s2+$0x92C0] =	vst v0  }
0xf3: {  	[tilespmem:s2+$0x90D0] =	vst v0  }
0xf4: {  	[tilespmem:s2+$0x92D0] =	vst v0  }
0xf5: {  	[tilespmem:s2+$0x90E0] =	vst v0  }
0xf6: {  	[tilespmem:s2+$0x92E0] =	vst v0  }
0xf7: {  	[tilespmem:s2+$0x90F0] =	vst v0  }
0xf8: {  	[tilespmem:s2+$0x92F0] =	vst v0  }
0xf9: {  	[tilespmem:s2+$0x9100] =	vst v0  }
0xfa: {  	[tilespmem:s2+$0x9300] =	vst v0  }
0xfb: {  	[tilespmem:s2+$0x9110] =	vst v0  }
0xfc: {  	[tilespmem:s2+$0x9310] =	vst v0  }
0xfd: {  	[tilespmem:s2+$0x9120] =	vst v0  }
0xfe: {  	[tilespmem:s2+$0x9320] =	vst v0  }
0xff: {  	[tilespmem:s2+$0x9130] =	vst v0  }
0x100: {  	[tilespmem:s2+$0x9330] =	vst v0  }
0x101: {  	[tilespmem:s2+$0x9140] =	vst v0  }
0x102: {  	[tilespmem:s2+$0x9340] =	vst v0  }
0x103: {  	[tilespmem:s2+$0x9150] =	vst v0  }
0x104: {  	[tilespmem:s2+$0x9350] =	vst v0  }
0x105: {  	[tilespmem:s2+$0x9160] =	vst v0  }
0x106: {  	[tilespmem:s2+$0x9360] =	vst v0  }
0x107: {  	[tilespmem:s2+$0x9170] =	vst v0  }
0x108: {  	[tilespmem:s2+$0x9370] =	vst v0  }
0x109: {  	[tilespmem:s2+$0x9180] =	vst v0  }
0x10a: {  	[tilespmem:s2+$0x9380] =	vst v0  }
0x10b: {  	[tilespmem:s2+$0x9190] =	vst v0  }
0x10c: {  	[tilespmem:s2+$0x9390] =	vst v0  }
0x10d: {  	[tilespmem:s2+$0x91A0] =	vst v0  }
0x10e: {  	[tilespmem:s2+$0x93A0] =	vst v0  }
0x10f: {  	[tilespmem:s2+$0x91B0] =	vst v0  }
0x110: {  	[tilespmem:s2+$0x93B0] =	vst v0  }
0x111: {  	[tilespmem:s2+$0x91C0] =	vst v0  }
0x112: {  	[tilespmem:s2+$0x93C0] =	vst v0  }
0x113: {  	[tilespmem:s2+$0x91D0] =	vst v0  }
0x114: {  	[tilespmem:s2+$0x93D0] =	vst v0  }
0x115: {  	[tilespmem:s2+$0x91E0] =	vst v0  }
0x116: {  	[tilespmem:s2+$0x93E0] =	vst v0  }
0x117: {  	[tilespmem:s2+$0x91F0] =	vst v0;
	s2 =	simm.s32 $0x0;
	s3 =	rddreg [dreg:$0x4]  }
0x118: {  	[tilespmem:s2], [sflag:$0x1] =	stream.linear.gather [hbm4b:s3+s2], $0x400, $0x38;
	[tilespmem:$0x11000] =	vst v63  }
0x119: {  	s18 =	rddreg [dreg:$0x5]  }
0x11a: {  	[tilespmem:s20], [sflag:$0x2] =	stream.linear.gather [hbm4b:s18+s2], $0x400, $0x38;
	[tilespmem:$0x11000] =	vst v63  }
0x11b: {  	s19 =	rddreg [dreg:$0x6]  }
0x11c: {  	[tilespmem:s21], [sflag:$0x3] =	stream.linear.gather [hbm4b:s19+s2], $0x400, $0x38;
	[tilespmem:$0x11000] =	vst v63  }
0x11d: {  	_ =	swait.ge [sflag:s22], $0x400  }
0x11e: {  	[sflag:s22] =	ssyncset.done $0x0  }
0x11f: {  	s7 =	simm.s32 $0xFFFFFFFC;
	s6 =	simm.s32 $0x200;
	[sflag:s22] =	ssyncadd.s32 $0xFFFFFC00  }
.LBB2_6:
0x120: {  	v5 =	vld [tilespmem:s6+$0xFFFFFE00];
	_ =	sdelay $0x4  }
0x121: {  	v6 =	vor.u32 s2, v2;
	v5 =	vshll.u32 v5, $0xA  }
0x122: {  	v5 =	vadd.s32 v6, v5  }
0x123: {  	v5 =	vor.u32 v1, v5;
	_ =	sdelay $0x4  }
0x124: {  	[tilespmem:v5+s23+$0x0] =	vst.idx.msk $0xffff, v3  }
0x125: {  	v5 =	vld [tilespmem:s6+$0x0];
	_ =	sdelay $0x4  }
0x126: {  	v5 =	vshll.u32 v5, $0xA  }
0x127: {  	v5 =	vadd.s32 v5, v6  }
0x128: {  	v5 =	vadd.s32 v4, v5;
	_ =	sdelay $0x4  }
0x129: {  	[tilespmem:v5+s23+$0x0] =	vst.idx.msk $0xffff, v3  }
0x12a: {  	v5 =	vld [tilespmem:s6+$0xFFFFFE10];
	_ =	sdelay $0x3  }
0x12b: {  	s8 =	sadd.s32 $0x10, s2  }
0x12c: {  	v6 =	vor.u32 s8, v2;
	v5 =	vshll.u32 v5, $0xA  }
0x12d: {  	v5 =	vadd.s32 v6, v5  }
0x12e: {  	v5 =	vor.u32 v1, v5;
	_ =	sdelay $0x4  }
0x12f: {  	[tilespmem:v5+s23+$0x0] =	vst.idx.msk $0xffff, v3  }
0x130: {  	v5 =	vld [tilespmem:s6+$0x10];
	_ =	sdelay $0x4  }
0x131: {  	v5 =	vshll.u32 v5, $0xA  }
0x132: {  	v5 =	vadd.s32 v5, v6  }
0x133: {  	v5 =	vadd.s32 v4, v5;
	_ =	sdelay $0x4  }
0x134: {  	[tilespmem:v5+s23+$0x0] =	vst.idx.msk $0xffff, v3  }
0x135: {  	v5 =	vld [tilespmem:s6+$0xFFFFFE20];
	_ =	sdelay $0x3  }
0x136: {  	s18 =	sadd.s32 $0x20, s2  }
0x137: {  	v6 =	vor.u32 s18, v2;
	v5 =	vshll.u32 v5, $0xA  }
0x138: {  	v5 =	vadd.s32 v6, v5  }
0x139: {  	v5 =	vor.u32 v1, v5;
	_ =	sdelay $0x4  }
0x13a: {  	[tilespmem:v5+s23+$0x0] =	vst.idx.msk $0xffff, v3  }
0x13b: {  	v5 =	vld [tilespmem:s6+$0x20];
	_ =	sdelay $0x4  }
0x13c: {  	v5 =	vshll.u32 v5, $0xA  }
0x13d: {  	v5 =	vadd.s32 v5, v6  }
0x13e: {  	v5 =	vadd.s32 v4, v5;
	_ =	sdelay $0x4  }
0x13f: {  	[tilespmem:v5+s23+$0x0] =	vst.idx.msk $0xffff, v3  }
0x140: {  	v5 =	vld [tilespmem:s6+$0xFFFFFE30];
	_ =	sdelay $0x3  }
0x141: {  	s19 =	sadd.s32 $0x30, s2  }
0x142: {  	v6 =	vor.u32 s19, v2;
	v5 =	vshll.u32 v5, $0xA  }
0x143: {  	v5 =	vadd.s32 v6, v5  }
0x144: {  	v5 =	vor.u32 v1, v5;
	_ =	sdelay $0x4  }
0x145: {  	[tilespmem:v5+s23+$0x0] =	vst.idx.msk $0xffff, v3  }
0x146: {  	v5 =	vld [tilespmem:s6+$0x30];
	_ =	sdelay $0x4  }
0x147: {  	v5 =	vshll.u32 v5, $0xA  }
0x148: {  	s7 =	sadd.s32 $0x4, s7;
	v5 =	vadd.s32 v5, v6  }
0x149: {  	p0 =	slt.u32 s7, $0x1C;
	v5 =	vadd.s32 v4, v5  }
.Ltmp2:
0x14a: {  	_ = 	snop;
	(pc) =	sbr.rel @p0 .LBB2_6-.Ltmp2, $2  }
0x14b: {  	_ =	sdelay $0x2  }
0x14c: {  	s2 =	sadd.s32 $0x40, s2;
	s6 =	sadd.s32 $0x40, s6;
	[tilespmem:v5+s23+$0x0] =	vst.idx.msk $0xffff, v3  }
0x14d: {  	[dreg:$0x3] =	wrdreg s9  }
0x14e: {  	s2 =	rddreg [dreg:$0x7]  }
0x14f: {  	[hbm4b:s2+s20] =	stream.strided.scatter [tilespmem:s23], [sflag:$0x5], $0x8000, s24, s20, $0x38;
	[tilespmem:$0x11000] =	vst v63  }
0x150: {  	s3 =	rddreg [dreg:$0x8];
	s2 =	simm.s32 $0x0  }
0x151: {  	[tilespmem:s25], [sflag:$0x4] =	stream.linear.gather [hbm4b:s3+s2], $0x400, $0x38;
	[tilespmem:$0x11000] =	vst v63  }
0x152: {  	_ =	swait.ge [sflag:s26], $0x400  }
0x153: {  	[sflag:s26] =	ssyncset.done $0x0  }
0x154: {  	s7 =	simm.s32 $0xFFFFFFFC;
	s6 =	simm.s32 $0x600;
	[sflag:s26] =	ssyncadd.s32 $0xFFFFFC00  }
.LBB2_8:
0x155: {  	v5 =	vld [tilespmem:s6+$0xFFFFFE00];
	_ =	sdelay $0x4  }
0x156: {  	v6 =	vor.u32 s2, v2;
	v5 =	vshll.u32 v5, $0xA  }
0x157: {  	v5 =	vadd.s32 v6, v5  }
0x158: {  	v5 =	vor.u32 v1, v5;
	_ =	sdelay $0x4  }
0x159: {  	[tilespmem:v5+s28+$0x0] =	vst.idx.msk $0xffff, v3  }
0x15a: {  	v5 =	vld [tilespmem:s6+$0x0];
	_ =	sdelay $0x4  }
0x15b: {  	v5 =	vshll.u32 v5, $0xA  }
0x15c: {  	v5 =	vadd.s32 v5, v6  }
0x15d: {  	v5 =	vadd.s32 v4, v5;
	_ =	sdelay $0x4  }
0x15e: {  	[tilespmem:v5+s28+$0x0] =	vst.idx.msk $0xffff, v3  }
0x15f: {  	v5 =	vld [tilespmem:s6+$0xFFFFFE10];
	_ =	sdelay $0x3  }
0x160: {  	s8 =	sadd.s32 $0x10, s2  }
0x161: {  	v6 =	vor.u32 s8, v2;
	v5 =	vshll.u32 v5, $0xA  }
0x162: {  	v5 =	vadd.s32 v6, v5  }
0x163: {  	v5 =	vor.u32 v1, v5;
	_ =	sdelay $0x4  }
0x164: {  	[tilespmem:v5+s28+$0x0] =	vst.idx.msk $0xffff, v3  }
0x165: {  	v5 =	vld [tilespmem:s6+$0x10];
	_ =	sdelay $0x4  }
0x166: {  	v5 =	vshll.u32 v5, $0xA  }
0x167: {  	v5 =	vadd.s32 v5, v6  }
0x168: {  	v5 =	vadd.s32 v4, v5;
	_ =	sdelay $0x4  }
0x169: {  	[tilespmem:v5+s28+$0x0] =	vst.idx.msk $0xffff, v3  }
0x16a: {  	v5 =	vld [tilespmem:s6+$0xFFFFFE20];
	_ =	sdelay $0x3  }
0x16b: {  	s18 =	sadd.s32 $0x20, s2  }
0x16c: {  	v6 =	vor.u32 s18, v2;
	v5 =	vshll.u32 v5, $0xA  }
0x16d: {  	v5 =	vadd.s32 v6, v5  }
0x16e: {  	v5 =	vor.u32 v1, v5;
	_ =	sdelay $0x4  }
0x16f: {  	[tilespmem:v5+s28+$0x0] =	vst.idx.msk $0xffff, v3  }
0x170: {  	v5 =	vld [tilespmem:s6+$0x20];
	_ =	sdelay $0x4  }
0x171: {  	v5 =	vshll.u32 v5, $0xA  }
0x172: {  	v5 =	vadd.s32 v5, v6  }
0x173: {  	v5 =	vadd.s32 v4, v5;
	_ =	sdelay $0x4  }
0x174: {  	[tilespmem:v5+s28+$0x0] =	vst.idx.msk $0xffff, v3  }
0x175: {  	v5 =	vld [tilespmem:s6+$0xFFFFFE30];
	_ =	sdelay $0x3  }
0x176: {  	s19 =	sadd.s32 $0x30, s2  }
0x177: {  	v6 =	vor.u32 s19, v2;
	v5 =	vshll.u32 v5, $0xA  }
0x178: {  	v5 =	vadd.s32 v6, v5  }
0x179: {  	v5 =	vor.u32 v1, v5;
	_ =	sdelay $0x4  }
0x17a: {  	[tilespmem:v5+s28+$0x0] =	vst.idx.msk $0xffff, v3  }
0x17b: {  	v5 =	vld [tilespmem:s6+$0x30];
	_ =	sdelay $0x4  }
0x17c: {  	v5 =	vshll.u32 v5, $0xA  }
0x17d: {  	s7 =	sadd.s32 $0x4, s7;
	v5 =	vadd.s32 v5, v6  }
0x17e: {  	p0 =	slt.u32 s7, $0x1C;
	v5 =	vadd.s32 v4, v5  }
.Ltmp3:
0x17f: {  	_ = 	snop;
	(pc) =	sbr.rel @p0 .LBB2_8-.Ltmp3, $2  }
0x180: {  	_ =	sdelay $0x2  }
0x181: {  	s2 =	sadd.s32 $0x40, s2;
	s6 =	sadd.s32 $0x40, s6;
	[tilespmem:v5+s28+$0x0] =	vst.idx.msk $0xffff, v3  }
0x182: {  	s2 =	rddreg [dreg:$0x9]  }
0x183: {  	[hbm4b:s2+s20] =	stream.strided.scatter [tilespmem:s28], [sflag:$0x6], $0x8000, s24, s20, $0x38;
	[tilespmem:$0x11000] =	vst v63  }
0x184: {  	s2 =	simm.s32 $0x0  }
.LBB2_10:
0x185: {  	_ =	swait.ge [sflag:s29], $0x8000  }
0x186: {  	s7 =	simm.s32 $0xFFFFFFFC;
	[sflag:s29] =	ssyncset.done $0x0  }
0x187: {  	s8 =	simm.s32 $0x200;
	s6 =	simm.s32 $0x0;
	[sflag:s29] =	ssyncadd.s32 $0xFFFF8000  }
.LBB2_11:
0x188: {  	v5 =	vld [tilespmem:s8+$0xFFFFFE00];
	_ =	sdelay $0x4  }
0x189: {  	v6 =	vor.u32 s6, v2;
	v5 =	vshll.u32 v5, $0xA  }
0x18a: {  	v5 =	vadd.s32 v6, v5  }
0x18b: {  	v5 =	vor.u32 v1, v5;
	_ =	sdelay $0x4  }
0x18c: {  	[tilespmem:v5+s23+$0x0] =	vst.idx.msk $0xffff, v0  }
0x18d: {  	v5 =	vld [tilespmem:s8+$0x0];
	_ =	sdelay $0x4  }
0x18e: {  	v5 =	vshll.u32 v5, $0xA  }
0x18f: {  	v5 =	vadd.s32 v5, v6  }
0x190: {  	v5 =	vadd.s32 v4, v5;
	_ =	sdelay $0x4  }
0x191: {  	[tilespmem:v5+s23+$0x0] =	vst.idx.msk $0xffff, v0  }
0x192: {  	v5 =	vld [tilespmem:s8+$0xFFFFFE10];
	_ =	sdelay $0x3  }
0x193: {  	s9 =	sadd.s32 $0x10, s6  }
0x194: {  	v6 =	vor.u32 s9, v2;
	v5 =	vshll.u32 v5, $0xA  }
0x195: {  	v5 =	vadd.s32 v6, v5  }
0x196: {  	v5 =	vor.u32 v1, v5;
	_ =	sdelay $0x4  }
0x197: {  	[tilespmem:v5+s23+$0x0] =	vst.idx.msk $0xffff, v0  }
0x198: {  	v5 =	vld [tilespmem:s8+$0x10];
	_ =	sdelay $0x4  }
0x199: {  	v5 =	vshll.u32 v5, $0xA  }
0x19a: {  	v5 =	vadd.s32 v5, v6  }
0x19b: {  	v5 =	vadd.s32 v4, v5;
	_ =	sdelay $0x4  }
0x19c: {  	[tilespmem:v5+s23+$0x0] =	vst.idx.msk $0xffff, v0  }
0x19d: {  	v5 =	vld [tilespmem:s8+$0xFFFFFE20];
	_ =	sdelay $0x3  }
0x19e: {  	s18 =	sadd.s32 $0x20, s6  }
0x19f: {  	v6 =	vor.u32 s18, v2;
	v5 =	vshll.u32 v5, $0xA  }
0x1a0: {  	v5 =	vadd.s32 v6, v5  }
0x1a1: {  	v5 =	vor.u32 v1, v5;
	_ =	sdelay $0x4  }
0x1a2: {  	[tilespmem:v5+s23+$0x0] =	vst.idx.msk $0xffff, v0  }
0x1a3: {  	v5 =	vld [tilespmem:s8+$0x20];
	_ =	sdelay $0x4  }
0x1a4: {  	v5 =	vshll.u32 v5, $0xA  }
0x1a5: {  	v5 =	vadd.s32 v5, v6  }
0x1a6: {  	v5 =	vadd.s32 v4, v5;
	_ =	sdelay $0x4  }
0x1a7: {  	[tilespmem:v5+s23+$0x0] =	vst.idx.msk $0xffff, v0  }
0x1a8: {  	v5 =	vld [tilespmem:s8+$0xFFFFFE30];
	_ =	sdelay $0x3  }
0x1a9: {  	s19 =	sadd.s32 $0x30, s6  }
0x1aa: {  	v6 =	vor.u32 s19, v2;
	v5 =	vshll.u32 v5, $0xA  }
0x1ab: {  	v5 =	vadd.s32 v6, v5  }
0x1ac: {  	v5 =	vor.u32 v1, v5;
	_ =	sdelay $0x4  }
0x1ad: {  	[tilespmem:v5+s23+$0x0] =	vst.idx.msk $0xffff, v0  }
0x1ae: {  	v5 =	vld [tilespmem:s8+$0x30];
	_ =	sdelay $0x4  }
0x1af: {  	v5 =	vshll.u32 v5, $0xA  }
0x1b0: {  	s7 =	sadd.s32 $0x4, s7;
	v5 =	vadd.s32 v5, v6  }
0x1b1: {  	p0 =	slt.u32 s7, $0x1C;
	v5 =	vadd.s32 v4, v5  }
.Ltmp4:
0x1b2: {  	_ = 	snop;
	(pc) =	sbr.rel @p0 .LBB2_11-.Ltmp4, $2  }
0x1b3: {  	_ =	sdelay $0x2  }
0x1b4: {  	s6 =	sadd.s32 $0x40, s6;
	s8 =	sadd.s32 $0x40, s8;
	[tilespmem:v5+s23+$0x0] =	vst.idx.msk $0xffff, v0  }
0x1b5: {  	s7 =	sshll.u32 s2, $0x3  }
0x1b6: {  	s8 =	sadd.s32 s7, s12  }
0x1b7: {  	s10 =	sshll.u32 s8, $0x6  }
0x1b8: {  	s11 =	simm.s32 $0x0;
	s6 =	sadd.s32 s1, s10  }
0x1b9: {  	[tilespmem:s11], [sflag:$0x1] =	stream.linear.gather [hbm4b:s6+s11], $0x400, $0x38;
	[tilespmem:$0x11000] =	vst v63  }
0x1ba: {  	_ =	swait.ge [sflag:s30], $0x400  }
0x1bb: {  	[sflag:s30] =	ssyncset.done $0x0  }
0x1bc: {  	s17 =	simm.s32 $0xFFFFFFFC;
	s6 =	simm.s32 $0xA00;
	[sflag:s30] =	ssyncadd.s32 $0xFFFFFC00  }
.LBB2_13:
0x1bd: {  	v5 =	vld [tilespmem:s6+$0xFFFFFE00];
	_ =	sdelay $0x4  }
0x1be: {  	v6 =	vor.u32 s11, v2;
	v5 =	vshll.u32 v5, $0xA  }
0x1bf: {  	v5 =	vadd.s32 v6, v5  }
0x1c0: {  	v5 =	vor.u32 v1, v5;
	_ =	sdelay $0x4  }
0x1c1: {  	[tilespmem:v5+s23+$0x0] =	vst.idx.msk $0xffff, v3  }
0x1c2: {  	v5 =	vld [tilespmem:s6+$0x0];
	_ =	sdelay $0x4  }
0x1c3: {  	v5 =	vshll.u32 v5, $0xA  }
0x1c4: {  	v5 =	vadd.s32 v5, v6  }
0x1c5: {  	v5 =	vadd.s32 v4, v5;
	_ =	sdelay $0x4  }
0x1c6: {  	[tilespmem:v5+s23+$0x0] =	vst.idx.msk $0xffff, v3  }
0x1c7: {  	v5 =	vld [tilespmem:s6+$0xFFFFFE10];
	_ =	sdelay $0x3  }
0x1c8: {  	s9 =	sadd.s32 $0x10, s11  }
0x1c9: {  	v6 =	vor.u32 s9, v2;
	v5 =	vshll.u32 v5, $0xA  }
0x1ca: {  	v5 =	vadd.s32 v6, v5  }
0x1cb: {  	v5 =	vor.u32 v1, v5;
	_ =	sdelay $0x4  }
0x1cc: {  	[tilespmem:v5+s23+$0x0] =	vst.idx.msk $0xffff, v3  }
0x1cd: {  	v5 =	vld [tilespmem:s6+$0x10];
	_ =	sdelay $0x4  }
0x1ce: {  	v5 =	vshll.u32 v5, $0xA  }
0x1cf: {  	v5 =	vadd.s32 v5, v6  }
0x1d0: {  	v5 =	vadd.s32 v4, v5;
	_ =	sdelay $0x4  }
0x1d1: {  	[tilespmem:v5+s23+$0x0] =	vst.idx.msk $0xffff, v3  }
0x1d2: {  	v5 =	vld [tilespmem:s6+$0xFFFFFE20];
	_ =	sdelay $0x3  }
0x1d3: {  	s18 =	sadd.s32 $0x20, s11  }
0x1d4: {  	v6 =	vor.u32 s18, v2;
	v5 =	vshll.u32 v5, $0xA  }
0x1d5: {  	v5 =	vadd.s32 v6, v5  }
0x1d6: {  	v5 =	vor.u32 v1, v5;
	_ =	sdelay $0x4  }
0x1d7: {  	[tilespmem:v5+s23+$0x0] =	vst.idx.msk $0xffff, v3  }
0x1d8: {  	v5 =	vld [tilespmem:s6+$0x20];
	_ =	sdelay $0x4  }
0x1d9: {  	v5 =	vshll.u32 v5, $0xA  }
0x1da: {  	v5 =	vadd.s32 v5, v6  }
0x1db: {  	v5 =	vadd.s32 v4, v5;
	_ =	sdelay $0x4  }
0x1dc: {  	[tilespmem:v5+s23+$0x0] =	vst.idx.msk $0xffff, v3  }
0x1dd: {  	v5 =	vld [tilespmem:s6+$0xFFFFFE30];
	_ =	sdelay $0x3  }
0x1de: {  	s19 =	sadd.s32 $0x30, s11  }
0x1df: {  	v6 =	vor.u32 s19, v2;
	v5 =	vshll.u32 v5, $0xA  }
0x1e0: {  	v5 =	vadd.s32 v6, v5  }
0x1e1: {  	v5 =	vor.u32 v1, v5;
	_ =	sdelay $0x4  }
0x1e2: {  	[tilespmem:v5+s23+$0x0] =	vst.idx.msk $0xffff, v3  }
0x1e3: {  	v5 =	vld [tilespmem:s6+$0x30];
	_ =	sdelay $0x4  }
0x1e4: {  	v5 =	vshll.u32 v5, $0xA  }
0x1e5: {  	s17 =	sadd.s32 $0x4, s17;
	v5 =	vadd.s32 v5, v6  }
0x1e6: {  	p0 =	slt.u32 s17, $0x1C;
	v5 =	vadd.s32 v4, v5  }
.Ltmp5:
0x1e7: {  	_ = 	snop;
	(pc) =	sbr.rel @p0 .LBB2_13-.Ltmp5, $2  }
0x1e8: {  	_ =	sdelay $0x2  }
0x1e9: {  	s11 =	sadd.s32 $0x40, s11;
	s6 =	sadd.s32 $0x40, s6;
	[tilespmem:v5+s23+$0x0] =	vst.idx.msk $0xffff, v3  }
0x1ea: {  	s6 =	sadd.s32 s7, s4  }
0x1eb: {  	s18 =	sshll.u32 s6, $0x6  }
0x1ec: {  	s6 =	sadd.s32 $0x100, s18  }
0x1ed: {  	s6 =	sand.u32 $0x7F00, s6  }
0x1ee: {  	s6 =	sadd.s32 s6, s13  }
0x1ef: {  	[hbm4b:s6+s20] =	stream.strided.scatter [tilespmem:s23], [sflag:$0x5], $0x8000, s24, s20, $0x38;
	[tilespmem:$0x11000] =	vst v63  }
0x1f0: {  	_ =	swait.ge [sflag:s31], $0x8000  }
0x1f1: {  	s11 =	simm.s32 $0xFFFFFFFC;
	[sflag:s31] =	ssyncset.done $0x0  }
0x1f2: {  	s17 =	simm.s32 $0x0;
	s6 =	simm.s32 $0x600;
	[sflag:s31] =	ssyncadd.s32 $0xFFFF8000  }
.LBB2_15:
0x1f3: {  	v5 =	vld [tilespmem:s6+$0xFFFFFE00];
	_ =	sdelay $0x4  }
0x1f4: {  	v6 =	vor.u32 s17, v2;
	v5 =	vshll.u32 v5, $0xA  }
0x1f5: {  	v5 =	vadd.s32 v6, v5  }
0x1f6: {  	v5 =	vor.u32 v1, v5;
	_ =	sdelay $0x4  }
0x1f7: {  	[tilespmem:v5+s28+$0x0] =	vst.idx.msk $0xffff, v0  }
0x1f8: {  	v5 =	vld [tilespmem:s6+$0x0];
	_ =	sdelay $0x4  }
0x1f9: {  	v5 =	vshll.u32 v5, $0xA  }
0x1fa: {  	v5 =	vadd.s32 v5, v6  }
0x1fb: {  	v5 =	vadd.s32 v4, v5;
	_ =	sdelay $0x4  }
0x1fc: {  	[tilespmem:v5+s28+$0x0] =	vst.idx.msk $0xffff, v0  }
0x1fd: {  	v5 =	vld [tilespmem:s6+$0xFFFFFE10];
	_ =	sdelay $0x3  }
0x1fe: {  	s9 =	sadd.s32 $0x10, s17  }
0x1ff: {  	v6 =	vor.u32 s9, v2;
	v5 =	vshll.u32 v5, $0xA  }
0x200: {  	v5 =	vadd.s32 v6, v5  }
0x201: {  	v5 =	vor.u32 v1, v5;
	_ =	sdelay $0x4  }
0x202: {  	[tilespmem:v5+s28+$0x0] =	vst.idx.msk $0xffff, v0  }
0x203: {  	v5 =	vld [tilespmem:s6+$0x10];
	_ =	sdelay $0x4  }
0x204: {  	v5 =	vshll.u32 v5, $0xA  }
0x205: {  	v5 =	vadd.s32 v5, v6  }
0x206: {  	v5 =	vadd.s32 v4, v5;
	_ =	sdelay $0x4  }
0x207: {  	[tilespmem:v5+s28+$0x0] =	vst.idx.msk $0xffff, v0  }
0x208: {  	v5 =	vld [tilespmem:s6+$0xFFFFFE20];
	_ =	sdelay $0x3  }
0x209: {  	s3 =	sadd.s32 $0x20, s17  }
0x20a: {  	v6 =	vor.u32 s3, v2;
	v5 =	vshll.u32 v5, $0xA  }
0x20b: {  	v5 =	vadd.s32 v6, v5  }
0x20c: {  	v5 =	vor.u32 v1, v5;
	_ =	sdelay $0x4  }
0x20d: {  	[tilespmem:v5+s28+$0x0] =	vst.idx.msk $0xffff, v0  }
0x20e: {  	v5 =	vld [tilespmem:s6+$0x20];
	_ =	sdelay $0x4  }
0x20f: {  	v5 =	vshll.u32 v5, $0xA  }
0x210: {  	v5 =	vadd.s32 v5, v6  }
0x211: {  	v5 =	vadd.s32 v4, v5;
	_ =	sdelay $0x4  }
0x212: {  	[tilespmem:v5+s28+$0x0] =	vst.idx.msk $0xffff, v0  }
0x213: {  	v5 =	vld [tilespmem:s6+$0xFFFFFE30];
	_ =	sdelay $0x3  }
0x214: {  	s19 =	sadd.s32 $0x30, s17  }
0x215: {  	v6 =	vor.u32 s19, v2;
	v5 =	vshll.u32 v5, $0xA  }
0x216: {  	v5 =	vadd.s32 v6, v5  }
0x217: {  	v5 =	vor.u32 v1, v5;
	_ =	sdelay $0x4  }
0x218: {  	[tilespmem:v5+s28+$0x0] =	vst.idx.msk $0xffff, v0  }
0x219: {  	v5 =	vld [tilespmem:s6+$0x30];
	_ =	sdelay $0x4  }
0x21a: {  	v5 =	vshll.u32 v5, $0xA  }
0x21b: {  	s11 =	sadd.s32 $0x4, s11;
	v5 =	vadd.s32 v5, v6  }
0x21c: {  	p0 =	slt.u32 s11, $0x1C;
	v5 =	vadd.s32 v4, v5  }
.Ltmp6:
0x21d: {  	_ = 	snop;
	(pc) =	sbr.rel @p0 .LBB2_15-.Ltmp6, $2  }
0x21e: {  	_ =	sdelay $0x2  }
0x21f: {  	s17 =	sadd.s32 $0x40, s17;
	s6 =	sadd.s32 $0x40, s6;
	[tilespmem:v5+s28+$0x0] =	vst.idx.msk $0xffff, v0  }
0x220: {  	s11 =	sadd.s32 s7, s14  }
0x221: {  	s17 =	sshll.u32 s11, $0x6  }
0x222: {  	s19 =	simm.s32 $0x0;
	s6 =	sadd.s32 s1, s17  }
0x223: {  	[tilespmem:s20], [sflag:$0x2] =	stream.linear.gather [hbm4b:s6+s19], $0x400, $0x38;
	[tilespmem:$0x11000] =	vst v63  }
0x224: {  	_ =	swait.ge [sflag:s0], $0x400  }
0x225: {  	[sflag:s0] =	ssyncset.done $0x0  }
0x226: {  	s9 =	simm.s32 $0xE00;
	s6 =	simm.s32 $0xFFFFFFFC;
	[sflag:s0] =	ssyncadd.s32 $0xFFFFFC00  }
.LBB2_17:
0x227: {  	v5 =	vld [tilespmem:s9+$0xFFFFFE00];
	_ =	sdelay $0x4  }
0x228: {  	v6 =	vor.u32 s19, v2;
	v5 =	vshll.u32 v5, $0xA  }
0x229: {  	v5 =	vadd.s32 v6, v5  }
0x22a: {  	v5 =	vor.u32 v1, v5;
	_ =	sdelay $0x4  }
0x22b: {  	[tilespmem:v5+s28+$0x0] =	vst.idx.msk $0xffff, v3  }
0x22c: {  	v5 =	vld [tilespmem:s9+$0x0];
	_ =	sdelay $0x4  }
0x22d: {  	v5 =	vshll.u32 v5, $0xA  }
0x22e: {  	v5 =	vadd.s32 v5, v6  }
0x22f: {  	v5 =	vadd.s32 v4, v5;
	_ =	sdelay $0x4  }
0x230: {  	[tilespmem:v5+s28+$0x0] =	vst.idx.msk $0xffff, v3  }
0x231: {  	v5 =	vld [tilespmem:s9+$0xFFFFFE10];
	_ =	sdelay $0x3  }
0x232: {  	s3 =	sadd.s32 $0x10, s19  }
0x233: {  	v6 =	vor.u32 s3, v2;
	v5 =	vshll.u32 v5, $0xA  }
0x234: {  	v5 =	vadd.s32 v6, v5  }
0x235: {  	v5 =	vor.u32 v1, v5;
	_ =	sdelay $0x4  }
0x236: {  	[tilespmem:v5+s28+$0x0] =	vst.idx.msk $0xffff, v3  }
0x237: {  	v5 =	vld [tilespmem:s9+$0x10];
	_ =	sdelay $0x4  }
0x238: {  	v5 =	vshll.u32 v5, $0xA  }
0x239: {  	v5 =	vadd.s32 v5, v6  }
0x23a: {  	v5 =	vadd.s32 v4, v5;
	_ =	sdelay $0x4  }
0x23b: {  	[tilespmem:v5+s28+$0x0] =	vst.idx.msk $0xffff, v3  }
0x23c: {  	v5 =	vld [tilespmem:s9+$0xFFFFFE20];
	_ =	sdelay $0x3  }
0x23d: {  	s3 =	sadd.s32 $0x20, s19  }
0x23e: {  	v6 =	vor.u32 s3, v2;
	v5 =	vshll.u32 v5, $0xA  }
0x23f: {  	v5 =	vadd.s32 v6, v5  }
0x240: {  	v5 =	vor.u32 v1, v5;
	_ =	sdelay $0x4  }
0x241: {  	[tilespmem:v5+s28+$0x0] =	vst.idx.msk $0xffff, v3  }
0x242: {  	v5 =	vld [tilespmem:s9+$0x20];
	_ =	sdelay $0x4  }
0x243: {  	v5 =	vshll.u32 v5, $0xA  }
0x244: {  	v5 =	vadd.s32 v5, v6  }
0x245: {  	v5 =	vadd.s32 v4, v5;
	_ =	sdelay $0x4  }
0x246: {  	[tilespmem:v5+s28+$0x0] =	vst.idx.msk $0xffff, v3  }
0x247: {  	v5 =	vld [tilespmem:s9+$0xFFFFFE30];
	_ =	sdelay $0x3  }
0x248: {  	s3 =	sadd.s32 $0x30, s19  }
0x249: {  	v6 =	vor.u32 s3, v2;
	v5 =	vshll.u32 v5, $0xA  }
0x24a: {  	v5 =	vadd.s32 v6, v5  }
0x24b: {  	v5 =	vor.u32 v1, v5;
	_ =	sdelay $0x4  }
0x24c: {  	[tilespmem:v5+s28+$0x0] =	vst.idx.msk $0xffff, v3  }
0x24d: {  	v5 =	vld [tilespmem:s9+$0x30];
	_ =	sdelay $0x4  }
0x24e: {  	v5 =	vshll.u32 v5, $0xA  }
0x24f: {  	s6 =	sadd.s32 $0x4, s6;
	v5 =	vadd.s32 v5, v6  }
0x250: {  	p0 =	slt.u32 s6, $0x1C;
	v5 =	vadd.s32 v4, v5  }
.Ltmp7:
0x251: {  	_ = 	snop;
	(pc) =	sbr.rel @p0 .LBB2_17-.Ltmp7, $2  }
0x252: {  	_ =	sdelay $0x2  }
0x253: {  	s19 =	sadd.s32 $0x40, s19;
	s9 =	sadd.s32 $0x40, s9;
	[tilespmem:v5+s28+$0x0] =	vst.idx.msk $0xffff, v3  }
0x254: {  	s3 =	sadd.s32 $0x180, s18  }
0x255: {  	s3 =	sand.u32 $0x7F80, s3  }
0x256: {  	s3 =	sadd.s32 s3, s13  }
0x257: {  	[hbm4b:s3+s20] =	stream.strided.scatter [tilespmem:s28], [sflag:$0x6], $0x8000, s24, s20, $0x38;
	[tilespmem:$0x11000] =	vst v63  }
0x258: {  	_ =	swait.ge [sflag:s29], $0x8000  }
0x259: {  	s18 =	simm.s32 $0xFFFFFFFC;
	[sflag:s29] =	ssyncset.done $0x0  }
0x25a: {  	s6 =	simm.s32 $0x0;
	s9 =	simm.s32 $0xA00;
	[sflag:s29] =	ssyncadd.s32 $0xFFFF8000  }
.LBB2_19:
0x25b: {  	v5 =	vld [tilespmem:s9+$0xFFFFFE00];
	_ =	sdelay $0x4  }
0x25c: {  	v6 =	vor.u32 s6, v2;
	v5 =	vshll.u32 v5, $0xA  }
0x25d: {  	v5 =	vadd.s32 v6, v5  }
0x25e: {  	v5 =	vor.u32 v1, v5;
	_ =	sdelay $0x4  }
0x25f: {  	[tilespmem:v5+s23+$0x0] =	vst.idx.msk $0xffff, v0  }
0x260: {  	v5 =	vld [tilespmem:s9+$0x0];
	_ =	sdelay $0x4  }
0x261: {  	v5 =	vshll.u32 v5, $0xA  }
0x262: {  	v5 =	vadd.s32 v5, v6  }
0x263: {  	v5 =	vadd.s32 v4, v5;
	_ =	sdelay $0x4  }
0x264: {  	[tilespmem:v5+s23+$0x0] =	vst.idx.msk $0xffff, v0  }
0x265: {  	v5 =	vld [tilespmem:s9+$0xFFFFFE10];
	_ =	sdelay $0x3  }
0x266: {  	s3 =	sadd.s32 $0x10, s6  }
0x267: {  	v6 =	vor.u32 s3, v2;
	v5 =	vshll.u32 v5, $0xA  }
0x268: {  	v5 =	vadd.s32 v6, v5  }
0x269: {  	v5 =	vor.u32 v1, v5;
	_ =	sdelay $0x4  }
0x26a: {  	[tilespmem:v5+s23+$0x0] =	vst.idx.msk $0xffff, v0  }
0x26b: {  	v5 =	vld [tilespmem:s9+$0x10];
	_ =	sdelay $0x4  }
0x26c: {  	v5 =	vshll.u32 v5, $0xA  }
0x26d: {  	v5 =	vadd.s32 v5, v6  }
0x26e: {  	v5 =	vadd.s32 v4, v5;
	_ =	sdelay $0x4  }
0x26f: {  	[tilespmem:v5+s23+$0x0] =	vst.idx.msk $0xffff, v0  }
0x270: {  	v5 =	vld [tilespmem:s9+$0xFFFFFE20];
	_ =	sdelay $0x3  }
0x271: {  	s19 =	sadd.s32 $0x20, s6  }
0x272: {  	v6 =	vor.u32 s19, v2;
	v5 =	vshll.u32 v5, $0xA  }
0x273: {  	v5 =	vadd.s32 v6, v5  }
0x274: {  	v5 =	vor.u32 v1, v5;
	_ =	sdelay $0x4  }
0x275: {  	[tilespmem:v5+s23+$0x0] =	vst.idx.msk $0xffff, v0  }
0x276: {  	v5 =	vld [tilespmem:s9+$0x20];
	_ =	sdelay $0x4  }
0x277: {  	v5 =	vshll.u32 v5, $0xA  }
0x278: {  	v5 =	vadd.s32 v5, v6  }
0x279: {  	v5 =	vadd.s32 v4, v5;
	_ =	sdelay $0x4  }
0x27a: {  	[tilespmem:v5+s23+$0x0] =	vst.idx.msk $0xffff, v0  }
0x27b: {  	v5 =	vld [tilespmem:s9+$0xFFFFFE30];
	_ =	sdelay $0x3  }
0x27c: {  	s19 =	sadd.s32 $0x30, s6  }
0x27d: {  	v6 =	vor.u32 s19, v2;
	v5 =	vshll.u32 v5, $0xA  }
0x27e: {  	v5 =	vadd.s32 v6, v5  }
0x27f: {  	v5 =	vor.u32 v1, v5;
	_ =	sdelay $0x4  }
0x280: {  	[tilespmem:v5+s23+$0x0] =	vst.idx.msk $0xffff, v0  }
0x281: {  	v5 =	vld [tilespmem:s9+$0x30];
	_ =	sdelay $0x4  }
0x282: {  	v5 =	vshll.u32 v5, $0xA  }
0x283: {  	s18 =	sadd.s32 $0x4, s18;
	v5 =	vadd.s32 v5, v6  }
0x284: {  	p0 =	slt.u32 s18, $0x1C;
	v5 =	vadd.s32 v4, v5  }
.Ltmp8:
0x285: {  	_ = 	snop;
	(pc) =	sbr.rel @p0 .LBB2_19-.Ltmp8, $2  }
0x286: {  	_ =	sdelay $0x2  }
0x287: {  	s6 =	sadd.s32 $0x40, s6;
	s9 =	sadd.s32 $0x40, s9;
	[tilespmem:v5+s23+$0x0] =	vst.idx.msk $0xffff, v0  }
0x288: {  	s3 =	sadd.s32 s7, s15  }
0x289: {  	s3 =	sshll.u32 s3, $0x6  }
0x28a: {  	s18 =	simm.s32 $0x0;
	s3 =	sadd.s32 s1, s3  }
0x28b: {  	[tilespmem:s21], [sflag:$0x3] =	stream.linear.gather [hbm4b:s3+s18], $0x400, $0x38;
	[tilespmem:$0x11000] =	vst v63  }
0x28c: {  	_ =	swait.ge [sflag:s22], $0x400  }
0x28d: {  	[sflag:s22] =	ssyncset.done $0x0  }
0x28e: {  	s6 =	simm.s32 $0xFFFFFFFC;
	s9 =	simm.s32 $0x200;
	[sflag:s22] =	ssyncadd.s32 $0xFFFFFC00  }
.LBB2_21:
0x28f: {  	v5 =	vld [tilespmem:s9+$0xFFFFFE00];
	_ =	sdelay $0x4  }
0x290: {  	v6 =	vor.u32 s18, v2;
	v5 =	vshll.u32 v5, $0xA  }
0x291: {  	v5 =	vadd.s32 v6, v5  }
0x292: {  	v5 =	vor.u32 v1, v5;
	_ =	sdelay $0x4  }
0x293: {  	[tilespmem:v5+s23+$0x0] =	vst.idx.msk $0xffff, v3  }
0x294: {  	v5 =	vld [tilespmem:s9+$0x0];
	_ =	sdelay $0x4  }
0x295: {  	v5 =	vshll.u32 v5, $0xA  }
0x296: {  	v5 =	vadd.s32 v5, v6  }
0x297: {  	v5 =	vadd.s32 v4, v5;
	_ =	sdelay $0x4  }
0x298: {  	[tilespmem:v5+s23+$0x0] =	vst.idx.msk $0xffff, v3  }
0x299: {  	v5 =	vld [tilespmem:s9+$0xFFFFFE10];
	_ =	sdelay $0x3  }
0x29a: {  	s3 =	sadd.s32 $0x10, s18  }
0x29b: {  	v6 =	vor.u32 s3, v2;
	v5 =	vshll.u32 v5, $0xA  }
0x29c: {  	v5 =	vadd.s32 v6, v5  }
0x29d: {  	v5 =	vor.u32 v1, v5;
	_ =	sdelay $0x4  }
0x29e: {  	[tilespmem:v5+s23+$0x0] =	vst.idx.msk $0xffff, v3  }
0x29f: {  	v5 =	vld [tilespmem:s9+$0x10];
	_ =	sdelay $0x4  }
0x2a0: {  	v5 =	vshll.u32 v5, $0xA  }
0x2a1: {  	v5 =	vadd.s32 v5, v6  }
0x2a2: {  	v5 =	vadd.s32 v4, v5;
	_ =	sdelay $0x4  }
0x2a3: {  	[tilespmem:v5+s23+$0x0] =	vst.idx.msk $0xffff, v3  }
0x2a4: {  	v5 =	vld [tilespmem:s9+$0xFFFFFE20];
	_ =	sdelay $0x3  }
0x2a5: {  	s19 =	sadd.s32 $0x20, s18  }
0x2a6: {  	v6 =	vor.u32 s19, v2;
	v5 =	vshll.u32 v5, $0xA  }
0x2a7: {  	v5 =	vadd.s32 v6, v5  }
0x2a8: {  	v5 =	vor.u32 v1, v5;
	_ =	sdelay $0x4  }
0x2a9: {  	[tilespmem:v5+s23+$0x0] =	vst.idx.msk $0xffff, v3  }
0x2aa: {  	v5 =	vld [tilespmem:s9+$0x20];
	_ =	sdelay $0x4  }
0x2ab: {  	v5 =	vshll.u32 v5, $0xA  }
0x2ac: {  	v5 =	vadd.s32 v5, v6  }
0x2ad: {  	v5 =	vadd.s32 v4, v5;
	_ =	sdelay $0x4  }
0x2ae: {  	[tilespmem:v5+s23+$0x0] =	vst.idx.msk $0xffff, v3  }
0x2af: {  	v5 =	vld [tilespmem:s9+$0xFFFFFE30];
	_ =	sdelay $0x3  }
0x2b0: {  	s19 =	sadd.s32 $0x30, s18  }
0x2b1: {  	v6 =	vor.u32 s19, v2;
	v5 =	vshll.u32 v5, $0xA  }
0x2b2: {  	v5 =	vadd.s32 v6, v5  }
0x2b3: {  	v5 =	vor.u32 v1, v5;
	_ =	sdelay $0x4  }
0x2b4: {  	[tilespmem:v5+s23+$0x0] =	vst.idx.msk $0xffff, v3  }
0x2b5: {  	v5 =	vld [tilespmem:s9+$0x30];
	_ =	sdelay $0x4  }
0x2b6: {  	v5 =	vshll.u32 v5, $0xA  }
0x2b7: {  	s6 =	sadd.s32 $0x4, s6;
	v5 =	vadd.s32 v5, v6  }
0x2b8: {  	p0 =	slt.u32 s6, $0x1C;
	v5 =	vadd.s32 v4, v5  }
.Ltmp9:
0x2b9: {  	_ = 	snop;
	(pc) =	sbr.rel @p0 .LBB2_21-.Ltmp9, $2  }
0x2ba: {  	_ =	sdelay $0x2  }
0x2bb: {  	s18 =	sadd.s32 $0x40, s18;
	s9 =	sadd.s32 $0x40, s9;
	[tilespmem:v5+s23+$0x0] =	vst.idx.msk $0xffff, v3  }
0x2bc: {  	s3 =	sshll.u32 s8, $0xB;
	s6 =	sand.u32 $0x7E00, s10  }
0x2bd: {  	s3 =	sand.u32 $0x700000, s3;
	s6 =	sadd.s32 s5, s6  }
0x2be: {  	s3 =	sadd.s32 s3, s6  }
0x2bf: {  	[hbm4b:s3+s20] =	stream.strided.scatter [tilespmem:s23], [sflag:$0x5], $0x8000, s24, s20, $0x38;
	[tilespmem:$0x11000] =	vst v63  }
0x2c0: {  	_ =	swait.ge [sflag:s31], $0x8000  }
0x2c1: {  	s8 =	simm.s32 $0xFFFFFFFC;
	[sflag:s31] =	ssyncset.done $0x0  }
0x2c2: {  	s9 =	simm.s32 $0xE00;
	s6 =	simm.s32 $0x0;
	[sflag:s31] =	ssyncadd.s32 $0xFFFF8000  }
.LBB2_23:
0x2c3: {  	v5 =	vld [tilespmem:s9+$0xFFFFFE00];
	_ =	sdelay $0x4  }
0x2c4: {  	v6 =	vor.u32 s6, v2;
	v5 =	vshll.u32 v5, $0xA  }
0x2c5: {  	v5 =	vadd.s32 v6, v5  }
0x2c6: {  	v5 =	vor.u32 v1, v5;
	_ =	sdelay $0x4  }
0x2c7: {  	[tilespmem:v5+s28+$0x0] =	vst.idx.msk $0xffff, v0  }
0x2c8: {  	v5 =	vld [tilespmem:s9+$0x0];
	_ =	sdelay $0x4  }
0x2c9: {  	v5 =	vshll.u32 v5, $0xA  }
0x2ca: {  	v5 =	vadd.s32 v5, v6  }
0x2cb: {  	v5 =	vadd.s32 v4, v5;
	_ =	sdelay $0x4  }
0x2cc: {  	[tilespmem:v5+s28+$0x0] =	vst.idx.msk $0xffff, v0  }
0x2cd: {  	v5 =	vld [tilespmem:s9+$0xFFFFFE10];
	_ =	sdelay $0x3  }
0x2ce: {  	s3 =	sadd.s32 $0x10, s6  }
0x2cf: {  	v6 =	vor.u32 s3, v2;
	v5 =	vshll.u32 v5, $0xA  }
0x2d0: {  	v5 =	vadd.s32 v6, v5  }
0x2d1: {  	v5 =	vor.u32 v1, v5;
	_ =	sdelay $0x4  }
0x2d2: {  	[tilespmem:v5+s28+$0x0] =	vst.idx.msk $0xffff, v0  }
0x2d3: {  	v5 =	vld [tilespmem:s9+$0x10];
	_ =	sdelay $0x4  }
0x2d4: {  	v5 =	vshll.u32 v5, $0xA  }
0x2d5: {  	v5 =	vadd.s32 v5, v6  }
0x2d6: {  	v5 =	vadd.s32 v4, v5;
	_ =	sdelay $0x4  }
0x2d7: {  	[tilespmem:v5+s28+$0x0] =	vst.idx.msk $0xffff, v0  }
0x2d8: {  	v5 =	vld [tilespmem:s9+$0xFFFFFE20];
	_ =	sdelay $0x3  }
0x2d9: {  	s18 =	sadd.s32 $0x20, s6  }
0x2da: {  	v6 =	vor.u32 s18, v2;
	v5 =	vshll.u32 v5, $0xA  }
0x2db: {  	v5 =	vadd.s32 v6, v5  }
0x2dc: {  	v5 =	vor.u32 v1, v5;
	_ =	sdelay $0x4  }
0x2dd: {  	[tilespmem:v5+s28+$0x0] =	vst.idx.msk $0xffff, v0  }
0x2de: {  	v5 =	vld [tilespmem:s9+$0x20];
	_ =	sdelay $0x4  }
0x2df: {  	v5 =	vshll.u32 v5, $0xA  }
0x2e0: {  	v5 =	vadd.s32 v5, v6  }
0x2e1: {  	v5 =	vadd.s32 v4, v5;
	_ =	sdelay $0x4  }
0x2e2: {  	[tilespmem:v5+s28+$0x0] =	vst.idx.msk $0xffff, v0  }
0x2e3: {  	v5 =	vld [tilespmem:s9+$0xFFFFFE30];
	_ =	sdelay $0x3  }
0x2e4: {  	s19 =	sadd.s32 $0x30, s6  }
0x2e5: {  	v6 =	vor.u32 s19, v2;
	v5 =	vshll.u32 v5, $0xA  }
0x2e6: {  	v5 =	vadd.s32 v6, v5  }
0x2e7: {  	v5 =	vor.u32 v1, v5;
	_ =	sdelay $0x4  }
0x2e8: {  	[tilespmem:v5+s28+$0x0] =	vst.idx.msk $0xffff, v0  }
0x2e9: {  	v5 =	vld [tilespmem:s9+$0x30];
	_ =	sdelay $0x4  }
0x2ea: {  	v5 =	vshll.u32 v5, $0xA  }
0x2eb: {  	s8 =	sadd.s32 $0x4, s8;
	v5 =	vadd.s32 v5, v6  }
0x2ec: {  	p0 =	slt.u32 s8, $0x1C;
	v5 =	vadd.s32 v4, v5  }
.Ltmp10:
0x2ed: {  	_ = 	snop;
	(pc) =	sbr.rel @p0 .LBB2_23-.Ltmp10, $2  }
0x2ee: {  	_ =	sdelay $0x2  }
0x2ef: {  	s6 =	sadd.s32 $0x40, s6;
	s9 =	sadd.s32 $0x40, s9;
	[tilespmem:v5+s28+$0x0] =	vst.idx.msk $0xffff, v0  }
0x2f0: {  	s3 =	sadd.s32 s7, s16  }
0x2f1: {  	s3 =	sshll.u32 s3, $0x6  }
0x2f2: {  	s7 =	simm.s32 $0x0;
	s3 =	sadd.s32 s1, s3  }
0x2f3: {  	[tilespmem:s25], [sflag:$0x4] =	stream.linear.gather [hbm4b:s3+s7], $0x400, $0x38;
	[tilespmem:$0x11000] =	vst v63  }
0x2f4: {  	_ =	swait.ge [sflag:s26], $0x400  }
0x2f5: {  	[sflag:s26] =	ssyncset.done $0x0  }
0x2f6: {  	s6 =	simm.s32 $0xFFFFFFFC;
	s8 =	simm.s32 $0x600;
	[sflag:s26] =	ssyncadd.s32 $0xFFFFFC00  }
.LBB2_25:
0x2f7: {  	v5 =	vld [tilespmem:s8+$0xFFFFFE00];
	_ =	sdelay $0x4  }
0x2f8: {  	v6 =	vor.u32 s7, v2;
	v5 =	vshll.u32 v5, $0xA  }
0x2f9: {  	v5 =	vadd.s32 v6, v5  }
0x2fa: {  	v5 =	vor.u32 v1, v5;
	_ =	sdelay $0x4  }
0x2fb: {  	[tilespmem:v5+s28+$0x0] =	vst.idx.msk $0xffff, v3  }
0x2fc: {  	v5 =	vld [tilespmem:s8+$0x0];
	_ =	sdelay $0x4  }
0x2fd: {  	v5 =	vshll.u32 v5, $0xA  }
0x2fe: {  	v5 =	vadd.s32 v5, v6  }
0x2ff: {  	v5 =	vadd.s32 v4, v5;
	_ =	sdelay $0x4  }
0x300: {  	[tilespmem:v5+s28+$0x0] =	vst.idx.msk $0xffff, v3  }
0x301: {  	v5 =	vld [tilespmem:s8+$0xFFFFFE10];
	_ =	sdelay $0x3  }
0x302: {  	s3 =	sadd.s32 $0x10, s7  }
0x303: {  	v6 =	vor.u32 s3, v2;
	v5 =	vshll.u32 v5, $0xA  }
0x304: {  	v5 =	vadd.s32 v6, v5  }
0x305: {  	v5 =	vor.u32 v1, v5;
	_ =	sdelay $0x4  }
0x306: {  	[tilespmem:v5+s28+$0x0] =	vst.idx.msk $0xffff, v3  }
0x307: {  	v5 =	vld [tilespmem:s8+$0x10];
	_ =	sdelay $0x4  }
0x308: {  	v5 =	vshll.u32 v5, $0xA  }
0x309: {  	v5 =	vadd.s32 v5, v6  }
0x30a: {  	v5 =	vadd.s32 v4, v5;
	_ =	sdelay $0x4  }
0x30b: {  	[tilespmem:v5+s28+$0x0] =	vst.idx.msk $0xffff, v3  }
0x30c: {  	v5 =	vld [tilespmem:s8+$0xFFFFFE20];
	_ =	sdelay $0x3  }
0x30d: {  	s18 =	sadd.s32 $0x20, s7  }
0x30e: {  	v6 =	vor.u32 s18, v2;
	v5 =	vshll.u32 v5, $0xA  }
0x30f: {  	v5 =	vadd.s32 v6, v5  }
0x310: {  	v5 =	vor.u32 v1, v5;
	_ =	sdelay $0x4  }
0x311: {  	[tilespmem:v5+s28+$0x0] =	vst.idx.msk $0xffff, v3  }
0x312: {  	v5 =	vld [tilespmem:s8+$0x20];
	_ =	sdelay $0x4  }
0x313: {  	v5 =	vshll.u32 v5, $0xA  }
0x314: {  	v5 =	vadd.s32 v5, v6  }
0x315: {  	v5 =	vadd.s32 v4, v5;
	_ =	sdelay $0x4  }
0x316: {  	[tilespmem:v5+s28+$0x0] =	vst.idx.msk $0xffff, v3  }
0x317: {  	v5 =	vld [tilespmem:s8+$0xFFFFFE30];
	_ =	sdelay $0x3  }
0x318: {  	s19 =	sadd.s32 $0x30, s7  }
0x319: {  	v6 =	vor.u32 s19, v2;
	v5 =	vshll.u32 v5, $0xA  }
0x31a: {  	v5 =	vadd.s32 v6, v5  }
0x31b: {  	v5 =	vor.u32 v1, v5;
	_ =	sdelay $0x4  }
0x31c: {  	[tilespmem:v5+s28+$0x0] =	vst.idx.msk $0xffff, v3  }
0x31d: {  	v5 =	vld [tilespmem:s8+$0x30];
	_ =	sdelay $0x4  }
0x31e: {  	v5 =	vshll.u32 v5, $0xA  }
0x31f: {  	s6 =	sadd.s32 $0x4, s6;
	v5 =	vadd.s32 v5, v6  }
0x320: {  	p0 =	slt.u32 s6, $0x1C;
	v5 =	vadd.s32 v4, v5  }
.Ltmp11:
0x321: {  	_ = 	snop;
	(pc) =	sbr.rel @p0 .LBB2_25-.Ltmp11, $2  }
0x322: {  	_ =	sdelay $0x2  }
0x323: {  	s7 =	sadd.s32 $0x40, s7;
	s8 =	sadd.s32 $0x40, s8;
	[tilespmem:v5+s28+$0x0] =	vst.idx.msk $0xffff, v3  }
0x324: {  	s2 =	sadd.s32 $0x1, s2  }
0x325: {  	p0 =	sne.s32 s2, $0x7  }
.Ltmp12:
0x326: {  	_ = 	snop;
	(pc) =	sbr.rel @p0 .LBB2_10-.Ltmp12, $4  }
0x327: {  	s3 =	sshll.u32 s11, $0xB;
	s6 =	sand.u32 $0x7E80, s17  }
0x328: {  	s3 =	sand.u32 $0x700000, s3;
	s6 =	sadd.s32 s5, s6  }
0x329: {  	s3 =	sadd.s32 s3, s6  }
0x32a: {  	[hbm4b:s3+s20] =	stream.strided.scatter [tilespmem:s28], [sflag:$0x6], $0x8000, s24, s20, $0x38;
	[tilespmem:$0x11000] =	vst v63  }
0x32b: {  	_ =	swait.ge [sflag:s29], $0x8000  }
0x32c: {  	s2 =	simm.s32 $0xFFFFFFFC;
	[sflag:s29] =	ssyncset.done $0x0  }
0x32d: {  	s6 =	simm.s32 $0x0;
	s7 =	simm.s32 $0x200;
	[sflag:s29] =	ssyncadd.s32 $0xFFFF8000  }
.LBB2_28:
0x32e: {  	v5 =	vld [tilespmem:s7+$0xFFFFFE00];
	_ =	sdelay $0x4  }
0x32f: {  	v6 =	vor.u32 s6, v2;
	v5 =	vshll.u32 v5, $0xA  }
0x330: {  	v5 =	vadd.s32 v6, v5  }
0x331: {  	v5 =	vor.u32 v1, v5;
	_ =	sdelay $0x4  }
0x332: {  	[tilespmem:v5+s23+$0x0] =	vst.idx.msk $0xffff, v0  }
0x333: {  	v5 =	vld [tilespmem:s7+$0x0];
	_ =	sdelay $0x4  }
0x334: {  	v5 =	vshll.u32 v5, $0xA  }
0x335: {  	v5 =	vadd.s32 v5, v6  }
0x336: {  	v5 =	vadd.s32 v4, v5;
	_ =	sdelay $0x4  }
0x337: {  	[tilespmem:v5+s23+$0x0] =	vst.idx.msk $0xffff, v0  }
0x338: {  	v5 =	vld [tilespmem:s7+$0xFFFFFE10];
	_ =	sdelay $0x3  }
0x339: {  	s3 =	sadd.s32 $0x10, s6  }
0x33a: {  	v6 =	vor.u32 s3, v2;
	v5 =	vshll.u32 v5, $0xA  }
0x33b: {  	v5 =	vadd.s32 v6, v5  }
0x33c: {  	v5 =	vor.u32 v1, v5;
	_ =	sdelay $0x4  }
0x33d: {  	[tilespmem:v5+s23+$0x0] =	vst.idx.msk $0xffff, v0  }
0x33e: {  	v5 =	vld [tilespmem:s7+$0x10];
	_ =	sdelay $0x4  }
0x33f: {  	v5 =	vshll.u32 v5, $0xA  }
0x340: {  	v5 =	vadd.s32 v5, v6  }
0x341: {  	v5 =	vadd.s32 v4, v5;
	_ =	sdelay $0x4  }
0x342: {  	[tilespmem:v5+s23+$0x0] =	vst.idx.msk $0xffff, v0  }
0x343: {  	v5 =	vld [tilespmem:s7+$0xFFFFFE20];
	_ =	sdelay $0x3  }
0x344: {  	s18 =	sadd.s32 $0x20, s6  }
0x345: {  	v6 =	vor.u32 s18, v2;
	v5 =	vshll.u32 v5, $0xA  }
0x346: {  	v5 =	vadd.s32 v6, v5  }
0x347: {  	v5 =	vor.u32 v1, v5;
	_ =	sdelay $0x4  }
0x348: {  	[tilespmem:v5+s23+$0x0] =	vst.idx.msk $0xffff, v0  }
0x349: {  	v5 =	vld [tilespmem:s7+$0x20];
	_ =	sdelay $0x4  }
0x34a: {  	v5 =	vshll.u32 v5, $0xA  }
0x34b: {  	v5 =	vadd.s32 v5, v6  }
0x34c: {  	v5 =	vadd.s32 v4, v5;
	_ =	sdelay $0x4  }
0x34d: {  	[tilespmem:v5+s23+$0x0] =	vst.idx.msk $0xffff, v0  }
0x34e: {  	v5 =	vld [tilespmem:s7+$0xFFFFFE30];
	_ =	sdelay $0x3  }
0x34f: {  	s19 =	sadd.s32 $0x30, s6  }
0x350: {  	v6 =	vor.u32 s19, v2;
	v5 =	vshll.u32 v5, $0xA  }
0x351: {  	v5 =	vadd.s32 v6, v5  }
0x352: {  	v5 =	vor.u32 v1, v5;
	_ =	sdelay $0x4  }
0x353: {  	[tilespmem:v5+s23+$0x0] =	vst.idx.msk $0xffff, v0  }
0x354: {  	v5 =	vld [tilespmem:s7+$0x30];
	_ =	sdelay $0x4  }
0x355: {  	v5 =	vshll.u32 v5, $0xA  }
0x356: {  	s2 =	sadd.s32 $0x4, s2;
	v5 =	vadd.s32 v5, v6  }
0x357: {  	p0 =	slt.u32 s2, $0x1C;
	v5 =	vadd.s32 v4, v5  }
.Ltmp13:
0x358: {  	_ = 	snop;
	(pc) =	sbr.rel @p0 .LBB2_28-.Ltmp13, $2  }
0x359: {  	_ =	sdelay $0x2  }
0x35a: {  	s6 =	sadd.s32 $0x40, s6;
	s7 =	sadd.s32 $0x40, s7;
	[tilespmem:v5+s23+$0x0] =	vst.idx.msk $0xffff, v0  }
0x35b: {  	_ =	swait.ge [sflag:s30], $0x400  }
0x35c: {  	s2 =	simm.s32 $0xFFFFFFFC;
	s6 =	simm.s32 $0x0;
	[sflag:s30] =	ssyncset.done $0x0  }
0x35d: {  	s7 =	simm.s32 $0xA00;
	s9 =	rddreg [dreg:$0x3];
	[sflag:s30] =	ssyncadd.s32 $0xFFFFFC00  }
.LBB2_30:
0x35e: {  	v5 =	vld [tilespmem:s7+$0xFFFFFE00];
	_ =	sdelay $0x4  }
0x35f: {  	v6 =	vor.u32 s6, v2;
	v5 =	vshll.u32 v5, $0xA  }
0x360: {  	v5 =	vadd.s32 v6, v5  }
0x361: {  	v5 =	vor.u32 v1, v5;
	_ =	sdelay $0x4  }
0x362: {  	[tilespmem:v5+s23+$0x0] =	vst.idx.msk $0xffff, v3  }
0x363: {  	v5 =	vld [tilespmem:s7+$0x0];
	_ =	sdelay $0x4  }
0x364: {  	v5 =	vshll.u32 v5, $0xA  }
0x365: {  	v5 =	vadd.s32 v5, v6  }
0x366: {  	v5 =	vadd.s32 v4, v5;
	_ =	sdelay $0x4  }
0x367: {  	[tilespmem:v5+s23+$0x0] =	vst.idx.msk $0xffff, v3  }
0x368: {  	v5 =	vld [tilespmem:s7+$0xFFFFFE10];
	_ =	sdelay $0x3  }
0x369: {  	s3 =	sadd.s32 $0x10, s6  }
0x36a: {  	v6 =	vor.u32 s3, v2;
	v5 =	vshll.u32 v5, $0xA  }
0x36b: {  	v5 =	vadd.s32 v6, v5  }
0x36c: {  	v5 =	vor.u32 v1, v5;
	_ =	sdelay $0x4  }
0x36d: {  	[tilespmem:v5+s23+$0x0] =	vst.idx.msk $0xffff, v3  }
0x36e: {  	v5 =	vld [tilespmem:s7+$0x10];
	_ =	sdelay $0x4  }
0x36f: {  	v5 =	vshll.u32 v5, $0xA  }
0x370: {  	v5 =	vadd.s32 v5, v6  }
0x371: {  	v5 =	vadd.s32 v4, v5;
	_ =	sdelay $0x4  }
0x372: {  	[tilespmem:v5+s23+$0x0] =	vst.idx.msk $0xffff, v3  }
0x373: {  	v5 =	vld [tilespmem:s7+$0xFFFFFE20];
	_ =	sdelay $0x3  }
0x374: {  	s18 =	sadd.s32 $0x20, s6  }
0x375: {  	v6 =	vor.u32 s18, v2;
	v5 =	vshll.u32 v5, $0xA  }
0x376: {  	v5 =	vadd.s32 v6, v5  }
0x377: {  	v5 =	vor.u32 v1, v5;
	_ =	sdelay $0x4  }
0x378: {  	[tilespmem:v5+s23+$0x0] =	vst.idx.msk $0xffff, v3  }
0x379: {  	v5 =	vld [tilespmem:s7+$0x20];
	_ =	sdelay $0x4  }
0x37a: {  	v5 =	vshll.u32 v5, $0xA  }
0x37b: {  	v5 =	vadd.s32 v5, v6  }
0x37c: {  	v5 =	vadd.s32 v4, v5;
	_ =	sdelay $0x4  }
0x37d: {  	[tilespmem:v5+s23+$0x0] =	vst.idx.msk $0xffff, v3  }
0x37e: {  	v5 =	vld [tilespmem:s7+$0xFFFFFE30];
	_ =	sdelay $0x3  }
0x37f: {  	s19 =	sadd.s32 $0x30, s6  }
0x380: {  	v6 =	vor.u32 s19, v2;
	v5 =	vshll.u32 v5, $0xA  }
0x381: {  	v5 =	vadd.s32 v6, v5  }
0x382: {  	v5 =	vor.u32 v1, v5;
	_ =	sdelay $0x4  }
0x383: {  	[tilespmem:v5+s23+$0x0] =	vst.idx.msk $0xffff, v3  }
0x384: {  	v5 =	vld [tilespmem:s7+$0x30];
	_ =	sdelay $0x4  }
0x385: {  	v5 =	vshll.u32 v5, $0xA  }
0x386: {  	s2 =	sadd.s32 $0x4, s2;
	v5 =	vadd.s32 v5, v6  }
0x387: {  	p0 =	slt.u32 s2, $0x1C;
	v5 =	vadd.s32 v4, v5  }
.Ltmp14:
0x388: {  	_ = 	snop;
	(pc) =	sbr.rel @p0 .LBB2_30-.Ltmp14, $2  }
0x389: {  	_ =	sdelay $0x2  }
0x38a: {  	s6 =	sadd.s32 $0x40, s6;
	s7 =	sadd.s32 $0x40, s7;
	[tilespmem:v5+s23+$0x0] =	vst.idx.msk $0xffff, v3  }
0x38b: {  	s2 =	rddreg [dreg:$0xa]  }
0x38c: {  	[hbm4b:s2+s20] =	stream.strided.scatter [tilespmem:s23], [sflag:$0x5], $0x8000, s24, s20, $0x38;
	[tilespmem:$0x11000] =	vst v63  }
0x38d: {  	_ =	swait.ge [sflag:s31], $0x8000  }
0x38e: {  	s6 =	simm.s32 $0x0;
	[sflag:s31] =	ssyncset.done $0x0  }
0x38f: {  	s7 =	simm.s32 $0x600;
	s2 =	simm.s32 $0xFFFFFFFC;
	[sflag:s31] =	ssyncadd.s32 $0xFFFF8000  }
.LBB2_32:
0x390: {  	v5 =	vld [tilespmem:s7+$0xFFFFFE00];
	_ =	sdelay $0x4  }
0x391: {  	v6 =	vor.u32 s6, v2;
	v5 =	vshll.u32 v5, $0xA  }
0x392: {  	v5 =	vadd.s32 v6, v5  }
0x393: {  	v5 =	vor.u32 v1, v5;
	_ =	sdelay $0x4  }
0x394: {  	[tilespmem:v5+s28+$0x0] =	vst.idx.msk $0xffff, v0  }
0x395: {  	v5 =	vld [tilespmem:s7+$0x0];
	_ =	sdelay $0x4  }
0x396: {  	v5 =	vshll.u32 v5, $0xA  }
0x397: {  	v5 =	vadd.s32 v5, v6  }
0x398: {  	v5 =	vadd.s32 v4, v5;
	_ =	sdelay $0x4  }
0x399: {  	[tilespmem:v5+s28+$0x0] =	vst.idx.msk $0xffff, v0  }
0x39a: {  	v5 =	vld [tilespmem:s7+$0xFFFFFE10];
	_ =	sdelay $0x3  }
0x39b: {  	s3 =	sadd.s32 $0x10, s6  }
0x39c: {  	v6 =	vor.u32 s3, v2;
	v5 =	vshll.u32 v5, $0xA  }
0x39d: {  	v5 =	vadd.s32 v6, v5  }
0x39e: {  	v5 =	vor.u32 v1, v5;
	_ =	sdelay $0x4  }
0x39f: {  	[tilespmem:v5+s28+$0x0] =	vst.idx.msk $0xffff, v0  }
0x3a0: {  	v5 =	vld [tilespmem:s7+$0x10];
	_ =	sdelay $0x4  }
0x3a1: {  	v5 =	vshll.u32 v5, $0xA  }
0x3a2: {  	v5 =	vadd.s32 v5, v6  }
0x3a3: {  	v5 =	vadd.s32 v4, v5;
	_ =	sdelay $0x4  }
0x3a4: {  	[tilespmem:v5+s28+$0x0] =	vst.idx.msk $0xffff, v0  }
0x3a5: {  	v5 =	vld [tilespmem:s7+$0xFFFFFE20];
	_ =	sdelay $0x3  }
0x3a6: {  	s18 =	sadd.s32 $0x20, s6  }
0x3a7: {  	v6 =	vor.u32 s18, v2;
	v5 =	vshll.u32 v5, $0xA  }
0x3a8: {  	v5 =	vadd.s32 v6, v5  }
0x3a9: {  	v5 =	vor.u32 v1, v5;
	_ =	sdelay $0x4  }
0x3aa: {  	[tilespmem:v5+s28+$0x0] =	vst.idx.msk $0xffff, v0  }
0x3ab: {  	v5 =	vld [tilespmem:s7+$0x20];
	_ =	sdelay $0x4  }
0x3ac: {  	v5 =	vshll.u32 v5, $0xA  }
0x3ad: {  	v5 =	vadd.s32 v5, v6  }
0x3ae: {  	v5 =	vadd.s32 v4, v5;
	_ =	sdelay $0x4  }
0x3af: {  	[tilespmem:v5+s28+$0x0] =	vst.idx.msk $0xffff, v0  }
0x3b0: {  	v5 =	vld [tilespmem:s7+$0xFFFFFE30];
	_ =	sdelay $0x3  }
0x3b1: {  	s19 =	sadd.s32 $0x30, s6  }
0x3b2: {  	v6 =	vor.u32 s19, v2;
	v5 =	vshll.u32 v5, $0xA  }
0x3b3: {  	v5 =	vadd.s32 v6, v5  }
0x3b4: {  	v5 =	vor.u32 v1, v5;
	_ =	sdelay $0x4  }
0x3b5: {  	[tilespmem:v5+s28+$0x0] =	vst.idx.msk $0xffff, v0  }
0x3b6: {  	v5 =	vld [tilespmem:s7+$0x30];
	_ =	sdelay $0x4  }
0x3b7: {  	v5 =	vshll.u32 v5, $0xA  }
0x3b8: {  	s2 =	sadd.s32 $0x4, s2;
	v5 =	vadd.s32 v5, v6  }
0x3b9: {  	p0 =	slt.u32 s2, $0x1C;
	v5 =	vadd.s32 v4, v5  }
.Ltmp15:
0x3ba: {  	_ = 	snop;
	(pc) =	sbr.rel @p0 .LBB2_32-.Ltmp15, $2  }
0x3bb: {  	_ =	sdelay $0x2  }
0x3bc: {  	s6 =	sadd.s32 $0x40, s6;
	s7 =	sadd.s32 $0x40, s7;
	[tilespmem:v5+s28+$0x0] =	vst.idx.msk $0xffff, v0  }
0x3bd: {  	_ =	swait.ge [sflag:s0], $0x400  }
0x3be: {  	s2 =	simm.s32 $0xFFFFFFFC;
	[sflag:s0] =	ssyncset.done $0x0  }
0x3bf: {  	s6 =	simm.s32 $0x0;
	s7 =	simm.s32 $0xE00;
	[sflag:s0] =	ssyncadd.s32 $0xFFFFFC00  }
.LBB2_34:
0x3c0: {  	v5 =	vld [tilespmem:s7+$0xFFFFFE00];
	_ =	sdelay $0x4  }
0x3c1: {  	v6 =	vor.u32 s6, v2;
	v5 =	vshll.u32 v5, $0xA  }
0x3c2: {  	v5 =	vadd.s32 v6, v5  }
0x3c3: {  	v5 =	vor.u32 v1, v5;
	_ =	sdelay $0x4  }
0x3c4: {  	[tilespmem:v5+s28+$0x0] =	vst.idx.msk $0xffff, v3  }
0x3c5: {  	v5 =	vld [tilespmem:s7+$0x0];
	_ =	sdelay $0x4  }
0x3c6: {  	v5 =	vshll.u32 v5, $0xA  }
0x3c7: {  	v5 =	vadd.s32 v5, v6  }
0x3c8: {  	v5 =	vadd.s32 v4, v5;
	_ =	sdelay $0x4  }
0x3c9: {  	[tilespmem:v5+s28+$0x0] =	vst.idx.msk $0xffff, v3  }
0x3ca: {  	v5 =	vld [tilespmem:s7+$0xFFFFFE10];
	_ =	sdelay $0x3  }
0x3cb: {  	s3 =	sadd.s32 $0x10, s6  }
0x3cc: {  	v6 =	vor.u32 s3, v2;
	v5 =	vshll.u32 v5, $0xA  }
0x3cd: {  	v5 =	vadd.s32 v6, v5  }
0x3ce: {  	v5 =	vor.u32 v1, v5;
	_ =	sdelay $0x4  }
0x3cf: {  	[tilespmem:v5+s28+$0x0] =	vst.idx.msk $0xffff, v3  }
0x3d0: {  	v5 =	vld [tilespmem:s7+$0x10];
	_ =	sdelay $0x4  }
0x3d1: {  	v5 =	vshll.u32 v5, $0xA  }
0x3d2: {  	v5 =	vadd.s32 v5, v6  }
0x3d3: {  	v5 =	vadd.s32 v4, v5;
	_ =	sdelay $0x4  }
0x3d4: {  	[tilespmem:v5+s28+$0x0] =	vst.idx.msk $0xffff, v3  }
0x3d5: {  	v5 =	vld [tilespmem:s7+$0xFFFFFE20];
	_ =	sdelay $0x3  }
0x3d6: {  	s18 =	sadd.s32 $0x20, s6  }
0x3d7: {  	v6 =	vor.u32 s18, v2;
	v5 =	vshll.u32 v5, $0xA  }
0x3d8: {  	v5 =	vadd.s32 v6, v5  }
0x3d9: {  	v5 =	vor.u32 v1, v5;
	_ =	sdelay $0x4  }
0x3da: {  	[tilespmem:v5+s28+$0x0] =	vst.idx.msk $0xffff, v3  }
0x3db: {  	v5 =	vld [tilespmem:s7+$0x20];
	_ =	sdelay $0x4  }
0x3dc: {  	v5 =	vshll.u32 v5, $0xA  }
0x3dd: {  	v5 =	vadd.s32 v5, v6  }
0x3de: {  	v5 =	vadd.s32 v4, v5;
	_ =	sdelay $0x4  }
0x3df: {  	[tilespmem:v5+s28+$0x0] =	vst.idx.msk $0xffff, v3  }
0x3e0: {  	v5 =	vld [tilespmem:s7+$0xFFFFFE30];
	_ =	sdelay $0x3  }
0x3e1: {  	s19 =	sadd.s32 $0x30, s6  }
0x3e2: {  	v6 =	vor.u32 s19, v2;
	v5 =	vshll.u32 v5, $0xA  }
0x3e3: {  	v5 =	vadd.s32 v6, v5  }
0x3e4: {  	v5 =	vor.u32 v1, v5;
	_ =	sdelay $0x4  }
0x3e5: {  	[tilespmem:v5+s28+$0x0] =	vst.idx.msk $0xffff, v3  }
0x3e6: {  	v5 =	vld [tilespmem:s7+$0x30];
	_ =	sdelay $0x4  }
0x3e7: {  	v5 =	vshll.u32 v5, $0xA  }
0x3e8: {  	s2 =	sadd.s32 $0x4, s2;
	v5 =	vadd.s32 v5, v6  }
0x3e9: {  	p0 =	slt.u32 s2, $0x1C;
	v5 =	vadd.s32 v4, v5  }
.Ltmp16:
0x3ea: {  	_ = 	snop;
	(pc) =	sbr.rel @p0 .LBB2_34-.Ltmp16, $2  }
0x3eb: {  	_ =	sdelay $0x2  }
0x3ec: {  	s6 =	sadd.s32 $0x40, s6;
	s7 =	sadd.s32 $0x40, s7;
	[tilespmem:v5+s28+$0x0] =	vst.idx.msk $0xffff, v3  }
0x3ed: {  	s2 =	rddreg [dreg:$0xb]  }
0x3ee: {  	[hbm4b:s2+s20] =	stream.strided.scatter [tilespmem:s28], [sflag:$0x6], $0x8000, s24, s20, $0x38;
	[tilespmem:$0x11000] =	vst v63  }
0x3ef: {  	_ =	swait.ge [sflag:s29], $0x8000  }
0x3f0: {  	[sflag:s29] =	ssyncset.done $0x0  }
0x3f1: {  	[sflag:s29] =	ssyncadd.s32 $0xFFFF8000  }
0x3f2: {  	_ =	swait.ge [sflag:s31], $0x8000  }
0x3f3: {  	s9 =	sadd.s32 $0x1, s9;
	s19 =	rddreg [dreg:$0xc]  }
0x3f4: {  	p0 =	sne.s32 s9, s19  }
.Ltmp17:
0x3f5: {  	_ = 	snop;
	(pc) =	sbr.rel @p0 .LBB2_1-.Ltmp17, $3  }
0x3f6: {  	_ =	sdelay $0x1  }
0x3f7: {  	[sflag:s31] =	ssyncset.done $0x0  }
0x3f8: {  	[sflag:s31] =	ssyncadd.s32 $0xFFFF8000  }
0x3f9: {  	_ =	sfence.sel $0x180000  }
0x3fa: {  	[bflag:$0x0] =	sbarrier.arrive $0xFFFF  }
0x3fb: {  	_ =	strace $0x90000047  }
0x3fc: {  	s0 =	stileid.u32;
	[bflag:$0x2] =	sbarrier.arrive $0xFFFF  }
0x3fd: {  	p0 =	sne.s32 s0, $0x0;
	s0 =	rddreg [dreg:$0x2]  }
0x3fe: {  	s0 =	sadd.s32 @!p0 $0x100000, s0  }
0x3ff: {  	[sflag:s0] =	ssyncadd.tile.s32 @!p0 $0x1;
	_ =	shalt  }
.Lfunc_end2:
_tile_overlayer_lowered:
.L_overlay_start_2:
0x400: {  	(tag) =	ssettag $0x2  }
0x401: {  	s0 =	rddreg [dreg:$0x0];
	s2 =	stileid.u32  }
0x402: {  	s1 =	rddreg [dreg:$0x1];
	p0 =	sne.s32 s2, $0x0  }
0x403: {  	s3 =	rddreg [dreg:$0x2];
	[bflag:$0x3] =	sbarrier.arrive $0xFFFF;
	s2 =	simm.s32 @!p0 $0x1C07  }
0x404: {  	[timem:s3], [sflag:s2] =	dma.local @!p0 [hbm:s0], s1  }
0x405: {  	s0 =	simm.s32 @!p0 $0x7  }
0x406: {  	_ =	swait.ge @!p0 [sflag:s0], s1  }
0x407: {  	s1 =	ssub.s32 @!p0 $0x0, s1;
	[sflag:s0] =	ssyncset.done @!p0 $0x0  }
0x408: {  	[sflag:s0] =	ssyncadd.s32 @!p0 s1  }
0x409: {  	[bflag:$0x3] =	sbarrier.arrive $0xFFFF  }
0x40a: {  	_ =	shalt  }

</sc_bundles>
